<compile_context>
chip_gen: v7x
topology: tpu7x:2x2x1
jax: 0.10.2.dev20260603
libtpu: 0.0.44.dev20260713+nightly
codegen_flags: <defaults>
</compile_context>

<pallas_src>
import functools

import jax
import jax.numpy as jnp
from jax import lax
from jax.experimental import pallas as pl
from jax.experimental.pallas import tpu as pltpu
from jax.experimental.pallas import tpu_sc as plsc

_N = 10000
_E = 320000
_D_IN = 128
_D_HID = 128
_D_OUT = 64

_NC = 2
_NS = 16
_NW = _NC * _NS
_EPW = _E // _NW
_CH = 80
_RPT = 624
_TAIL = _N - _NS * _RPT
_TOFF = _NS * _RPT

_BLK = 2000
_GRID = _N // _BLK



def _make_sc_agg(D, with_count):
  ch = _CH
  nbuf = 2 if with_count else 4
  nset = 4 if with_count else 8
  pf = nset - nbuf
  nchunk = _EPW // ch
  out_type = [jax.ShapeDtypeStruct((_NC, _N, D), jnp.float32)]
  scratch = (
      [pltpu.VMEM((ch,), jnp.int32)] * (2 * nset)
      + [pltpu.VMEM((ch, D), jnp.float32)] * nbuf
      + [pltpu.VMEM_SHARED((_N, D), jnp.float32)]
      + [pltpu.SemaphoreType.DMA] * (nset + 2 * nbuf)
  )
  if with_count:
    out_type.append(jax.ShapeDtypeStruct((_NW, 1, _N), jnp.float32))
    scratch.append(pltpu.VMEM((1, _N), jnp.float32))

  mesh = plsc.VectorSubcoreMesh(
      core_axis_name="c", subcore_axis_name="s",
      num_cores=_NC, num_subcores=_NS)

  def body(*refs):
    if with_count:
      (p_hbm, src_hbm, dst_hbm, z_hbm, zc_hbm, out_hbm, cnt_hbm) = refs[:7]
      rest = refs[7:]
      cnt = rest[-1]
      rest = rest[:-1]
    else:
      (p_hbm, src_hbm, dst_hbm, z_hbm, out_hbm) = refs[:5]
      rest = refs[5:]
    idx_refs = rest[:2 * nset]
    row_refs = rest[2 * nset:2 * nset + nbuf]
    acc = rest[2 * nset + nbuf]
    sems = rest[2 * nset + nbuf + 1:]
    isems = sems[:nset]
    gsems = sems[nset:nset + nbuf]
    ssems = sems[nset + nbuf:]
    sets = [(idx_refs[2 * k], idx_refs[2 * k + 1], isems[k])
            for k in range(nset)]
    bufs = [(row_refs[b], gsems[b], ssems[b]) for b in range(nbuf)]

    cid = lax.axis_index("c")
    sid = lax.axis_index("s")
    wid = cid * _NS + sid
    row0 = sid * _RPT

    if with_count:
      pltpu.sync_copy(zc_hbm, cnt)
    pltpu.sync_copy(z_hbm, acc.at[pl.ds(row0, _RPT)])

    @pl.when(sid == 0)
    def _zero_tail():
      pltpu.sync_copy(z_hbm.at[pl.ds(0, _TAIL)], acc.at[pl.ds(_TOFF, _TAIL)])

    plsc.subcore_barrier()

    def _idx(i, st):
      si, di, sem = st
      base = pl.multiple_of(wid * _EPW + i * ch, 8)
      pltpu.async_copy(src_hbm.at[pl.ds(base, ch)], si, sem)
      pltpu.async_copy(dst_hbm.at[pl.ds(base, ch)], di, sem)

    def _iwait(st):
      si, di, sem = st
      pltpu.make_async_copy(src_hbm.at[pl.ds(0, ch)], si, sem).wait()
      pltpu.make_async_copy(src_hbm.at[pl.ds(0, ch)], di, sem).wait()

    def _gather(st, bf):
      pltpu.async_copy(p_hbm.at[st[0]], bf[0], bf[1])

    def _gwait(st, bf):
      pltpu.make_async_copy(p_hbm.at[st[0]], bf[0], bf[1]).wait()

    def _scatter(st, bf):
      pltpu.make_async_copy(bf[0], acc.at[st[1]], bf[2]).start(add=True)

    def _swait(st, bf):
      pltpu.make_async_copy(bf[0], acc.at[st[1]], bf[2]).wait()

    def _counts(st):
      if with_count:
        zero16 = jnp.zeros((16,), jnp.int32)
        one16 = jnp.ones((16,), jnp.float32)
        for g in range(ch // 16):
          iv = st[1][pl.ds(g * 16, 16)]
          plsc.addupdate_scatter(cnt, [zero16, iv], one16)
        rem = ch % 16
        if rem:
          iv = st[1][pl.ds(ch - 16, 16)]
          msk = lax.iota(jnp.int32, 16) >= (16 - rem)
          plsc.addupdate_scatter(cnt, [zero16, iv], one16, mask=msk)

    def _when(pred, fn):
      if isinstance(pred, bool):
        if pred:
          fn()
      else:
        pl.when(pred)(fn)

    def slot(c, i):
      st, bf = sets[i], bufs[i % nbuf]
      pst, pbf = sets[(i - 1) % nset], bufs[(i - 1) % nbuf]

      _when(c >= nbuf, lambda: _swait(st, bf))
      _when(c + pf < nchunk, lambda: _idx(c + pf, sets[(i + pf) % nset]))
      _iwait(st)
      _gather(st, bf)
      _counts(st)

      def _finish_prev():
        _gwait(pst, pbf)
        _scatter(pst, pbf)
      _when(c >= 1, _finish_prev)

    for i in range(pf):
      _idx(i, sets[i])

    nmain = (nchunk // nset) * nset

    def step(k, carry):
      for i in range(nset):
        slot(k * nset + i, i)
      return carry

    lax.fori_loop(0, nchunk // nset, step, 0)
    for c in range(nmain, nchunk):
      slot(c, c % nset)

    last = nchunk - 1
    _gwait(sets[last % nset], bufs[last % nbuf])
    _scatter(sets[last % nset], bufs[last % nbuf])
    for b in range(nbuf):
      _swait(sets[0], bufs[b])
    plsc.subcore_barrier()

    pltpu.sync_copy(acc.at[pl.ds(row0, _RPT)],
                    out_hbm.at[cid, pl.ds(row0, _RPT)])
    if with_count:
      pltpu.sync_copy(cnt, cnt_hbm.at[wid])

    @pl.when(sid == 0)
    def _write_tail():
      pltpu.sync_copy(acc.at[pl.ds(_TOFF, _TAIL)],
                      out_hbm.at[cid, pl.ds(_TOFF, _TAIL)])

  kw = {}
  if with_count:
    kw["compiler_params"] = pltpu.CompilerParams(needs_layout_passes=False)
  return functools.partial(
      pl.kernel,
      out_type=out_type if with_count else out_type[0],
      mesh=mesh,
      scratch_types=scratch,
      **kw,
  )(body)


@functools.lru_cache(maxsize=None)
def _sc_agg(D, with_count):
  return _make_sc_agg(D, with_count)



def _tc1_body(x_ref, wl_ref, wr_ref, bl_ref, p_ref, r_ref):
  xv = x_ref[...]
  p_ref[...] = lax.dot_general(xv, wl_ref[...], (((1,), (1,)), ((), ())),
                               preferred_element_type=jnp.float32)
  r_ref[...] = lax.dot_general(xv, wr_ref[...], (((1,), (1,)), ((), ())),
                               preferred_element_type=jnp.float32) + bl_ref[...]


_tc1 = pl.pallas_call(
    _tc1_body,
    grid=(_GRID,),
    in_specs=[
        pl.BlockSpec((_BLK, _D_IN), lambda i: (i, 0)),
        pl.BlockSpec((_D_HID, _D_IN), lambda i: (0, 0)),
        pl.BlockSpec((_D_HID, _D_IN), lambda i: (0, 0)),
        pl.BlockSpec((1, _D_HID), lambda i: (0, 0)),
    ],
    out_specs=[
        pl.BlockSpec((_BLK, _D_HID), lambda i: (i, 0)),
        pl.BlockSpec((_BLK, _D_HID), lambda i: (i, 0)),
    ],
    out_shape=[
        jax.ShapeDtypeStruct((_N, _D_HID), jnp.float32),
        jax.ShapeDtypeStruct((_N, _D_HID), jnp.float32),
    ],
)


def _inv_bcast(cnt):
  total = jnp.sum(cnt, axis=0, keepdims=True)
  inv = 1.0 / jnp.maximum(total, 1.0)
  ones = jnp.ones((1, _D_HID), jnp.float32)
  return lax.dot_general(inv, ones, (((0,), (0,)), ((), ())),
                         preferred_element_type=jnp.float32)


def _tc2_body(agg_ref, cnt_ref, r1_ref, h_ref):
  invb = _inv_bcast(cnt_ref[...])
  mean = (agg_ref[0] + agg_ref[1]) * invb
  h_ref[...] = jnp.maximum(mean + r1_ref[...], 0.0)


_tc2 = pl.pallas_call(
    _tc2_body,
    in_specs=[
        pl.BlockSpec((_NC, _N, _D_HID), lambda: (0, 0, 0)),
        pl.BlockSpec((_NW, _N), lambda: (0, 0)),
        pl.BlockSpec((_N, _D_HID), lambda: (0, 0)),
    ],
    out_specs=pl.BlockSpec((_N, _D_HID), lambda: (0, 0)),
    out_shape=jax.ShapeDtypeStruct((_N, _D_HID), jnp.float32),
)


def _tc3_body(agg_ref, cnt_ref, h_ref, wl_ref, wr_ref, bl_ref, out_ref):
  invb = _inv_bcast(cnt_ref[...])
  mean = (agg_ref[0] + agg_ref[1]) * invb
  out_ref[...] = (
      lax.dot_general(mean, wl_ref[...], (((1,), (1,)), ((), ())),
                      preferred_element_type=jnp.float32)
      + lax.dot_general(h_ref[...], wr_ref[...], (((1,), (1,)), ((), ())),
                        preferred_element_type=jnp.float32)
      + bl_ref[...])


_tc3 = pl.pallas_call(
    _tc3_body,
    in_specs=[
        pl.BlockSpec((_NC, _N, _D_HID), lambda: (0, 0, 0)),
        pl.BlockSpec((_NW, _N), lambda: (0, 0)),
        pl.BlockSpec((_N, _D_HID), lambda: (0, 0)),
        pl.BlockSpec((_D_OUT, _D_HID), lambda: (0, 0)),
        pl.BlockSpec((_D_OUT, _D_HID), lambda: (0, 0)),
        pl.BlockSpec((1, _D_OUT), lambda: (0, 0)),
    ],
    out_specs=pl.BlockSpec((_N, _D_OUT), lambda: (0, 0)),
    out_shape=jax.ShapeDtypeStruct((_N, _D_OUT), jnp.float32),
)



def kernel(x, edge_index, Wl1, bl1, Wr1, Wl2, bl2, Wr2):
  src = edge_index[0]
  dst = edge_index[1]

  z128 = jnp.zeros((_RPT, _D_HID), jnp.float32)
  zc = jnp.zeros((1, _N), jnp.float32)

  p1, r1 = _tc1(x, Wl1, Wr1, bl1.reshape(1, -1))
  agg1, cnt = _sc_agg(_D_HID, True)(p1, src, dst, z128, zc)
  cnt2 = cnt.reshape(_NW, _N)
  h = _tc2(agg1, cnt2, r1)
  agg2 = _sc_agg(_D_HID, False)(h, src, dst, z128)
  return _tc3(agg2, cnt2, h, Wl2, Wr2, bl2.reshape(1, -1))

# --- scband reference (transcript-rebuilt; emitter-appended) ---
"""Pipeline reference for scband-sage-sup-1168231104586 (READ-ONLY COPY).

The authoritative reference and input builder live on the scoring server;
editing this copy changes nothing except your own understanding.
"""

import jax, jax.numpy as jnp
import numpy as np

N = 10000
E = 320000
D_IN = 128
D_HID = 128
D_OUT = 64


def setup_inputs(seed: int = 0) -> dict:
    key = jax.random.key(seed)
    ks = jax.random.split(key, 9)
    x = jax.random.normal(ks[0], (N, D_IN), dtype=jnp.float32)
    edge_index = jax.random.randint(ks[1], (2, E), 0, N, dtype=jnp.int32)
    s1 = 1.0 / np.sqrt(D_IN)
    s2 = 1.0 / np.sqrt(D_HID)
    Wl1 = jax.random.uniform(ks[2], (D_HID, D_IN), jnp.float32, -s1, s1)
    Wr1 = jax.random.uniform(ks[3], (D_HID, D_IN), jnp.float32, -s1, s1)
    bl1 = jax.random.uniform(ks[4], (D_HID,), jnp.float32, -s1, s1)
    Wl2 = jax.random.uniform(ks[5], (D_OUT, D_HID), jnp.float32, -s2, s2)
    Wr2 = jax.random.uniform(ks[6], (D_OUT, D_HID), jnp.float32, -s2, s2)
    bl2 = jax.random.uniform(ks[7], (D_OUT,), jnp.float32, -s2, s2)
    return {"x": x, "edge_index": edge_index, "Wl1": Wl1, "bl1": bl1, "Wr1": Wr1,
            "Wl2": Wl2, "bl2": bl2, "Wr2": Wr2}


def _sage_conv(x, src, dst, Wl, bl, Wr):
    # PyG SAGEConv with mean aggregation:
    # out = lin_l(mean_{j in N(i)} x_j) + lin_r(x_i)
    msgs = jnp.take(x, src, axis=0)
    summed = jax.ops.segment_sum(msgs, dst, num_segments=N)
    cnt = jax.ops.segment_sum(jnp.ones((src.shape[0],), jnp.float32), dst, num_segments=N)
    mean = summed / jnp.maximum(cnt, 1.0)[:, None]
    return mean @ Wl.T + bl + x @ Wr.T


def reference(x, edge_index, Wl1, bl1, Wr1, Wl2, bl2, Wr2):
    src = edge_index[0]
    dst = edge_index[1]
    h = _sage_conv(x, src, dst, Wl1, bl1, Wr1)
    h = jax.nn.relu(h)
    # dropout p=0.5 is identity in eval mode
    out = _sage_conv(h, src, dst, Wl2, bl2, Wr2)
    # multi_class=True -> return raw logits
    return out

if __name__ == "__main__":
    import jax
    _d = setup_inputs()
    print(jax.jit(kernel)(*tuple(_d.values())))

</pallas_src>

<mosaic_0001>
#map = affine_map<(d0, d1) -> (0, 0)>
#map1 = affine_map<(d0, d1) -> (0)>
#map2 = affine_map<(d0, d1) -> (0, 0, 0)>
module attributes {stable_mosaic.version = 14 : i64} {
  func.func @body(%arg0: i32, %arg1: i32, %arg2: memref<10000x128xf32, #tpu.memory_space<hbm>>, %arg3: memref<320000xi32, #tpu.memory_space<hbm>>, %arg4: memref<320000xi32, #tpu.memory_space<hbm>>, %arg5: memref<624x128xf32, #tpu.memory_space<hbm>>, %arg6: memref<2x10000x128xf32, #tpu.memory_space<hbm>>, %arg7: memref<80xi32, #tpu.memory_space<vmem>>, %arg8: memref<80xi32, #tpu.memory_space<vmem>>, %arg9: memref<80xi32, #tpu.memory_space<vmem>>, %arg10: memref<80xi32, #tpu.memory_space<vmem>>, %arg11: memref<80xi32, #tpu.memory_space<vmem>>, %arg12: memref<80xi32, #tpu.memory_space<vmem>>, %arg13: memref<80xi32, #tpu.memory_space<vmem>>, %arg14: memref<80xi32, #tpu.memory_space<vmem>>, %arg15: memref<80xi32, #tpu.memory_space<vmem>>, %arg16: memref<80xi32, #tpu.memory_space<vmem>>, %arg17: memref<80xi32, #tpu.memory_space<vmem>>, %arg18: memref<80xi32, #tpu.memory_space<vmem>>, %arg19: memref<80xi32, #tpu.memory_space<vmem>>, %arg20: memref<80xi32, #tpu.memory_space<vmem>>, %arg21: memref<80xi32, #tpu.memory_space<vmem>>, %arg22: memref<80xi32, #tpu.memory_space<vmem>>, %arg23: memref<80x128xf32, #tpu.memory_space<vmem>>, %arg24: memref<80x128xf32, #tpu.memory_space<vmem>>, %arg25: memref<80x128xf32, #tpu.memory_space<vmem>>, %arg26: memref<80x128xf32, #tpu.memory_space<vmem>>, %arg27: memref<10000x128xf32, #tpu.memory_space<vmem_shared>>, %arg28: memref<!tpu.dma_semaphore, #tpu.memory_space<semaphore_mem>>, %arg29: memref<!tpu.dma_semaphore, #tpu.memory_space<semaphore_mem>>, %arg30: memref<!tpu.dma_semaphore, #tpu.memory_space<semaphore_mem>>, %arg31: memref<!tpu.dma_semaphore, #tpu.memory_space<semaphore_mem>>, %arg32: memref<!tpu.dma_semaphore, #tpu.memory_space<semaphore_mem>>, %arg33: memref<!tpu.dma_semaphore, #tpu.memory_space<semaphore_mem>>, %arg34: memref<!tpu.dma_semaphore, #tpu.memory_space<semaphore_mem>>, %arg35: memref<!tpu.dma_semaphore, #tpu.memory_space<semaphore_mem>>, %arg36: memref<!tpu.dma_semaphore, #tpu.memory_space<semaphore_mem>>, %arg37: memref<!tpu.dma_semaphore, #tpu.memory_space<semaphore_mem>>, %arg38: memref<!tpu.dma_semaphore, #tpu.memory_space<semaphore_mem>>, %arg39: memref<!tpu.dma_semaphore, #tpu.memory_space<semaphore_mem>>, %arg40: memref<!tpu.dma_semaphore, #tpu.memory_space<semaphore_mem>>, %arg41: memref<!tpu.dma_semaphore, #tpu.memory_space<semaphore_mem>>, %arg42: memref<!tpu.dma_semaphore, #tpu.memory_space<semaphore_mem>>, %arg43: memref<!tpu.dma_semaphore, #tpu.memory_space<semaphore_mem>>) attributes {dimension_semantics = [#tpu.dimension_semantics<core_parallel>, #tpu.dimension_semantics<subcore_parallel>], iteration_bounds = array<i64: 2, 16>, scalar_prefetch = 0 : i64, scratch_operands = 37 : i64, tpu.core_type = #tpu.core_type<sc_vector_subcore>, window_params = [{transform_indices = #map}, {transform_indices = #map1}, {transform_indices = #map1}, {transform_indices = #map}, {transform_indices = #map2}]} {
    %mul3A = arith.constant 16 : i32
    %mul3A_0 = arith.muli %arg0, %mul3A : i32
    %add3A = arith.addi %mul3A_0, %arg1 : i32
    %mul3A_1 = arith.constant 624 : i32
    %mul3A_2 = arith.muli %arg1, %mul3A_1 : i32
    "tpu.region"() ({
      %run_scoped3A = tpu.sem_alloc : memref<!tpu.dma_semaphore, #tpu.memory_space<semaphore_mem>>
      %dma_start3A_176 = arith.constant 0 : i32
      %dma_start3A_177 = tpu.memref_slice %arg27[%mul3A_2, %dma_start3A_176] : memref<10000x128xf32, #tpu.memory_space<vmem_shared>> -> memref<624x128xf32, #tpu.memory_space<vmem_shared>>
      tpu.enqueue_dma source(%arg5 : memref<624x128xf32, #tpu.memory_space<hbm>>) target(%dma_start3A_177 : memref<624x128xf32, #tpu.memory_space<vmem_shared>>) target_semaphore(%run_scoped3A : memref<!tpu.dma_semaphore, #tpu.memory_space<semaphore_mem>>)
      %dma_wait3A_178 = arith.constant 0 : i32
      %dma_wait3A_179 = tpu.memref_slice %arg27[%mul3A_2, %dma_wait3A_178] : memref<10000x128xf32, #tpu.memory_space<vmem_shared>> -> memref<624x128xf32, #tpu.memory_space<vmem_shared>>
      tpu.wait_dma2 semaphore(%run_scoped3A : memref<!tpu.dma_semaphore, #tpu.memory_space<semaphore_mem>>) src(%arg5 : memref<624x128xf32, #tpu.memory_space<hbm>>) dst(%dma_wait3A_179 : memref<624x128xf32, #tpu.memory_space<vmem_shared>>)
      tpu.yield
    }) : () -> ()
    %eq3A = arith.constant 0 : i32
    %eq3A_3 = arith.cmpi eq, %arg1, %eq3A : i32
    %convert_element_type3A = arith.extui %eq3A_3 : i1 to i32
    %cond3A = arith.constant 0 : i32
    %cond3A_4 = arith.cmpi ne, %convert_element_type3A, %cond3A : i32
    scf.if %cond3A_4 {
      "tpu.region"() ({
        %run_scoped3A = tpu.sem_alloc : memref<!tpu.dma_semaphore, #tpu.memory_space<semaphore_mem>>
        %dma_start3A_176 = arith.constant 9984 : i32
        %dma_start3A_177 = arith.constant 0 : i32
        %dma_start3A_178 = tpu.memref_slice %arg27[%dma_start3A_176, %dma_start3A_177] : memref<10000x128xf32, #tpu.memory_space<vmem_shared>> -> memref<16x128xf32, #tpu.memory_space<vmem_shared>>
        %dma_start3A_179 = arith.constant 0 : i32
        %dma_start3A_180 = arith.constant 0 : i32
        %dma_start3A_181 = tpu.memref_slice %arg5[%dma_start3A_179, %dma_start3A_180] : memref<624x128xf32, #tpu.memory_space<hbm>> -> memref<16x128xf32, #tpu.memory_space<hbm>>
        tpu.enqueue_dma source(%dma_start3A_181 : memref<16x128xf32, #tpu.memory_space<hbm>>) target(%dma_start3A_178 : memref<16x128xf32, #tpu.memory_space<vmem_shared>>) target_semaphore(%run_scoped3A : memref<!tpu.dma_semaphore, #tpu.memory_space<semaphore_mem>>)
        %dma_wait3A_182 = arith.constant 9984 : i32
        %dma_wait3A_183 = arith.constant 0 : i32
        %dma_wait3A_184 = tpu.memref_slice %arg27[%dma_wait3A_182, %dma_wait3A_183] : memref<10000x128xf32, #tpu.memory_space<vmem_shared>> -> memref<16x128xf32, #tpu.memory_space<vmem_shared>>
        %dma_wait3A_185 = arith.constant 0 : i32
        %dma_wait3A_186 = arith.constant 0 : i32
        %dma_wait3A_187 = tpu.memref_slice %arg5[%dma_wait3A_185, %dma_wait3A_186] : memref<624x128xf32, #tpu.memory_space<hbm>> -> memref<16x128xf32, #tpu.memory_space<hbm>>
        tpu.wait_dma2 semaphore(%run_scoped3A : memref<!tpu.dma_semaphore, #tpu.memory_space<semaphore_mem>>) src(%dma_wait3A_187 : memref<16x128xf32, #tpu.memory_space<hbm>>) dst(%dma_wait3A_184 : memref<16x128xf32, #tpu.memory_space<vmem_shared>>)
        tpu.yield
      }) : () -> ()
    } else {
    }
    %barrier3A = arith.constant 0 : index
    tpu.barrier barrier_id(%barrier3A)
    %mul3A_5 = arith.constant 10000 : i32
    %mul3A_6 = arith.muli %add3A, %mul3A_5 : i32
    %add3A_7 = arith.constant 0 : i32
    %add3A_8 = arith.addi %mul3A_6, %add3A_7 : i32
    %multiple_of3A = tpu.assume_multiple %add3A_8, 8 : i32
    %dma_start3A = tpu.memref_slice %arg3[%multiple_of3A] : memref<320000xi32, #tpu.memory_space<hbm>> -> memref<80xi32, #tpu.memory_space<hbm>>
    %dma_start3A_9 = tpu.memref_slice %arg3[%multiple_of3A] : memref<320000xi32, #tpu.memory_space<hbm>> -> memref<80xi32, #tpu.memory_space<hbm>>
    tpu.enqueue_dma source(%dma_start3A_9 : memref<80xi32, #tpu.memory_space<hbm>>) target(%arg7 : memref<80xi32, #tpu.memory_space<vmem>>) target_semaphore(%arg28 : memref<!tpu.dma_semaphore, #tpu.memory_space<semaphore_mem>>)
    %dma_start3A_10 = tpu.memref_slice %arg4[%multiple_of3A] : memref<320000xi32, #tpu.memory_space<hbm>> -> memref<80xi32, #tpu.memory_space<hbm>>
    %dma_start3A_11 = tpu.memref_slice %arg4[%multiple_of3A] : memref<320000xi32, #tpu.memory_space<hbm>> -> memref<80xi32, #tpu.memory_space<hbm>>
    tpu.enqueue_dma source(%dma_start3A_11 : memref<80xi32, #tpu.memory_space<hbm>>) target(%arg8 : memref<80xi32, #tpu.memory_space<vmem>>) target_semaphore(%arg28 : memref<!tpu.dma_semaphore, #tpu.memory_space<semaphore_mem>>)
    %mul3A_12 = arith.constant 10000 : i32
    %mul3A_13 = arith.muli %add3A, %mul3A_12 : i32
    %add3A_14 = arith.constant 80 : i32
    %add3A_15 = arith.addi %mul3A_13, %add3A_14 : i32
    %multiple_of3A_16 = tpu.assume_multiple %add3A_15, 8 : i32
    %dma_start3A_17 = tpu.memref_slice %arg3[%multiple_of3A_16] : memref<320000xi32, #tpu.memory_space<hbm>> -> memref<80xi32, #tpu.memory_space<hbm>>
    %dma_start3A_18 = tpu.memref_slice %arg3[%multiple_of3A_16] : memref<320000xi32, #tpu.memory_space<hbm>> -> memref<80xi32, #tpu.memory_space<hbm>>
    tpu.enqueue_dma source(%dma_start3A_18 : memref<80xi32, #tpu.memory_space<hbm>>) target(%arg9 : memref<80xi32, #tpu.memory_space<vmem>>) target_semaphore(%arg29 : memref<!tpu.dma_semaphore, #tpu.memory_space<semaphore_mem>>)
    %dma_start3A_19 = tpu.memref_slice %arg4[%multiple_of3A_16] : memref<320000xi32, #tpu.memory_space<hbm>> -> memref<80xi32, #tpu.memory_space<hbm>>
    %dma_start3A_20 = tpu.memref_slice %arg4[%multiple_of3A_16] : memref<320000xi32, #tpu.memory_space<hbm>> -> memref<80xi32, #tpu.memory_space<hbm>>
    tpu.enqueue_dma source(%dma_start3A_20 : memref<80xi32, #tpu.memory_space<hbm>>) target(%arg10 : memref<80xi32, #tpu.memory_space<vmem>>) target_semaphore(%arg29 : memref<!tpu.dma_semaphore, #tpu.memory_space<semaphore_mem>>)
    %mul3A_21 = arith.constant 10000 : i32
    %mul3A_22 = arith.muli %add3A, %mul3A_21 : i32
    %add3A_23 = arith.constant 160 : i32
    %add3A_24 = arith.addi %mul3A_22, %add3A_23 : i32
    %multiple_of3A_25 = tpu.assume_multiple %add3A_24, 8 : i32
    %dma_start3A_26 = tpu.memref_slice %arg3[%multiple_of3A_25] : memref<320000xi32, #tpu.memory_space<hbm>> -> memref<80xi32, #tpu.memory_space<hbm>>
    %dma_start3A_27 = tpu.memref_slice %arg3[%multiple_of3A_25] : memref<320000xi32, #tpu.memory_space<hbm>> -> memref<80xi32, #tpu.memory_space<hbm>>
    tpu.enqueue_dma source(%dma_start3A_27 : memref<80xi32, #tpu.memory_space<hbm>>) target(%arg11 : memref<80xi32, #tpu.memory_space<vmem>>) target_semaphore(%arg30 : memref<!tpu.dma_semaphore, #tpu.memory_space<semaphore_mem>>)
    %dma_start3A_28 = tpu.memref_slice %arg4[%multiple_of3A_25] : memref<320000xi32, #tpu.memory_space<hbm>> -> memref<80xi32, #tpu.memory_space<hbm>>
    %dma_start3A_29 = tpu.memref_slice %arg4[%multiple_of3A_25] : memref<320000xi32, #tpu.memory_space<hbm>> -> memref<80xi32, #tpu.memory_space<hbm>>
    tpu.enqueue_dma source(%dma_start3A_29 : memref<80xi32, #tpu.memory_space<hbm>>) target(%arg12 : memref<80xi32, #tpu.memory_space<vmem>>) target_semaphore(%arg30 : memref<!tpu.dma_semaphore, #tpu.memory_space<semaphore_mem>>)
    %mul3A_30 = arith.constant 10000 : i32
    %mul3A_31 = arith.muli %add3A, %mul3A_30 : i32
    %add3A_32 = arith.constant 240 : i32
    %add3A_33 = arith.addi %mul3A_31, %add3A_32 : i32
    %multiple_of3A_34 = tpu.assume_multiple %add3A_33, 8 : i32
    %dma_start3A_35 = tpu.memref_slice %arg3[%multiple_of3A_34] : memref<320000xi32, #tpu.memory_space<hbm>> -> memref<80xi32, #tpu.memory_space<hbm>>
    %dma_start3A_36 = tpu.memref_slice %arg3[%multiple_of3A_34] : memref<320000xi32, #tpu.memory_space<hbm>> -> memref<80xi32, #tpu.memory_space<hbm>>
    tpu.enqueue_dma source(%dma_start3A_36 : memref<80xi32, #tpu.memory_space<hbm>>) target(%arg13 : memref<80xi32, #tpu.memory_space<vmem>>) target_semaphore(%arg31 : memref<!tpu.dma_semaphore, #tpu.memory_space<semaphore_mem>>)
    %dma_start3A_37 = tpu.memref_slice %arg4[%multiple_of3A_34] : memref<320000xi32, #tpu.memory_space<hbm>> -> memref<80xi32, #tpu.memory_space<hbm>>
    %dma_start3A_38 = tpu.memref_slice %arg4[%multiple_of3A_34] : memref<320000xi32, #tpu.memory_space<hbm>> -> memref<80xi32, #tpu.memory_space<hbm>>
    tpu.enqueue_dma source(%dma_start3A_38 : memref<80xi32, #tpu.memory_space<hbm>>) target(%arg14 : memref<80xi32, #tpu.memory_space<vmem>>) target_semaphore(%arg31 : memref<!tpu.dma_semaphore, #tpu.memory_space<semaphore_mem>>)
    %scan3A = arith.constant 0 : i32
    %scan3A_39 = arith.constant 0 : i32
    %scan3A_40 = arith.constant 15 : i32
    %scan3A_41 = arith.addi %scan3A_39, %scan3A_40 : i32
    %scan3A_42 = arith.constant 1 : i32
    scf.for %scan3A_176 = %scan3A_39 to %scan3A_41 step %scan3A_42  : i32 {
      %mul3A_177 = arith.constant 8 : i32
      %mul3A_178 = arith.muli %scan3A_176, %mul3A_177 : i32
      %add3A_179 = arith.constant 0 : i32
      %add3A_180 = arith.addi %mul3A_178, %add3A_179 : i32
      %ge3A = arith.constant 4 : i32
      %ge3A_181 = arith.cmpi sge, %add3A_180, %ge3A : i32
      %convert_element_type3A_182 = arith.extui %ge3A_181 : i1 to i32
      %cond3A_183 = arith.constant 0 : i32
      %cond3A_184 = arith.cmpi ne, %convert_element_type3A_182, %cond3A_183 : i32
      scf.if %cond3A_184 {
        %dma_wait3A_431 = arith.constant 0 : i32
        %dma_wait3A_432 = arith.constant 0 : i32
        %dma_wait3A_433 = tpu.memref_slice %arg27[%dma_wait3A_431, %dma_wait3A_432] : memref<10000x128xf32, #tpu.memory_space<vmem_shared>> -> memref<10000x128xf32, #tpu.memory_space<vmem_shared>>
        tpu.wait_indirect_dma semaphore(%arg40 : memref<!tpu.dma_semaphore, #tpu.memory_space<semaphore_mem>>) src(%arg23 : memref<80x128xf32, #tpu.memory_space<vmem>>) dst(%dma_wait3A_433 : memref<10000x128xf32, #tpu.memory_space<vmem_shared>>)
      } else {
      }
      %add3A_185 = arith.constant 4 : i32
      %add3A_186 = arith.addi %add3A_180, %add3A_185 : i32
      %lt3A = arith.constant 125 : i32
      %lt3A_187 = arith.cmpi slt, %add3A_186, %lt3A : i32
      %convert_element_type3A_188 = arith.extui %lt3A_187 : i1 to i32
      %cond3A_189 = arith.constant 0 : i32
      %cond3A_190 = arith.cmpi ne, %convert_element_type3A_188, %cond3A_189 : i32
      scf.if %cond3A_190 {
        %add3A_431 = arith.constant 4 : i32
        %add3A_432 = arith.addi %add3A_180, %add3A_431 : i32
        %mul3A_433 = arith.constant 10000 : i32
        %mul3A_434 = arith.muli %add3A, %mul3A_433 : i32
        %mul3A_435 = arith.constant 80 : i32
        %mul3A_436 = arith.muli %add3A_432, %mul3A_435 : i32
        %add3A_437 = arith.addi %mul3A_434, %mul3A_436 : i32
        %multiple_of3A_438 = tpu.assume_multiple %add3A_437, 8 : i32
        %dma_start3A_439 = tpu.memref_slice %arg3[%multiple_of3A_438] : memref<320000xi32, #tpu.memory_space<hbm>> -> memref<80xi32, #tpu.memory_space<hbm>>
        %dma_start3A_440 = tpu.memref_slice %arg3[%multiple_of3A_438] : memref<320000xi32, #tpu.memory_space<hbm>> -> memref<80xi32, #tpu.memory_space<hbm>>
        tpu.enqueue_dma source(%dma_start3A_440 : memref<80xi32, #tpu.memory_space<hbm>>) target(%arg15 : memref<80xi32, #tpu.memory_space<vmem>>) target_semaphore(%arg32 : memref<!tpu.dma_semaphore, #tpu.memory_space<semaphore_mem>>)
        %dma_start3A_441 = tpu.memref_slice %arg4[%multiple_of3A_438] : memref<320000xi32, #tpu.memory_space<hbm>> -> memref<80xi32, #tpu.memory_space<hbm>>
        %dma_start3A_442 = tpu.memref_slice %arg4[%multiple_of3A_438] : memref<320000xi32, #tpu.memory_space<hbm>> -> memref<80xi32, #tpu.memory_space<hbm>>
        tpu.enqueue_dma source(%dma_start3A_442 : memref<80xi32, #tpu.memory_space<hbm>>) target(%arg16 : memref<80xi32, #tpu.memory_space<vmem>>) target_semaphore(%arg32 : memref<!tpu.dma_semaphore, #tpu.memory_space<semaphore_mem>>)
      } else {
      }
      %dma_wait3A_191 = arith.constant 0 : i32
      %dma_wait3A_192 = tpu.memref_slice %arg3[%dma_wait3A_191] : memref<320000xi32, #tpu.memory_space<hbm>> -> memref<80xi32, #tpu.memory_space<hbm>>
      %dma_wait3A_193 = arith.constant 0 : i32
      %dma_wait3A_194 = tpu.memref_slice %arg3[%dma_wait3A_193] : memref<320000xi32, #tpu.memory_space<hbm>> -> memref<80xi32, #tpu.memory_space<hbm>>
      tpu.wait_dma2 semaphore(%arg28 : memref<!tpu.dma_semaphore, #tpu.memory_space<semaphore_mem>>) src(%dma_wait3A_194 : memref<80xi32, #tpu.memory_space<hbm>>) dst(%arg7 : memref<80xi32, #tpu.memory_space<vmem>>)
      %dma_wait3A_195 = arith.constant 0 : i32
      %dma_wait3A_196 = tpu.memref_slice %arg3[%dma_wait3A_195] : memref<320000xi32, #tpu.memory_space<hbm>> -> memref<80xi32, #tpu.memory_space<hbm>>
      %dma_wait3A_197 = arith.constant 0 : i32
      %dma_wait3A_198 = tpu.memref_slice %arg3[%dma_wait3A_197] : memref<320000xi32, #tpu.memory_space<hbm>> -> memref<80xi32, #tpu.memory_space<hbm>>
      tpu.wait_dma2 semaphore(%arg28 : memref<!tpu.dma_semaphore, #tpu.memory_space<semaphore_mem>>) src(%dma_wait3A_198 : memref<80xi32, #tpu.memory_space<hbm>>) dst(%arg8 : memref<80xi32, #tpu.memory_space<vmem>>)
      %dma_start3A_199 = arith.constant 0 : i32
      %dma_start3A_200 = arith.constant 0 : i32
      %dma_start3A_201 = tpu.memref_slice %arg2[%dma_start3A_199, %dma_start3A_200] : memref<10000x128xf32, #tpu.memory_space<hbm>> -> memref<10000x128xf32, #tpu.memory_space<hbm>>
      tpu.enqueue_indirect_dma source(%dma_start3A_201 : memref<10000x128xf32, #tpu.memory_space<hbm>>) target(%arg23 : memref<80x128xf32, #tpu.memory_space<vmem>>) offsets(%arg7 : memref<80xi32, #tpu.memory_space<vmem>>) semaphore(%arg36 : memref<!tpu.dma_semaphore, #tpu.memory_space<semaphore_mem>>)
      %ge3A_202 = arith.constant 1 : i32
      %ge3A_203 = arith.cmpi sge, %add3A_180, %ge3A_202 : i32
      %convert_element_type3A_204 = arith.extui %ge3A_203 : i1 to i32
      %cond3A_205 = arith.constant 0 : i32
      %cond3A_206 = arith.cmpi ne, %convert_element_type3A_204, %cond3A_205 : i32
      scf.if %cond3A_206 {
        %dma_wait3A_431 = arith.constant 0 : i32
        %dma_wait3A_432 = arith.constant 0 : i32
        %dma_wait3A_433 = tpu.memref_slice %arg2[%dma_wait3A_431, %dma_wait3A_432] : memref<10000x128xf32, #tpu.memory_space<hbm>> -> memref<10000x128xf32, #tpu.memory_space<hbm>>
        tpu.wait_indirect_dma semaphore(%arg39 : memref<!tpu.dma_semaphore, #tpu.memory_space<semaphore_mem>>) src(%dma_wait3A_433 : memref<10000x128xf32, #tpu.memory_space<hbm>>) dst(%arg26 : memref<80x128xf32, #tpu.memory_space<vmem>>)
        %dma_start3A_434 = arith.constant 0 : i32
        %dma_start3A_435 = arith.constant 0 : i32
        %dma_start3A_436 = tpu.memref_slice %arg27[%dma_start3A_434, %dma_start3A_435] : memref<10000x128xf32, #tpu.memory_space<vmem_shared>> -> memref<10000x128xf32, #tpu.memory_space<vmem_shared>>
        tpu.enqueue_indirect_dma source(%arg26 : memref<80x128xf32, #tpu.memory_space<vmem>>) target(%dma_start3A_436 : memref<10000x128xf32, #tpu.memory_space<vmem_shared>>) offsets(%arg22 : memref<80xi32, #tpu.memory_space<vmem>>) semaphore(%arg43 : memref<!tpu.dma_semaphore, #tpu.memory_space<semaphore_mem>>) {add = true}
      } else {
      }
      %mul3A_207 = arith.constant 8 : i32
      %mul3A_208 = arith.muli %scan3A_176, %mul3A_207 : i32
      %add3A_209 = arith.constant 1 : i32
      %add3A_210 = arith.addi %mul3A_208, %add3A_209 : i32
      %ge3A_211 = arith.constant 4 : i32
      %ge3A_212 = arith.cmpi sge, %add3A_210, %ge3A_211 : i32
      %convert_element_type3A_213 = arith.extui %ge3A_212 : i1 to i32
      %cond3A_214 = arith.constant 0 : i32
      %cond3A_215 = arith.cmpi ne, %convert_element_type3A_213, %cond3A_214 : i32
      scf.if %cond3A_215 {
        %dma_wait3A_431 = arith.constant 0 : i32
        %dma_wait3A_432 = arith.constant 0 : i32
        %dma_wait3A_433 = tpu.memref_slice %arg27[%dma_wait3A_431, %dma_wait3A_432] : memref<10000x128xf32, #tpu.memory_space<vmem_shared>> -> memref<10000x128xf32, #tpu.memory_space<vmem_shared>>
        tpu.wait_indirect_dma semaphore(%arg41 : memref<!tpu.dma_semaphore, #tpu.memory_space<semaphore_mem>>) src(%arg24 : memref<80x128xf32, #tpu.memory_space<vmem>>) dst(%dma_wait3A_433 : memref<10000x128xf32, #tpu.memory_space<vmem_shared>>)
      } else {
      }
      %add3A_216 = arith.constant 4 : i32
      %add3A_217 = arith.addi %add3A_210, %add3A_216 : i32
      %lt3A_218 = arith.constant 125 : i32
      %lt3A_219 = arith.cmpi slt, %add3A_217, %lt3A_218 : i32
      %convert_element_type3A_220 = arith.extui %lt3A_219 : i1 to i32
      %cond3A_221 = arith.constant 0 : i32
      %cond3A_222 = arith.cmpi ne, %convert_element_type3A_220, %cond3A_221 : i32
      scf.if %cond3A_222 {
        %add3A_431 = arith.constant 4 : i32
        %add3A_432 = arith.addi %add3A_210, %add3A_431 : i32
        %mul3A_433 = arith.constant 10000 : i32
        %mul3A_434 = arith.muli %add3A, %mul3A_433 : i32
        %mul3A_435 = arith.constant 80 : i32
        %mul3A_436 = arith.muli %add3A_432, %mul3A_435 : i32
        %add3A_437 = arith.addi %mul3A_434, %mul3A_436 : i32
        %multiple_of3A_438 = tpu.assume_multiple %add3A_437, 8 : i32
        %dma_start3A_439 = tpu.memref_slice %arg3[%multiple_of3A_438] : memref<320000xi32, #tpu.memory_space<hbm>> -> memref<80xi32, #tpu.memory_space<hbm>>
        %dma_start3A_440 = tpu.memref_slice %arg3[%multiple_of3A_438] : memref<320000xi32, #tpu.memory_space<hbm>> -> memref<80xi32, #tpu.memory_space<hbm>>
        tpu.enqueue_dma source(%dma_start3A_440 : memref<80xi32, #tpu.memory_space<hbm>>) target(%arg17 : memref<80xi32, #tpu.memory_space<vmem>>) target_semaphore(%arg33 : memref<!tpu.dma_semaphore, #tpu.memory_space<semaphore_mem>>)
        %dma_start3A_441 = tpu.memref_slice %arg4[%multiple_of3A_438] : memref<320000xi32, #tpu.memory_space<hbm>> -> memref<80xi32, #tpu.memory_space<hbm>>
        %dma_start3A_442 = tpu.memref_slice %arg4[%multiple_of3A_438] : memref<320000xi32, #tpu.memory_space<hbm>> -> memref<80xi32, #tpu.memory_space<hbm>>
        tpu.enqueue_dma source(%dma_start3A_442 : memref<80xi32, #tpu.memory_space<hbm>>) target(%arg18 : memref<80xi32, #tpu.memory_space<vmem>>) target_semaphore(%arg33 : memref<!tpu.dma_semaphore, #tpu.memory_space<semaphore_mem>>)
      } else {
      }
      %dma_wait3A_223 = arith.constant 0 : i32
      %dma_wait3A_224 = tpu.memref_slice %arg3[%dma_wait3A_223] : memref<320000xi32, #tpu.memory_space<hbm>> -> memref<80xi32, #tpu.memory_space<hbm>>
      %dma_wait3A_225 = arith.constant 0 : i32
      %dma_wait3A_226 = tpu.memref_slice %arg3[%dma_wait3A_225] : memref<320000xi32, #tpu.memory_space<hbm>> -> memref<80xi32, #tpu.memory_space<hbm>>
      tpu.wait_dma2 semaphore(%arg29 : memref<!tpu.dma_semaphore, #tpu.memory_space<semaphore_mem>>) src(%dma_wait3A_226 : memref<80xi32, #tpu.memory_space<hbm>>) dst(%arg9 : memref<80xi32, #tpu.memory_space<vmem>>)
      %dma_wait3A_227 = arith.constant 0 : i32
      %dma_wait3A_228 = tpu.memref_slice %arg3[%dma_wait3A_227] : memref<320000xi32, #tpu.memory_space<hbm>> -> memref<80xi32, #tpu.memory_space<hbm>>
      %dma_wait3A_229 = arith.constant 0 : i32
      %dma_wait3A_230 = tpu.memref_slice %arg3[%dma_wait3A_229] : memref<320000xi32, #tpu.memory_space<hbm>> -> memref<80xi32, #tpu.memory_space<hbm>>
      tpu.wait_dma2 semaphore(%arg29 : memref<!tpu.dma_semaphore, #tpu.memory_space<semaphore_mem>>) src(%dma_wait3A_230 : memref<80xi32, #tpu.memory_space<hbm>>) dst(%arg10 : memref<80xi32, #tpu.memory_space<vmem>>)
      %dma_start3A_231 = arith.constant 0 : i32
      %dma_start3A_232 = arith.constant 0 : i32
      %dma_start3A_233 = tpu.memref_slice %arg2[%dma_start3A_231, %dma_start3A_232] : memref<10000x128xf32, #tpu.memory_space<hbm>> -> memref<10000x128xf32, #tpu.memory_space<hbm>>
      tpu.enqueue_indirect_dma source(%dma_start3A_233 : memref<10000x128xf32, #tpu.memory_space<hbm>>) target(%arg24 : memref<80x128xf32, #tpu.memory_space<vmem>>) offsets(%arg9 : memref<80xi32, #tpu.memory_space<vmem>>) semaphore(%arg37 : memref<!tpu.dma_semaphore, #tpu.memory_space<semaphore_mem>>)
      %ge3A_234 = arith.constant 1 : i32
      %ge3A_235 = arith.cmpi sge, %add3A_210, %ge3A_234 : i32
      %convert_element_type3A_236 = arith.extui %ge3A_235 : i1 to i32
      %cond3A_237 = arith.constant 0 : i32
      %cond3A_238 = arith.cmpi ne, %convert_element_type3A_236, %cond3A_237 : i32
      scf.if %cond3A_238 {
        %dma_wait3A_431 = arith.constant 0 : i32
        %dma_wait3A_432 = arith.constant 0 : i32
        %dma_wait3A_433 = tpu.memref_slice %arg2[%dma_wait3A_431, %dma_wait3A_432] : memref<10000x128xf32, #tpu.memory_space<hbm>> -> memref<10000x128xf32, #tpu.memory_space<hbm>>
        tpu.wait_indirect_dma semaphore(%arg36 : memref<!tpu.dma_semaphore, #tpu.memory_space<semaphore_mem>>) src(%dma_wait3A_433 : memref<10000x128xf32, #tpu.memory_space<hbm>>) dst(%arg23 : memref<80x128xf32, #tpu.memory_space<vmem>>)
        %dma_start3A_434 = arith.constant 0 : i32
        %dma_start3A_435 = arith.constant 0 : i32
        %dma_start3A_436 = tpu.memref_slice %arg27[%dma_start3A_434, %dma_start3A_435] : memref<10000x128xf32, #tpu.memory_space<vmem_shared>> -> memref<10000x128xf32, #tpu.memory_space<vmem_shared>>
        tpu.enqueue_indirect_dma source(%arg23 : memref<80x128xf32, #tpu.memory_space<vmem>>) target(%dma_start3A_436 : memref<10000x128xf32, #tpu.memory_space<vmem_shared>>) offsets(%arg8 : memref<80xi32, #tpu.memory_space<vmem>>) semaphore(%arg40 : memref<!tpu.dma_semaphore, #tpu.memory_space<semaphore_mem>>) {add = true}
      } else {
      }
      %mul3A_239 = arith.constant 8 : i32
      %mul3A_240 = arith.muli %scan3A_176, %mul3A_239 : i32
      %add3A_241 = arith.constant 2 : i32
      %add3A_242 = arith.addi %mul3A_240, %add3A_241 : i32
      %ge3A_243 = arith.constant 4 : i32
      %ge3A_244 = arith.cmpi sge, %add3A_242, %ge3A_243 : i32
      %convert_element_type3A_245 = arith.extui %ge3A_244 : i1 to i32
      %cond3A_246 = arith.constant 0 : i32
      %cond3A_247 = arith.cmpi ne, %convert_element_type3A_245, %cond3A_246 : i32
      scf.if %cond3A_247 {
        %dma_wait3A_431 = arith.constant 0 : i32
        %dma_wait3A_432 = arith.constant 0 : i32
        %dma_wait3A_433 = tpu.memref_slice %arg27[%dma_wait3A_431, %dma_wait3A_432] : memref<10000x128xf32, #tpu.memory_space<vmem_shared>> -> memref<10000x128xf32, #tpu.memory_space<vmem_shared>>
        tpu.wait_indirect_dma semaphore(%arg42 : memref<!tpu.dma_semaphore, #tpu.memory_space<semaphore_mem>>) src(%arg25 : memref<80x128xf32, #tpu.memory_space<vmem>>) dst(%dma_wait3A_433 : memref<10000x128xf32, #tpu.memory_space<vmem_shared>>)
      } else {
      }
      %add3A_248 = arith.constant 4 : i32
      %add3A_249 = arith.addi %add3A_242, %add3A_248 : i32
      %lt3A_250 = arith.constant 125 : i32
      %lt3A_251 = arith.cmpi slt, %add3A_249, %lt3A_250 : i32
      %convert_element_type3A_252 = arith.extui %lt3A_251 : i1 to i32
      %cond3A_253 = arith.constant 0 : i32
      %cond3A_254 = arith.cmpi ne, %convert_element_type3A_252, %cond3A_253 : i32
      scf.if %cond3A_254 {
        %add3A_431 = arith.constant 4 : i32
        %add3A_432 = arith.addi %add3A_242, %add3A_431 : i32
        %mul3A_433 = arith.constant 10000 : i32
        %mul3A_434 = arith.muli %add3A, %mul3A_433 : i32
        %mul3A_435 = arith.constant 80 : i32
        %mul3A_436 = arith.muli %add3A_432, %mul3A_435 : i32
        %add3A_437 = arith.addi %mul3A_434, %mul3A_436 : i32
        %multiple_of3A_438 = tpu.assume_multiple %add3A_437, 8 : i32
        %dma_start3A_439 = tpu.memref_slice %arg3[%multiple_of3A_438] : memref<320000xi32, #tpu.memory_space<hbm>> -> memref<80xi32, #tpu.memory_space<hbm>>
        %dma_start3A_440 = tpu.memref_slice %arg3[%multiple_of3A_438] : memref<320000xi32, #tpu.memory_space<hbm>> -> memref<80xi32, #tpu.memory_space<hbm>>
        tpu.enqueue_dma source(%dma_start3A_440 : memref<80xi32, #tpu.memory_space<hbm>>) target(%arg19 : memref<80xi32, #tpu.memory_space<vmem>>) target_semaphore(%arg34 : memref<!tpu.dma_semaphore, #tpu.memory_space<semaphore_mem>>)
        %dma_start3A_441 = tpu.memref_slice %arg4[%multiple_of3A_438] : memref<320000xi32, #tpu.memory_space<hbm>> -> memref<80xi32, #tpu.memory_space<hbm>>
        %dma_start3A_442 = tpu.memref_slice %arg4[%multiple_of3A_438] : memref<320000xi32, #tpu.memory_space<hbm>> -> memref<80xi32, #tpu.memory_space<hbm>>
        tpu.enqueue_dma source(%dma_start3A_442 : memref<80xi32, #tpu.memory_space<hbm>>) target(%arg20 : memref<80xi32, #tpu.memory_space<vmem>>) target_semaphore(%arg34 : memref<!tpu.dma_semaphore, #tpu.memory_space<semaphore_mem>>)
      } else {
      }
      %dma_wait3A_255 = arith.constant 0 : i32
      %dma_wait3A_256 = tpu.memref_slice %arg3[%dma_wait3A_255] : memref<320000xi32, #tpu.memory_space<hbm>> -> memref<80xi32, #tpu.memory_space<hbm>>
      %dma_wait3A_257 = arith.constant 0 : i32
      %dma_wait3A_258 = tpu.memref_slice %arg3[%dma_wait3A_257] : memref<320000xi32, #tpu.memory_space<hbm>> -> memref<80xi32, #tpu.memory_space<hbm>>
      tpu.wait_dma2 semaphore(%arg30 : memref<!tpu.dma_semaphore, #tpu.memory_space<semaphore_mem>>) src(%dma_wait3A_258 : memref<80xi32, #tpu.memory_space<hbm>>) dst(%arg11 : memref<80xi32, #tpu.memory_space<vmem>>)
      %dma_wait3A_259 = arith.constant 0 : i32
      %dma_wait3A_260 = tpu.memref_slice %arg3[%dma_wait3A_259] : memref<320000xi32, #tpu.memory_space<hbm>> -> memref<80xi32, #tpu.memory_space<hbm>>
      %dma_wait3A_261 = arith.constant 0 : i32
      %dma_wait3A_262 = tpu.memref_slice %arg3[%dma_wait3A_261] : memref<320000xi32, #tpu.memory_space<hbm>> -> memref<80xi32, #tpu.memory_space<hbm>>
      tpu.wait_dma2 semaphore(%arg30 : memref<!tpu.dma_semaphore, #tpu.memory_space<semaphore_mem>>) src(%dma_wait3A_262 : memref<80xi32, #tpu.memory_space<hbm>>) dst(%arg12 : memref<80xi32, #tpu.memory_space<vmem>>)
      %dma_start3A_263 = arith.constant 0 : i32
      %dma_start3A_264 = arith.constant 0 : i32
      %dma_start3A_265 = tpu.memref_slice %arg2[%dma_start3A_263, %dma_start3A_264] : memref<10000x128xf32, #tpu.memory_space<hbm>> -> memref<10000x128xf32, #tpu.memory_space<hbm>>
      tpu.enqueue_indirect_dma source(%dma_start3A_265 : memref<10000x128xf32, #tpu.memory_space<hbm>>) target(%arg25 : memref<80x128xf32, #tpu.memory_space<vmem>>) offsets(%arg11 : memref<80xi32, #tpu.memory_space<vmem>>) semaphore(%arg38 : memref<!tpu.dma_semaphore, #tpu.memory_space<semaphore_mem>>)
      %ge3A_266 = arith.constant 1 : i32
      %ge3A_267 = arith.cmpi sge, %add3A_242, %ge3A_266 : i32
      %convert_element_type3A_268 = arith.extui %ge3A_267 : i1 to i32
      %cond3A_269 = arith.constant 0 : i32
      %cond3A_270 = arith.cmpi ne, %convert_element_type3A_268, %cond3A_269 : i32
      scf.if %cond3A_270 {
        %dma_wait3A_431 = arith.constant 0 : i32
        %dma_wait3A_432 = arith.constant 0 : i32
        %dma_wait3A_433 = tpu.memref_slice %arg2[%dma_wait3A_431, %dma_wait3A_432] : memref<10000x128xf32, #tpu.memory_space<hbm>> -> memref<10000x128xf32, #tpu.memory_space<hbm>>
        tpu.wait_indirect_dma semaphore(%arg37 : memref<!tpu.dma_semaphore, #tpu.memory_space<semaphore_mem>>) src(%dma_wait3A_433 : memref<10000x128xf32, #tpu.memory_space<hbm>>) dst(%arg24 : memref<80x128xf32, #tpu.memory_space<vmem>>)
        %dma_start3A_434 = arith.constant 0 : i32
        %dma_start3A_435 = arith.constant 0 : i32
        %dma_start3A_436 = tpu.memref_slice %arg27[%dma_start3A_434, %dma_start3A_435] : memref<10000x128xf32, #tpu.memory_space<vmem_shared>> -> memref<10000x128xf32, #tpu.memory_space<vmem_shared>>
        tpu.enqueue_indirect_dma source(%arg24 : memref<80x128xf32, #tpu.memory_space<vmem>>) target(%dma_start3A_436 : memref<10000x128xf32, #tpu.memory_space<vmem_shared>>) offsets(%arg10 : memref<80xi32, #tpu.memory_space<vmem>>) semaphore(%arg41 : memref<!tpu.dma_semaphore, #tpu.memory_space<semaphore_mem>>) {add = true}
      } else {
      }
      %mul3A_271 = arith.constant 8 : i32
      %mul3A_272 = arith.muli %scan3A_176, %mul3A_271 : i32
      %add3A_273 = arith.constant 3 : i32
      %add3A_274 = arith.addi %mul3A_272, %add3A_273 : i32
      %ge3A_275 = arith.constant 4 : i32
      %ge3A_276 = arith.cmpi sge, %add3A_274, %ge3A_275 : i32
      %convert_element_type3A_277 = arith.extui %ge3A_276 : i1 to i32
      %cond3A_278 = arith.constant 0 : i32
      %cond3A_279 = arith.cmpi ne, %convert_element_type3A_277, %cond3A_278 : i32
      scf.if %cond3A_279 {
        %dma_wait3A_431 = arith.constant 0 : i32
        %dma_wait3A_432 = arith.constant 0 : i32
        %dma_wait3A_433 = tpu.memref_slice %arg27[%dma_wait3A_431, %dma_wait3A_432] : memref<10000x128xf32, #tpu.memory_space<vmem_shared>> -> memref<10000x128xf32, #tpu.memory_space<vmem_shared>>
        tpu.wait_indirect_dma semaphore(%arg43 : memref<!tpu.dma_semaphore, #tpu.memory_space<semaphore_mem>>) src(%arg26 : memref<80x128xf32, #tpu.memory_space<vmem>>) dst(%dma_wait3A_433 : memref<10000x128xf32, #tpu.memory_space<vmem_shared>>)
      } else {
      }
      %add3A_280 = arith.constant 4 : i32
      %add3A_281 = arith.addi %add3A_274, %add3A_280 : i32
      %lt3A_282 = arith.constant 125 : i32
      %lt3A_283 = arith.cmpi slt, %add3A_281, %lt3A_282 : i32
      %convert_element_type3A_284 = arith.extui %lt3A_283 : i1 to i32
      %cond3A_285 = arith.constant 0 : i32
      %cond3A_286 = arith.cmpi ne, %convert_element_type3A_284, %cond3A_285 : i32
      scf.if %cond3A_286 {
        %add3A_431 = arith.constant 4 : i32
        %add3A_432 = arith.addi %add3A_274, %add3A_431 : i32
        %mul3A_433 = arith.constant 10000 : i32
        %mul3A_434 = arith.muli %add3A, %mul3A_433 : i32
        %mul3A_435 = arith.constant 80 : i32
        %mul3A_436 = arith.muli %add3A_432, %mul3A_435 : i32
        %add3A_437 = arith.addi %mul3A_434, %mul3A_436 : i32
        %multiple_of3A_438 = tpu.assume_multiple %add3A_437, 8 : i32
        %dma_start3A_439 = tpu.memref_slice %arg3[%multiple_of3A_438] : memref<320000xi32, #tpu.memory_space<hbm>> -> memref<80xi32, #tpu.memory_space<hbm>>
        %dma_start3A_440 = tpu.memref_slice %arg3[%multiple_of3A_438] : memref<320000xi32, #tpu.memory_space<hbm>> -> memref<80xi32, #tpu.memory_space<hbm>>
        tpu.enqueue_dma source(%dma_start3A_440 : memref<80xi32, #tpu.memory_space<hbm>>) target(%arg21 : memref<80xi32, #tpu.memory_space<vmem>>) target_semaphore(%arg35 : memref<!tpu.dma_semaphore, #tpu.memory_space<semaphore_mem>>)
        %dma_start3A_441 = tpu.memref_slice %arg4[%multiple_of3A_438] : memref<320000xi32, #tpu.memory_space<hbm>> -> memref<80xi32, #tpu.memory_space<hbm>>
        %dma_start3A_442 = tpu.memref_slice %arg4[%multiple_of3A_438] : memref<320000xi32, #tpu.memory_space<hbm>> -> memref<80xi32, #tpu.memory_space<hbm>>
        tpu.enqueue_dma source(%dma_start3A_442 : memref<80xi32, #tpu.memory_space<hbm>>) target(%arg22 : memref<80xi32, #tpu.memory_space<vmem>>) target_semaphore(%arg35 : memref<!tpu.dma_semaphore, #tpu.memory_space<semaphore_mem>>)
      } else {
      }
      %dma_wait3A_287 = arith.constant 0 : i32
      %dma_wait3A_288 = tpu.memref_slice %arg3[%dma_wait3A_287] : memref<320000xi32, #tpu.memory_space<hbm>> -> memref<80xi32, #tpu.memory_space<hbm>>
      %dma_wait3A_289 = arith.constant 0 : i32
      %dma_wait3A_290 = tpu.memref_slice %arg3[%dma_wait3A_289] : memref<320000xi32, #tpu.memory_space<hbm>> -> memref<80xi32, #tpu.memory_space<hbm>>
      tpu.wait_dma2 semaphore(%arg31 : memref<!tpu.dma_semaphore, #tpu.memory_space<semaphore_mem>>) src(%dma_wait3A_290 : memref<80xi32, #tpu.memory_space<hbm>>) dst(%arg13 : memref<80xi32, #tpu.memory_space<vmem>>)
      %dma_wait3A_291 = arith.constant 0 : i32
      %dma_wait3A_292 = tpu.memref_slice %arg3[%dma_wait3A_291] : memref<320000xi32, #tpu.memory_space<hbm>> -> memref<80xi32, #tpu.memory_space<hbm>>
      %dma_wait3A_293 = arith.constant 0 : i32
      %dma_wait3A_294 = tpu.memref_slice %arg3[%dma_wait3A_293] : memref<320000xi32, #tpu.memory_space<hbm>> -> memref<80xi32, #tpu.memory_space<hbm>>
      tpu.wait_dma2 semaphore(%arg31 : memref<!tpu.dma_semaphore, #tpu.memory_space<semaphore_mem>>) src(%dma_wait3A_294 : memref<80xi32, #tpu.memory_space<hbm>>) dst(%arg14 : memref<80xi32, #tpu.memory_space<vmem>>)
      %dma_start3A_295 = arith.constant 0 : i32
      %dma_start3A_296 = arith.constant 0 : i32
      %dma_start3A_297 = tpu.memref_slice %arg2[%dma_start3A_295, %dma_start3A_296] : memref<10000x128xf32, #tpu.memory_space<hbm>> -> memref<10000x128xf32, #tpu.memory_space<hbm>>
      tpu.enqueue_indirect_dma source(%dma_start3A_297 : memref<10000x128xf32, #tpu.memory_space<hbm>>) target(%arg26 : memref<80x128xf32, #tpu.memory_space<vmem>>) offsets(%arg13 : memref<80xi32, #tpu.memory_space<vmem>>) semaphore(%arg39 : memref<!tpu.dma_semaphore, #tpu.memory_space<semaphore_mem>>)
      %ge3A_298 = arith.constant 1 : i32
      %ge3A_299 = arith.cmpi sge, %add3A_274, %ge3A_298 : i32
      %convert_element_type3A_300 = arith.extui %ge3A_299 : i1 to i32
      %cond3A_301 = arith.constant 0 : i32
      %cond3A_302 = arith.cmpi ne, %convert_element_type3A_300, %cond3A_301 : i32
      scf.if %cond3A_302 {
        %dma_wait3A_431 = arith.constant 0 : i32
        %dma_wait3A_432 = arith.constant 0 : i32
        %dma_wait3A_433 = tpu.memref_slice %arg2[%dma_wait3A_431, %dma_wait3A_432] : memref<10000x128xf32, #tpu.memory_space<hbm>> -> memref<10000x128xf32, #tpu.memory_space<hbm>>
        tpu.wait_indirect_dma semaphore(%arg38 : memref<!tpu.dma_semaphore, #tpu.memory_space<semaphore_mem>>) src(%dma_wait3A_433 : memref<10000x128xf32, #tpu.memory_space<hbm>>) dst(%arg25 : memref<80x128xf32, #tpu.memory_space<vmem>>)
        %dma_start3A_434 = arith.constant 0 : i32
        %dma_start3A_435 = arith.constant 0 : i32
        %dma_start3A_436 = tpu.memref_slice %arg27[%dma_start3A_434, %dma_start3A_435] : memref<10000x128xf32, #tpu.memory_space<vmem_shared>> -> memref<10000x128xf32, #tpu.memory_space<vmem_shared>>
        tpu.enqueue_indirect_dma source(%arg25 : memref<80x128xf32, #tpu.memory_space<vmem>>) target(%dma_start3A_436 : memref<10000x128xf32, #tpu.memory_space<vmem_shared>>) offsets(%arg12 : memref<80xi32, #tpu.memory_space<vmem>>) semaphore(%arg42 : memref<!tpu.dma_semaphore, #tpu.memory_space<semaphore_mem>>) {add = true}
      } else {
      }
      %mul3A_303 = arith.constant 8 : i32
      %mul3A_304 = arith.muli %scan3A_176, %mul3A_303 : i32
      %add3A_305 = arith.constant 4 : i32
      %add3A_306 = arith.addi %mul3A_304, %add3A_305 : i32
      %ge3A_307 = arith.constant 4 : i32
      %ge3A_308 = arith.cmpi sge, %add3A_306, %ge3A_307 : i32
      %convert_element_type3A_309 = arith.extui %ge3A_308 : i1 to i32
      %cond3A_310 = arith.constant 0 : i32
      %cond3A_311 = arith.cmpi ne, %convert_element_type3A_309, %cond3A_310 : i32
      scf.if %cond3A_311 {
        %dma_wait3A_431 = arith.constant 0 : i32
        %dma_wait3A_432 = arith.constant 0 : i32
        %dma_wait3A_433 = tpu.memref_slice %arg27[%dma_wait3A_431, %dma_wait3A_432] : memref<10000x128xf32, #tpu.memory_space<vmem_shared>> -> memref<10000x128xf32, #tpu.memory_space<vmem_shared>>
        tpu.wait_indirect_dma semaphore(%arg40 : memref<!tpu.dma_semaphore, #tpu.memory_space<semaphore_mem>>) src(%arg23 : memref<80x128xf32, #tpu.memory_space<vmem>>) dst(%dma_wait3A_433 : memref<10000x128xf32, #tpu.memory_space<vmem_shared>>)
      } else {
      }
      %add3A_312 = arith.constant 4 : i32
      %add3A_313 = arith.addi %add3A_306, %add3A_312 : i32
      %lt3A_314 = arith.constant 125 : i32
      %lt3A_315 = arith.cmpi slt, %add3A_313, %lt3A_314 : i32
      %convert_element_type3A_316 = arith.extui %lt3A_315 : i1 to i32
      %cond3A_317 = arith.constant 0 : i32
      %cond3A_318 = arith.cmpi ne, %convert_element_type3A_316, %cond3A_317 : i32
      scf.if %cond3A_318 {
        %add3A_431 = arith.constant 4 : i32
        %add3A_432 = arith.addi %add3A_306, %add3A_431 : i32
        %mul3A_433 = arith.constant 10000 : i32
        %mul3A_434 = arith.muli %add3A, %mul3A_433 : i32
        %mul3A_435 = arith.constant 80 : i32
        %mul3A_436 = arith.muli %add3A_432, %mul3A_435 : i32
        %add3A_437 = arith.addi %mul3A_434, %mul3A_436 : i32
        %multiple_of3A_438 = tpu.assume_multiple %add3A_437, 8 : i32
        %dma_start3A_439 = tpu.memref_slice %arg3[%multiple_of3A_438] : memref<320000xi32, #tpu.memory_space<hbm>> -> memref<80xi32, #tpu.memory_space<hbm>>
        %dma_start3A_440 = tpu.memref_slice %arg3[%multiple_of3A_438] : memref<320000xi32, #tpu.memory_space<hbm>> -> memref<80xi32, #tpu.memory_space<hbm>>
        tpu.enqueue_dma source(%dma_start3A_440 : memref<80xi32, #tpu.memory_space<hbm>>) target(%arg7 : memref<80xi32, #tpu.memory_space<vmem>>) target_semaphore(%arg28 : memref<!tpu.dma_semaphore, #tpu.memory_space<semaphore_mem>>)
        %dma_start3A_441 = tpu.memref_slice %arg4[%multiple_of3A_438] : memref<320000xi32, #tpu.memory_space<hbm>> -> memref<80xi32, #tpu.memory_space<hbm>>
        %dma_start3A_442 = tpu.memref_slice %arg4[%multiple_of3A_438] : memref<320000xi32, #tpu.memory_space<hbm>> -> memref<80xi32, #tpu.memory_space<hbm>>
        tpu.enqueue_dma source(%dma_start3A_442 : memref<80xi32, #tpu.memory_space<hbm>>) target(%arg8 : memref<80xi32, #tpu.memory_space<vmem>>) target_semaphore(%arg28 : memref<!tpu.dma_semaphore, #tpu.memory_space<semaphore_mem>>)
      } else {
      }
      %dma_wait3A_319 = arith.constant 0 : i32
      %dma_wait3A_320 = tpu.memref_slice %arg3[%dma_wait3A_319] : memref<320000xi32, #tpu.memory_space<hbm>> -> memref<80xi32, #tpu.memory_space<hbm>>
      %dma_wait3A_321 = arith.constant 0 : i32
      %dma_wait3A_322 = tpu.memref_slice %arg3[%dma_wait3A_321] : memref<320000xi32, #tpu.memory_space<hbm>> -> memref<80xi32, #tpu.memory_space<hbm>>
      tpu.wait_dma2 semaphore(%arg32 : memref<!tpu.dma_semaphore, #tpu.memory_space<semaphore_mem>>) src(%dma_wait3A_322 : memref<80xi32, #tpu.memory_space<hbm>>) dst(%arg15 : memref<80xi32, #tpu.memory_space<vmem>>)
      %dma_wait3A_323 = arith.constant 0 : i32
      %dma_wait3A_324 = tpu.memref_slice %arg3[%dma_wait3A_323] : memref<320000xi32, #tpu.memory_space<hbm>> -> memref<80xi32, #tpu.memory_space<hbm>>
      %dma_wait3A_325 = arith.constant 0 : i32
      %dma_wait3A_326 = tpu.memref_slice %arg3[%dma_wait3A_325] : memref<320000xi32, #tpu.memory_space<hbm>> -> memref<80xi32, #tpu.memory_space<hbm>>
      tpu.wait_dma2 semaphore(%arg32 : memref<!tpu.dma_semaphore, #tpu.memory_space<semaphore_mem>>) src(%dma_wait3A_326 : memref<80xi32, #tpu.memory_space<hbm>>) dst(%arg16 : memref<80xi32, #tpu.memory_space<vmem>>)
      %dma_start3A_327 = arith.constant 0 : i32
      %dma_start3A_328 = arith.constant 0 : i32
      %dma_start3A_329 = tpu.memref_slice %arg2[%dma_start3A_327, %dma_start3A_328] : memref<10000x128xf32, #tpu.memory_space<hbm>> -> memref<10000x128xf32, #tpu.memory_space<hbm>>
      tpu.enqueue_indirect_dma source(%dma_start3A_329 : memref<10000x128xf32, #tpu.memory_space<hbm>>) target(%arg23 : memref<80x128xf32, #tpu.memory_space<vmem>>) offsets(%arg15 : memref<80xi32, #tpu.memory_space<vmem>>) semaphore(%arg36 : memref<!tpu.dma_semaphore, #tpu.memory_space<semaphore_mem>>)
      %ge3A_330 = arith.constant 1 : i32
      %ge3A_331 = arith.cmpi sge, %add3A_306, %ge3A_330 : i32
      %convert_element_type3A_332 = arith.extui %ge3A_331 : i1 to i32
      %cond3A_333 = arith.constant 0 : i32
      %cond3A_334 = arith.cmpi ne, %convert_element_type3A_332, %cond3A_333 : i32
      scf.if %cond3A_334 {
        %dma_wait3A_431 = arith.constant 0 : i32
        %dma_wait3A_432 = arith.constant 0 : i32
        %dma_wait3A_433 = tpu.memref_slice %arg2[%dma_wait3A_431, %dma_wait3A_432] : memref<10000x128xf32, #tpu.memory_space<hbm>> -> memref<10000x128xf32, #tpu.memory_space<hbm>>
        tpu.wait_indirect_dma semaphore(%arg39 : memref<!tpu.dma_semaphore, #tpu.memory_space<semaphore_mem>>) src(%dma_wait3A_433 : memref<10000x128xf32, #tpu.memory_space<hbm>>) dst(%arg26 : memref<80x128xf32, #tpu.memory_space<vmem>>)
        %dma_start3A_434 = arith.constant 0 : i32
        %dma_start3A_435 = arith.constant 0 : i32
        %dma_start3A_436 = tpu.memref_slice %arg27[%dma_start3A_434, %dma_start3A_435] : memref<10000x128xf32, #tpu.memory_space<vmem_shared>> -> memref<10000x128xf32, #tpu.memory_space<vmem_shared>>
        tpu.enqueue_indirect_dma source(%arg26 : memref<80x128xf32, #tpu.memory_space<vmem>>) target(%dma_start3A_436 : memref<10000x128xf32, #tpu.memory_space<vmem_shared>>) offsets(%arg14 : memref<80xi32, #tpu.memory_space<vmem>>) semaphore(%arg43 : memref<!tpu.dma_semaphore, #tpu.memory_space<semaphore_mem>>) {add = true}
      } else {
      }
      %mul3A_335 = arith.constant 8 : i32
      %mul3A_336 = arith.muli %scan3A_176, %mul3A_335 : i32
      %add3A_337 = arith.constant 5 : i32
      %add3A_338 = arith.addi %mul3A_336, %add3A_337 : i32
      %ge3A_339 = arith.constant 4 : i32
      %ge3A_340 = arith.cmpi sge, %add3A_338, %ge3A_339 : i32
      %convert_element_type3A_341 = arith.extui %ge3A_340 : i1 to i32
      %cond3A_342 = arith.constant 0 : i32
      %cond3A_343 = arith.cmpi ne, %convert_element_type3A_341, %cond3A_342 : i32
      scf.if %cond3A_343 {
        %dma_wait3A_431 = arith.constant 0 : i32
        %dma_wait3A_432 = arith.constant 0 : i32
        %dma_wait3A_433 = tpu.memref_slice %arg27[%dma_wait3A_431, %dma_wait3A_432] : memref<10000x128xf32, #tpu.memory_space<vmem_shared>> -> memref<10000x128xf32, #tpu.memory_space<vmem_shared>>
        tpu.wait_indirect_dma semaphore(%arg41 : memref<!tpu.dma_semaphore, #tpu.memory_space<semaphore_mem>>) src(%arg24 : memref<80x128xf32, #tpu.memory_space<vmem>>) dst(%dma_wait3A_433 : memref<10000x128xf32, #tpu.memory_space<vmem_shared>>)
      } else {
      }
      %add3A_344 = arith.constant 4 : i32
      %add3A_345 = arith.addi %add3A_338, %add3A_344 : i32
      %lt3A_346 = arith.constant 125 : i32
      %lt3A_347 = arith.cmpi slt, %add3A_345, %lt3A_346 : i32
      %convert_element_type3A_348 = arith.extui %lt3A_347 : i1 to i32
      %cond3A_349 = arith.constant 0 : i32
      %cond3A_350 = arith.cmpi ne, %convert_element_type3A_348, %cond3A_349 : i32
      scf.if %cond3A_350 {
        %add3A_431 = arith.constant 4 : i32
        %add3A_432 = arith.addi %add3A_338, %add3A_431 : i32
        %mul3A_433 = arith.constant 10000 : i32
        %mul3A_434 = arith.muli %add3A, %mul3A_433 : i32
        %mul3A_435 = arith.constant 80 : i32
        %mul3A_436 = arith.muli %add3A_432, %mul3A_435 : i32
        %add3A_437 = arith.addi %mul3A_434, %mul3A_436 : i32
        %multiple_of3A_438 = tpu.assume_multiple %add3A_437, 8 : i32
        %dma_start3A_439 = tpu.memref_slice %arg3[%multiple_of3A_438] : memref<320000xi32, #tpu.memory_space<hbm>> -> memref<80xi32, #tpu.memory_space<hbm>>
        %dma_start3A_440 = tpu.memref_slice %arg3[%multiple_of3A_438] : memref<320000xi32, #tpu.memory_space<hbm>> -> memref<80xi32, #tpu.memory_space<hbm>>
        tpu.enqueue_dma source(%dma_start3A_440 : memref<80xi32, #tpu.memory_space<hbm>>) target(%arg9 : memref<80xi32, #tpu.memory_space<vmem>>) target_semaphore(%arg29 : memref<!tpu.dma_semaphore, #tpu.memory_space<semaphore_mem>>)
        %dma_start3A_441 = tpu.memref_slice %arg4[%multiple_of3A_438] : memref<320000xi32, #tpu.memory_space<hbm>> -> memref<80xi32, #tpu.memory_space<hbm>>
        %dma_start3A_442 = tpu.memref_slice %arg4[%multiple_of3A_438] : memref<320000xi32, #tpu.memory_space<hbm>> -> memref<80xi32, #tpu.memory_space<hbm>>
        tpu.enqueue_dma source(%dma_start3A_442 : memref<80xi32, #tpu.memory_space<hbm>>) target(%arg10 : memref<80xi32, #tpu.memory_space<vmem>>) target_semaphore(%arg29 : memref<!tpu.dma_semaphore, #tpu.memory_space<semaphore_mem>>)
      } else {
      }
      %dma_wait3A_351 = arith.constant 0 : i32
      %dma_wait3A_352 = tpu.memref_slice %arg3[%dma_wait3A_351] : memref<320000xi32, #tpu.memory_space<hbm>> -> memref<80xi32, #tpu.memory_space<hbm>>
      %dma_wait3A_353 = arith.constant 0 : i32
      %dma_wait3A_354 = tpu.memref_slice %arg3[%dma_wait3A_353] : memref<320000xi32, #tpu.memory_space<hbm>> -> memref<80xi32, #tpu.memory_space<hbm>>
      tpu.wait_dma2 semaphore(%arg33 : memref<!tpu.dma_semaphore, #tpu.memory_space<semaphore_mem>>) src(%dma_wait3A_354 : memref<80xi32, #tpu.memory_space<hbm>>) dst(%arg17 : memref<80xi32, #tpu.memory_space<vmem>>)
      %dma_wait3A_355 = arith.constant 0 : i32
      %dma_wait3A_356 = tpu.memref_slice %arg3[%dma_wait3A_355] : memref<320000xi32, #tpu.memory_space<hbm>> -> memref<80xi32, #tpu.memory_space<hbm>>
      %dma_wait3A_357 = arith.constant 0 : i32
      %dma_wait3A_358 = tpu.memref_slice %arg3[%dma_wait3A_357] : memref<320000xi32, #tpu.memory_space<hbm>> -> memref<80xi32, #tpu.memory_space<hbm>>
      tpu.wait_dma2 semaphore(%arg33 : memref<!tpu.dma_semaphore, #tpu.memory_space<semaphore_mem>>) src(%dma_wait3A_358 : memref<80xi32, #tpu.memory_space<hbm>>) dst(%arg18 : memref<80xi32, #tpu.memory_space<vmem>>)
      %dma_start3A_359 = arith.constant 0 : i32
      %dma_start3A_360 = arith.constant 0 : i32
      %dma_start3A_361 = tpu.memref_slice %arg2[%dma_start3A_359, %dma_start3A_360] : memref<10000x128xf32, #tpu.memory_space<hbm>> -> memref<10000x128xf32, #tpu.memory_space<hbm>>
      tpu.enqueue_indirect_dma source(%dma_start3A_361 : memref<10000x128xf32, #tpu.memory_space<hbm>>) target(%arg24 : memref<80x128xf32, #tpu.memory_space<vmem>>) offsets(%arg17 : memref<80xi32, #tpu.memory_space<vmem>>) semaphore(%arg37 : memref<!tpu.dma_semaphore, #tpu.memory_space<semaphore_mem>>)
      %ge3A_362 = arith.constant 1 : i32
      %ge3A_363 = arith.cmpi sge, %add3A_338, %ge3A_362 : i32
      %convert_element_type3A_364 = arith.extui %ge3A_363 : i1 to i32
      %cond3A_365 = arith.constant 0 : i32
      %cond3A_366 = arith.cmpi ne, %convert_element_type3A_364, %cond3A_365 : i32
      scf.if %cond3A_366 {
        %dma_wait3A_431 = arith.constant 0 : i32
        %dma_wait3A_432 = arith.constant 0 : i32
        %dma_wait3A_433 = tpu.memref_slice %arg2[%dma_wait3A_431, %dma_wait3A_432] : memref<10000x128xf32, #tpu.memory_space<hbm>> -> memref<10000x128xf32, #tpu.memory_space<hbm>>
        tpu.wait_indirect_dma semaphore(%arg36 : memref<!tpu.dma_semaphore, #tpu.memory_space<semaphore_mem>>) src(%dma_wait3A_433 : memref<10000x128xf32, #tpu.memory_space<hbm>>) dst(%arg23 : memref<80x128xf32, #tpu.memory_space<vmem>>)
        %dma_start3A_434 = arith.constant 0 : i32
        %dma_start3A_435 = arith.constant 0 : i32
        %dma_start3A_436 = tpu.memref_slice %arg27[%dma_start3A_434, %dma_start3A_435] : memref<10000x128xf32, #tpu.memory_space<vmem_shared>> -> memref<10000x128xf32, #tpu.memory_space<vmem_shared>>
        tpu.enqueue_indirect_dma source(%arg23 : memref<80x128xf32, #tpu.memory_space<vmem>>) target(%dma_start3A_436 : memref<10000x128xf32, #tpu.memory_space<vmem_shared>>) offsets(%arg16 : memref<80xi32, #tpu.memory_space<vmem>>) semaphore(%arg40 : memref<!tpu.dma_semaphore, #tpu.memory_space<semaphore_mem>>) {add = true}
      } else {
      }
      %mul3A_367 = arith.constant 8 : i32
      %mul3A_368 = arith.muli %scan3A_176, %mul3A_367 : i32
      %add3A_369 = arith.constant 6 : i32
      %add3A_370 = arith.addi %mul3A_368, %add3A_369 : i32
      %ge3A_371 = arith.constant 4 : i32
      %ge3A_372 = arith.cmpi sge, %add3A_370, %ge3A_371 : i32
      %convert_element_type3A_373 = arith.extui %ge3A_372 : i1 to i32
      %cond3A_374 = arith.constant 0 : i32
      %cond3A_375 = arith.cmpi ne, %convert_element_type3A_373, %cond3A_374 : i32
      scf.if %cond3A_375 {
        %dma_wait3A_431 = arith.constant 0 : i32
        %dma_wait3A_432 = arith.constant 0 : i32
        %dma_wait3A_433 = tpu.memref_slice %arg27[%dma_wait3A_431, %dma_wait3A_432] : memref<10000x128xf32, #tpu.memory_space<vmem_shared>> -> memref<10000x128xf32, #tpu.memory_space<vmem_shared>>
        tpu.wait_indirect_dma semaphore(%arg42 : memref<!tpu.dma_semaphore, #tpu.memory_space<semaphore_mem>>) src(%arg25 : memref<80x128xf32, #tpu.memory_space<vmem>>) dst(%dma_wait3A_433 : memref<10000x128xf32, #tpu.memory_space<vmem_shared>>)
      } else {
      }
      %add3A_376 = arith.constant 4 : i32
      %add3A_377 = arith.addi %add3A_370, %add3A_376 : i32
      %lt3A_378 = arith.constant 125 : i32
      %lt3A_379 = arith.cmpi slt, %add3A_377, %lt3A_378 : i32
      %convert_element_type3A_380 = arith.extui %lt3A_379 : i1 to i32
      %cond3A_381 = arith.constant 0 : i32
      %cond3A_382 = arith.cmpi ne, %convert_element_type3A_380, %cond3A_381 : i32
      scf.if %cond3A_382 {
        %add3A_431 = arith.constant 4 : i32
        %add3A_432 = arith.addi %add3A_370, %add3A_431 : i32
        %mul3A_433 = arith.constant 10000 : i32
        %mul3A_434 = arith.muli %add3A, %mul3A_433 : i32
        %mul3A_435 = arith.constant 80 : i32
        %mul3A_436 = arith.muli %add3A_432, %mul3A_435 : i32
        %add3A_437 = arith.addi %mul3A_434, %mul3A_436 : i32
        %multiple_of3A_438 = tpu.assume_multiple %add3A_437, 8 : i32
        %dma_start3A_439 = tpu.memref_slice %arg3[%multiple_of3A_438] : memref<320000xi32, #tpu.memory_space<hbm>> -> memref<80xi32, #tpu.memory_space<hbm>>
        %dma_start3A_440 = tpu.memref_slice %arg3[%multiple_of3A_438] : memref<320000xi32, #tpu.memory_space<hbm>> -> memref<80xi32, #tpu.memory_space<hbm>>
        tpu.enqueue_dma source(%dma_start3A_440 : memref<80xi32, #tpu.memory_space<hbm>>) target(%arg11 : memref<80xi32, #tpu.memory_space<vmem>>) target_semaphore(%arg30 : memref<!tpu.dma_semaphore, #tpu.memory_space<semaphore_mem>>)
        %dma_start3A_441 = tpu.memref_slice %arg4[%multiple_of3A_438] : memref<320000xi32, #tpu.memory_space<hbm>> -> memref<80xi32, #tpu.memory_space<hbm>>
        %dma_start3A_442 = tpu.memref_slice %arg4[%multiple_of3A_438] : memref<320000xi32, #tpu.memory_space<hbm>> -> memref<80xi32, #tpu.memory_space<hbm>>
        tpu.enqueue_dma source(%dma_start3A_442 : memref<80xi32, #tpu.memory_space<hbm>>) target(%arg12 : memref<80xi32, #tpu.memory_space<vmem>>) target_semaphore(%arg30 : memref<!tpu.dma_semaphore, #tpu.memory_space<semaphore_mem>>)
      } else {
      }
      %dma_wait3A_383 = arith.constant 0 : i32
      %dma_wait3A_384 = tpu.memref_slice %arg3[%dma_wait3A_383] : memref<320000xi32, #tpu.memory_space<hbm>> -> memref<80xi32, #tpu.memory_space<hbm>>
      %dma_wait3A_385 = arith.constant 0 : i32
      %dma_wait3A_386 = tpu.memref_slice %arg3[%dma_wait3A_385] : memref<320000xi32, #tpu.memory_space<hbm>> -> memref<80xi32, #tpu.memory_space<hbm>>
      tpu.wait_dma2 semaphore(%arg34 : memref<!tpu.dma_semaphore, #tpu.memory_space<semaphore_mem>>) src(%dma_wait3A_386 : memref<80xi32, #tpu.memory_space<hbm>>) dst(%arg19 : memref<80xi32, #tpu.memory_space<vmem>>)
      %dma_wait3A_387 = arith.constant 0 : i32
      %dma_wait3A_388 = tpu.memref_slice %arg3[%dma_wait3A_387] : memref<320000xi32, #tpu.memory_space<hbm>> -> memref<80xi32, #tpu.memory_space<hbm>>
      %dma_wait3A_389 = arith.constant 0 : i32
      %dma_wait3A_390 = tpu.memref_slice %arg3[%dma_wait3A_389] : memref<320000xi32, #tpu.memory_space<hbm>> -> memref<80xi32, #tpu.memory_space<hbm>>
      tpu.wait_dma2 semaphore(%arg34 : memref<!tpu.dma_semaphore, #tpu.memory_space<semaphore_mem>>) src(%dma_wait3A_390 : memref<80xi32, #tpu.memory_space<hbm>>) dst(%arg20 : memref<80xi32, #tpu.memory_space<vmem>>)
      %dma_start3A_391 = arith.constant 0 : i32
      %dma_start3A_392 = arith.constant 0 : i32
      %dma_start3A_393 = tpu.memref_slice %arg2[%dma_start3A_391, %dma_start3A_392] : memref<10000x128xf32, #tpu.memory_space<hbm>> -> memref<10000x128xf32, #tpu.memory_space<hbm>>
      tpu.enqueue_indirect_dma source(%dma_start3A_393 : memref<10000x128xf32, #tpu.memory_space<hbm>>) target(%arg25 : memref<80x128xf32, #tpu.memory_space<vmem>>) offsets(%arg19 : memref<80xi32, #tpu.memory_space<vmem>>) semaphore(%arg38 : memref<!tpu.dma_semaphore, #tpu.memory_space<semaphore_mem>>)
      %ge3A_394 = arith.constant 1 : i32
      %ge3A_395 = arith.cmpi sge, %add3A_370, %ge3A_394 : i32
      %convert_element_type3A_396 = arith.extui %ge3A_395 : i1 to i32
      %cond3A_397 = arith.constant 0 : i32
      %cond3A_398 = arith.cmpi ne, %convert_element_type3A_396, %cond3A_397 : i32
      scf.if %cond3A_398 {
        %dma_wait3A_431 = arith.constant 0 : i32
        %dma_wait3A_432 = arith.constant 0 : i32
        %dma_wait3A_433 = tpu.memref_slice %arg2[%dma_wait3A_431, %dma_wait3A_432] : memref<10000x128xf32, #tpu.memory_space<hbm>> -> memref<10000x128xf32, #tpu.memory_space<hbm>>
        tpu.wait_indirect_dma semaphore(%arg37 : memref<!tpu.dma_semaphore, #tpu.memory_space<semaphore_mem>>) src(%dma_wait3A_433 : memref<10000x128xf32, #tpu.memory_space<hbm>>) dst(%arg24 : memref<80x128xf32, #tpu.memory_space<vmem>>)
        %dma_start3A_434 = arith.constant 0 : i32
        %dma_start3A_435 = arith.constant 0 : i32
        %dma_start3A_436 = tpu.memref_slice %arg27[%dma_start3A_434, %dma_start3A_435] : memref<10000x128xf32, #tpu.memory_space<vmem_shared>> -> memref<10000x128xf32, #tpu.memory_space<vmem_shared>>
        tpu.enqueue_indirect_dma source(%arg24 : memref<80x128xf32, #tpu.memory_space<vmem>>) target(%dma_start3A_436 : memref<10000x128xf32, #tpu.memory_space<vmem_shared>>) offsets(%arg18 : memref<80xi32, #tpu.memory_space<vmem>>) semaphore(%arg41 : memref<!tpu.dma_semaphore, #tpu.memory_space<semaphore_mem>>) {add = true}
      } else {
      }
      %mul3A_399 = arith.constant 8 : i32
      %mul3A_400 = arith.muli %scan3A_176, %mul3A_399 : i32
      %add3A_401 = arith.constant 7 : i32
      %add3A_402 = arith.addi %mul3A_400, %add3A_401 : i32
      %ge3A_403 = arith.constant 4 : i32
      %ge3A_404 = arith.cmpi sge, %add3A_402, %ge3A_403 : i32
      %convert_element_type3A_405 = arith.extui %ge3A_404 : i1 to i32
      %cond3A_406 = arith.constant 0 : i32
      %cond3A_407 = arith.cmpi ne, %convert_element_type3A_405, %cond3A_406 : i32
      scf.if %cond3A_407 {
        %dma_wait3A_431 = arith.constant 0 : i32
        %dma_wait3A_432 = arith.constant 0 : i32
        %dma_wait3A_433 = tpu.memref_slice %arg27[%dma_wait3A_431, %dma_wait3A_432] : memref<10000x128xf32, #tpu.memory_space<vmem_shared>> -> memref<10000x128xf32, #tpu.memory_space<vmem_shared>>
        tpu.wait_indirect_dma semaphore(%arg43 : memref<!tpu.dma_semaphore, #tpu.memory_space<semaphore_mem>>) src(%arg26 : memref<80x128xf32, #tpu.memory_space<vmem>>) dst(%dma_wait3A_433 : memref<10000x128xf32, #tpu.memory_space<vmem_shared>>)
      } else {
      }
      %add3A_408 = arith.constant 4 : i32
      %add3A_409 = arith.addi %add3A_402, %add3A_408 : i32
      %lt3A_410 = arith.constant 125 : i32
      %lt3A_411 = arith.cmpi slt, %add3A_409, %lt3A_410 : i32
      %convert_element_type3A_412 = arith.extui %lt3A_411 : i1 to i32
      %cond3A_413 = arith.constant 0 : i32
      %cond3A_414 = arith.cmpi ne, %convert_element_type3A_412, %cond3A_413 : i32
      scf.if %cond3A_414 {
        %add3A_431 = arith.constant 4 : i32
        %add3A_432 = arith.addi %add3A_402, %add3A_431 : i32
        %mul3A_433 = arith.constant 10000 : i32
        %mul3A_434 = arith.muli %add3A, %mul3A_433 : i32
        %mul3A_435 = arith.constant 80 : i32
        %mul3A_436 = arith.muli %add3A_432, %mul3A_435 : i32
        %add3A_437 = arith.addi %mul3A_434, %mul3A_436 : i32
        %multiple_of3A_438 = tpu.assume_multiple %add3A_437, 8 : i32
        %dma_start3A_439 = tpu.memref_slice %arg3[%multiple_of3A_438] : memref<320000xi32, #tpu.memory_space<hbm>> -> memref<80xi32, #tpu.memory_space<hbm>>
        %dma_start3A_440 = tpu.memref_slice %arg3[%multiple_of3A_438] : memref<320000xi32, #tpu.memory_space<hbm>> -> memref<80xi32, #tpu.memory_space<hbm>>
        tpu.enqueue_dma source(%dma_start3A_440 : memref<80xi32, #tpu.memory_space<hbm>>) target(%arg13 : memref<80xi32, #tpu.memory_space<vmem>>) target_semaphore(%arg31 : memref<!tpu.dma_semaphore, #tpu.memory_space<semaphore_mem>>)
        %dma_start3A_441 = tpu.memref_slice %arg4[%multiple_of3A_438] : memref<320000xi32, #tpu.memory_space<hbm>> -> memref<80xi32, #tpu.memory_space<hbm>>
        %dma_start3A_442 = tpu.memref_slice %arg4[%multiple_of3A_438] : memref<320000xi32, #tpu.memory_space<hbm>> -> memref<80xi32, #tpu.memory_space<hbm>>
        tpu.enqueue_dma source(%dma_start3A_442 : memref<80xi32, #tpu.memory_space<hbm>>) target(%arg14 : memref<80xi32, #tpu.memory_space<vmem>>) target_semaphore(%arg31 : memref<!tpu.dma_semaphore, #tpu.memory_space<semaphore_mem>>)
      } else {
      }
      %dma_wait3A_415 = arith.constant 0 : i32
      %dma_wait3A_416 = tpu.memref_slice %arg3[%dma_wait3A_415] : memref<320000xi32, #tpu.memory_space<hbm>> -> memref<80xi32, #tpu.memory_space<hbm>>
      %dma_wait3A_417 = arith.constant 0 : i32
      %dma_wait3A_418 = tpu.memref_slice %arg3[%dma_wait3A_417] : memref<320000xi32, #tpu.memory_space<hbm>> -> memref<80xi32, #tpu.memory_space<hbm>>
      tpu.wait_dma2 semaphore(%arg35 : memref<!tpu.dma_semaphore, #tpu.memory_space<semaphore_mem>>) src(%dma_wait3A_418 : memref<80xi32, #tpu.memory_space<hbm>>) dst(%arg21 : memref<80xi32, #tpu.memory_space<vmem>>)
      %dma_wait3A_419 = arith.constant 0 : i32
      %dma_wait3A_420 = tpu.memref_slice %arg3[%dma_wait3A_419] : memref<320000xi32, #tpu.memory_space<hbm>> -> memref<80xi32, #tpu.memory_space<hbm>>
      %dma_wait3A_421 = arith.constant 0 : i32
      %dma_wait3A_422 = tpu.memref_slice %arg3[%dma_wait3A_421] : memref<320000xi32, #tpu.memory_space<hbm>> -> memref<80xi32, #tpu.memory_space<hbm>>
      tpu.wait_dma2 semaphore(%arg35 : memref<!tpu.dma_semaphore, #tpu.memory_space<semaphore_mem>>) src(%dma_wait3A_422 : memref<80xi32, #tpu.memory_space<hbm>>) dst(%arg22 : memref<80xi32, #tpu.memory_space<vmem>>)
      %dma_start3A_423 = arith.constant 0 : i32
      %dma_start3A_424 = arith.constant 0 : i32
      %dma_start3A_425 = tpu.memref_slice %arg2[%dma_start3A_423, %dma_start3A_424] : memref<10000x128xf32, #tpu.memory_space<hbm>> -> memref<10000x128xf32, #tpu.memory_space<hbm>>
      tpu.enqueue_indirect_dma source(%dma_start3A_425 : memref<10000x128xf32, #tpu.memory_space<hbm>>) target(%arg26 : memref<80x128xf32, #tpu.memory_space<vmem>>) offsets(%arg21 : memref<80xi32, #tpu.memory_space<vmem>>) semaphore(%arg39 : memref<!tpu.dma_semaphore, #tpu.memory_space<semaphore_mem>>)
      %ge3A_426 = arith.constant 1 : i32
      %ge3A_427 = arith.cmpi sge, %add3A_402, %ge3A_426 : i32
      %convert_element_type3A_428 = arith.extui %ge3A_427 : i1 to i32
      %cond3A_429 = arith.constant 0 : i32
      %cond3A_430 = arith.cmpi ne, %convert_element_type3A_428, %cond3A_429 : i32
      scf.if %cond3A_430 {
        %dma_wait3A_431 = arith.constant 0 : i32
        %dma_wait3A_432 = arith.constant 0 : i32
        %dma_wait3A_433 = tpu.memref_slice %arg2[%dma_wait3A_431, %dma_wait3A_432] : memref<10000x128xf32, #tpu.memory_space<hbm>> -> memref<10000x128xf32, #tpu.memory_space<hbm>>
        tpu.wait_indirect_dma semaphore(%arg38 : memref<!tpu.dma_semaphore, #tpu.memory_space<semaphore_mem>>) src(%dma_wait3A_433 : memref<10000x128xf32, #tpu.memory_space<hbm>>) dst(%arg25 : memref<80x128xf32, #tpu.memory_space<vmem>>)
        %dma_start3A_434 = arith.constant 0 : i32
        %dma_start3A_435 = arith.constant 0 : i32
        %dma_start3A_436 = tpu.memref_slice %arg27[%dma_start3A_434, %dma_start3A_435] : memref<10000x128xf32, #tpu.memory_space<vmem_shared>> -> memref<10000x128xf32, #tpu.memory_space<vmem_shared>>
        tpu.enqueue_indirect_dma source(%arg25 : memref<80x128xf32, #tpu.memory_space<vmem>>) target(%dma_start3A_436 : memref<10000x128xf32, #tpu.memory_space<vmem_shared>>) offsets(%arg20 : memref<80xi32, #tpu.memory_space<vmem>>) semaphore(%arg42 : memref<!tpu.dma_semaphore, #tpu.memory_space<semaphore_mem>>) {add = true}
      } else {
      }
    }
    %scan3A_43 = arith.constant 15 : i32
    %dma_wait3A = arith.constant 0 : i32
    %dma_wait3A_44 = arith.constant 0 : i32
    %dma_wait3A_45 = tpu.memref_slice %arg27[%dma_wait3A, %dma_wait3A_44] : memref<10000x128xf32, #tpu.memory_space<vmem_shared>> -> memref<10000x128xf32, #tpu.memory_space<vmem_shared>>
    tpu.wait_indirect_dma semaphore(%arg40 : memref<!tpu.dma_semaphore, #tpu.memory_space<semaphore_mem>>) src(%arg23 : memref<80x128xf32, #tpu.memory_space<vmem>>) dst(%dma_wait3A_45 : memref<10000x128xf32, #tpu.memory_space<vmem_shared>>)
    %mul3A_46 = arith.constant 10000 : i32
    %mul3A_47 = arith.muli %add3A, %mul3A_46 : i32
    %add3A_48 = arith.constant 9920 : i32
    %add3A_49 = arith.addi %mul3A_47, %add3A_48 : i32
    %multiple_of3A_50 = tpu.assume_multiple %add3A_49, 8 : i32
    %dma_start3A_51 = tpu.memref_slice %arg3[%multiple_of3A_50] : memref<320000xi32, #tpu.memory_space<hbm>> -> memref<80xi32, #tpu.memory_space<hbm>>
    %dma_start3A_52 = tpu.memref_slice %arg3[%multiple_of3A_50] : memref<320000xi32, #tpu.memory_space<hbm>> -> memref<80xi32, #tpu.memory_space<hbm>>
    tpu.enqueue_dma source(%dma_start3A_52 : memref<80xi32, #tpu.memory_space<hbm>>) target(%arg15 : memref<80xi32, #tpu.memory_space<vmem>>) target_semaphore(%arg32 : memref<!tpu.dma_semaphore, #tpu.memory_space<semaphore_mem>>)
    %dma_start3A_53 = tpu.memref_slice %arg4[%multiple_of3A_50] : memref<320000xi32, #tpu.memory_space<hbm>> -> memref<80xi32, #tpu.memory_space<hbm>>
    %dma_start3A_54 = tpu.memref_slice %arg4[%multiple_of3A_50] : memref<320000xi32, #tpu.memory_space<hbm>> -> memref<80xi32, #tpu.memory_space<hbm>>
    tpu.enqueue_dma source(%dma_start3A_54 : memref<80xi32, #tpu.memory_space<hbm>>) target(%arg16 : memref<80xi32, #tpu.memory_space<vmem>>) target_semaphore(%arg32 : memref<!tpu.dma_semaphore, #tpu.memory_space<semaphore_mem>>)
    %dma_wait3A_55 = arith.constant 0 : i32
    %dma_wait3A_56 = tpu.memref_slice %arg3[%dma_wait3A_55] : memref<320000xi32, #tpu.memory_space<hbm>> -> memref<80xi32, #tpu.memory_space<hbm>>
    %dma_wait3A_57 = arith.constant 0 : i32
    %dma_wait3A_58 = tpu.memref_slice %arg3[%dma_wait3A_57] : memref<320000xi32, #tpu.memory_space<hbm>> -> memref<80xi32, #tpu.memory_space<hbm>>
    tpu.wait_dma2 semaphore(%arg28 : memref<!tpu.dma_semaphore, #tpu.memory_space<semaphore_mem>>) src(%dma_wait3A_58 : memref<80xi32, #tpu.memory_space<hbm>>) dst(%arg7 : memref<80xi32, #tpu.memory_space<vmem>>)
    %dma_wait3A_59 = arith.constant 0 : i32
    %dma_wait3A_60 = tpu.memref_slice %arg3[%dma_wait3A_59] : memref<320000xi32, #tpu.memory_space<hbm>> -> memref<80xi32, #tpu.memory_space<hbm>>
    %dma_wait3A_61 = arith.constant 0 : i32
    %dma_wait3A_62 = tpu.memref_slice %arg3[%dma_wait3A_61] : memref<320000xi32, #tpu.memory_space<hbm>> -> memref<80xi32, #tpu.memory_space<hbm>>
    tpu.wait_dma2 semaphore(%arg28 : memref<!tpu.dma_semaphore, #tpu.memory_space<semaphore_mem>>) src(%dma_wait3A_62 : memref<80xi32, #tpu.memory_space<hbm>>) dst(%arg8 : memref<80xi32, #tpu.memory_space<vmem>>)
    %dma_start3A_63 = arith.constant 0 : i32
    %dma_start3A_64 = arith.constant 0 : i32
    %dma_start3A_65 = tpu.memref_slice %arg2[%dma_start3A_63, %dma_start3A_64] : memref<10000x128xf32, #tpu.memory_space<hbm>> -> memref<10000x128xf32, #tpu.memory_space<hbm>>
    tpu.enqueue_indirect_dma source(%dma_start3A_65 : memref<10000x128xf32, #tpu.memory_space<hbm>>) target(%arg23 : memref<80x128xf32, #tpu.memory_space<vmem>>) offsets(%arg7 : memref<80xi32, #tpu.memory_space<vmem>>) semaphore(%arg36 : memref<!tpu.dma_semaphore, #tpu.memory_space<semaphore_mem>>)
    %dma_wait3A_66 = arith.constant 0 : i32
    %dma_wait3A_67 = arith.constant 0 : i32
    %dma_wait3A_68 = tpu.memref_slice %arg2[%dma_wait3A_66, %dma_wait3A_67] : memref<10000x128xf32, #tpu.memory_space<hbm>> -> memref<10000x128xf32, #tpu.memory_space<hbm>>
    tpu.wait_indirect_dma semaphore(%arg39 : memref<!tpu.dma_semaphore, #tpu.memory_space<semaphore_mem>>) src(%dma_wait3A_68 : memref<10000x128xf32, #tpu.memory_space<hbm>>) dst(%arg26 : memref<80x128xf32, #tpu.memory_space<vmem>>)
    %dma_start3A_69 = arith.constant 0 : i32
    %dma_start3A_70 = arith.constant 0 : i32
    %dma_start3A_71 = tpu.memref_slice %arg27[%dma_start3A_69, %dma_start3A_70] : memref<10000x128xf32, #tpu.memory_space<vmem_shared>> -> memref<10000x128xf32, #tpu.memory_space<vmem_shared>>
    tpu.enqueue_indirect_dma source(%arg26 : memref<80x128xf32, #tpu.memory_space<vmem>>) target(%dma_start3A_71 : memref<10000x128xf32, #tpu.memory_space<vmem_shared>>) offsets(%arg22 : memref<80xi32, #tpu.memory_space<vmem>>) semaphore(%arg43 : memref<!tpu.dma_semaphore, #tpu.memory_space<semaphore_mem>>) {add = true}
    %dma_wait3A_72 = arith.constant 0 : i32
    %dma_wait3A_73 = arith.constant 0 : i32
    %dma_wait3A_74 = tpu.memref_slice %arg27[%dma_wait3A_72, %dma_wait3A_73] : memref<10000x128xf32, #tpu.memory_space<vmem_shared>> -> memref<10000x128xf32, #tpu.memory_space<vmem_shared>>
    tpu.wait_indirect_dma semaphore(%arg41 : memref<!tpu.dma_semaphore, #tpu.memory_space<semaphore_mem>>) src(%arg24 : memref<80x128xf32, #tpu.memory_space<vmem>>) dst(%dma_wait3A_74 : memref<10000x128xf32, #tpu.memory_space<vmem_shared>>)
    %dma_wait3A_75 = arith.constant 0 : i32
    %dma_wait3A_76 = tpu.memref_slice %arg3[%dma_wait3A_75] : memref<320000xi32, #tpu.memory_space<hbm>> -> memref<80xi32, #tpu.memory_space<hbm>>
    %dma_wait3A_77 = arith.constant 0 : i32
    %dma_wait3A_78 = tpu.memref_slice %arg3[%dma_wait3A_77] : memref<320000xi32, #tpu.memory_space<hbm>> -> memref<80xi32, #tpu.memory_space<hbm>>
    tpu.wait_dma2 semaphore(%arg29 : memref<!tpu.dma_semaphore, #tpu.memory_space<semaphore_mem>>) src(%dma_wait3A_78 : memref<80xi32, #tpu.memory_space<hbm>>) dst(%arg9 : memref<80xi32, #tpu.memory_space<vmem>>)
    %dma_wait3A_79 = arith.constant 0 : i32
    %dma_wait3A_80 = tpu.memref_slice %arg3[%dma_wait3A_79] : memref<320000xi32, #tpu.memory_space<hbm>> -> memref<80xi32, #tpu.memory_space<hbm>>
    %dma_wait3A_81 = arith.constant 0 : i32
    %dma_wait3A_82 = tpu.memref_slice %arg3[%dma_wait3A_81] : memref<320000xi32, #tpu.memory_space<hbm>> -> memref<80xi32, #tpu.memory_space<hbm>>
    tpu.wait_dma2 semaphore(%arg29 : memref<!tpu.dma_semaphore, #tpu.memory_space<semaphore_mem>>) src(%dma_wait3A_82 : memref<80xi32, #tpu.memory_space<hbm>>) dst(%arg10 : memref<80xi32, #tpu.memory_space<vmem>>)
    %dma_start3A_83 = arith.constant 0 : i32
    %dma_start3A_84 = arith.constant 0 : i32
    %dma_start3A_85 = tpu.memref_slice %arg2[%dma_start3A_83, %dma_start3A_84] : memref<10000x128xf32, #tpu.memory_space<hbm>> -> memref<10000x128xf32, #tpu.memory_space<hbm>>
    tpu.enqueue_indirect_dma source(%dma_start3A_85 : memref<10000x128xf32, #tpu.memory_space<hbm>>) target(%arg24 : memref<80x128xf32, #tpu.memory_space<vmem>>) offsets(%arg9 : memref<80xi32, #tpu.memory_space<vmem>>) semaphore(%arg37 : memref<!tpu.dma_semaphore, #tpu.memory_space<semaphore_mem>>)
    %dma_wait3A_86 = arith.constant 0 : i32
    %dma_wait3A_87 = arith.constant 0 : i32
    %dma_wait3A_88 = tpu.memref_slice %arg2[%dma_wait3A_86, %dma_wait3A_87] : memref<10000x128xf32, #tpu.memory_space<hbm>> -> memref<10000x128xf32, #tpu.memory_space<hbm>>
    tpu.wait_indirect_dma semaphore(%arg36 : memref<!tpu.dma_semaphore, #tpu.memory_space<semaphore_mem>>) src(%dma_wait3A_88 : memref<10000x128xf32, #tpu.memory_space<hbm>>) dst(%arg23 : memref<80x128xf32, #tpu.memory_space<vmem>>)
    %dma_start3A_89 = arith.constant 0 : i32
    %dma_start3A_90 = arith.constant 0 : i32
    %dma_start3A_91 = tpu.memref_slice %arg27[%dma_start3A_89, %dma_start3A_90] : memref<10000x128xf32, #tpu.memory_space<vmem_shared>> -> memref<10000x128xf32, #tpu.memory_space<vmem_shared>>
    tpu.enqueue_indirect_dma source(%arg23 : memref<80x128xf32, #tpu.memory_space<vmem>>) target(%dma_start3A_91 : memref<10000x128xf32, #tpu.memory_space<vmem_shared>>) offsets(%arg8 : memref<80xi32, #tpu.memory_space<vmem>>) semaphore(%arg40 : memref<!tpu.dma_semaphore, #tpu.memory_space<semaphore_mem>>) {add = true}
    %dma_wait3A_92 = arith.constant 0 : i32
    %dma_wait3A_93 = arith.constant 0 : i32
    %dma_wait3A_94 = tpu.memref_slice %arg27[%dma_wait3A_92, %dma_wait3A_93] : memref<10000x128xf32, #tpu.memory_space<vmem_shared>> -> memref<10000x128xf32, #tpu.memory_space<vmem_shared>>
    tpu.wait_indirect_dma semaphore(%arg42 : memref<!tpu.dma_semaphore, #tpu.memory_space<semaphore_mem>>) src(%arg25 : memref<80x128xf32, #tpu.memory_space<vmem>>) dst(%dma_wait3A_94 : memref<10000x128xf32, #tpu.memory_space<vmem_shared>>)
    %dma_wait3A_95 = arith.constant 0 : i32
    %dma_wait3A_96 = tpu.memref_slice %arg3[%dma_wait3A_95] : memref<320000xi32, #tpu.memory_space<hbm>> -> memref<80xi32, #tpu.memory_space<hbm>>
    %dma_wait3A_97 = arith.constant 0 : i32
    %dma_wait3A_98 = tpu.memref_slice %arg3[%dma_wait3A_97] : memref<320000xi32, #tpu.memory_space<hbm>> -> memref<80xi32, #tpu.memory_space<hbm>>
    tpu.wait_dma2 semaphore(%arg30 : memref<!tpu.dma_semaphore, #tpu.memory_space<semaphore_mem>>) src(%dma_wait3A_98 : memref<80xi32, #tpu.memory_space<hbm>>) dst(%arg11 : memref<80xi32, #tpu.memory_space<vmem>>)
    %dma_wait3A_99 = arith.constant 0 : i32
    %dma_wait3A_100 = tpu.memref_slice %arg3[%dma_wait3A_99] : memref<320000xi32, #tpu.memory_space<hbm>> -> memref<80xi32, #tpu.memory_space<hbm>>
    %dma_wait3A_101 = arith.constant 0 : i32
    %dma_wait3A_102 = tpu.memref_slice %arg3[%dma_wait3A_101] : memref<320000xi32, #tpu.memory_space<hbm>> -> memref<80xi32, #tpu.memory_space<hbm>>
    tpu.wait_dma2 semaphore(%arg30 : memref<!tpu.dma_semaphore, #tpu.memory_space<semaphore_mem>>) src(%dma_wait3A_102 : memref<80xi32, #tpu.memory_space<hbm>>) dst(%arg12 : memref<80xi32, #tpu.memory_space<vmem>>)
    %dma_start3A_103 = arith.constant 0 : i32
    %dma_start3A_104 = arith.constant 0 : i32
    %dma_start3A_105 = tpu.memref_slice %arg2[%dma_start3A_103, %dma_start3A_104] : memref<10000x128xf32, #tpu.memory_space<hbm>> -> memref<10000x128xf32, #tpu.memory_space<hbm>>
    tpu.enqueue_indirect_dma source(%dma_start3A_105 : memref<10000x128xf32, #tpu.memory_space<hbm>>) target(%arg25 : memref<80x128xf32, #tpu.memory_space<vmem>>) offsets(%arg11 : memref<80xi32, #tpu.memory_space<vmem>>) semaphore(%arg38 : memref<!tpu.dma_semaphore, #tpu.memory_space<semaphore_mem>>)
    %dma_wait3A_106 = arith.constant 0 : i32
    %dma_wait3A_107 = arith.constant 0 : i32
    %dma_wait3A_108 = tpu.memref_slice %arg2[%dma_wait3A_106, %dma_wait3A_107] : memref<10000x128xf32, #tpu.memory_space<hbm>> -> memref<10000x128xf32, #tpu.memory_space<hbm>>
    tpu.wait_indirect_dma semaphore(%arg37 : memref<!tpu.dma_semaphore, #tpu.memory_space<semaphore_mem>>) src(%dma_wait3A_108 : memref<10000x128xf32, #tpu.memory_space<hbm>>) dst(%arg24 : memref<80x128xf32, #tpu.memory_space<vmem>>)
    %dma_start3A_109 = arith.constant 0 : i32
    %dma_start3A_110 = arith.constant 0 : i32
    %dma_start3A_111 = tpu.memref_slice %arg27[%dma_start3A_109, %dma_start3A_110] : memref<10000x128xf32, #tpu.memory_space<vmem_shared>> -> memref<10000x128xf32, #tpu.memory_space<vmem_shared>>
    tpu.enqueue_indirect_dma source(%arg24 : memref<80x128xf32, #tpu.memory_space<vmem>>) target(%dma_start3A_111 : memref<10000x128xf32, #tpu.memory_space<vmem_shared>>) offsets(%arg10 : memref<80xi32, #tpu.memory_space<vmem>>) semaphore(%arg41 : memref<!tpu.dma_semaphore, #tpu.memory_space<semaphore_mem>>) {add = true}
    %dma_wait3A_112 = arith.constant 0 : i32
    %dma_wait3A_113 = arith.constant 0 : i32
    %dma_wait3A_114 = tpu.memref_slice %arg27[%dma_wait3A_112, %dma_wait3A_113] : memref<10000x128xf32, #tpu.memory_space<vmem_shared>> -> memref<10000x128xf32, #tpu.memory_space<vmem_shared>>
    tpu.wait_indirect_dma semaphore(%arg43 : memref<!tpu.dma_semaphore, #tpu.memory_space<semaphore_mem>>) src(%arg26 : memref<80x128xf32, #tpu.memory_space<vmem>>) dst(%dma_wait3A_114 : memref<10000x128xf32, #tpu.memory_space<vmem_shared>>)
    %dma_wait3A_115 = arith.constant 0 : i32
    %dma_wait3A_116 = tpu.memref_slice %arg3[%dma_wait3A_115] : memref<320000xi32, #tpu.memory_space<hbm>> -> memref<80xi32, #tpu.memory_space<hbm>>
    %dma_wait3A_117 = arith.constant 0 : i32
    %dma_wait3A_118 = tpu.memref_slice %arg3[%dma_wait3A_117] : memref<320000xi32, #tpu.memory_space<hbm>> -> memref<80xi32, #tpu.memory_space<hbm>>
    tpu.wait_dma2 semaphore(%arg31 : memref<!tpu.dma_semaphore, #tpu.memory_space<semaphore_mem>>) src(%dma_wait3A_118 : memref<80xi32, #tpu.memory_space<hbm>>) dst(%arg13 : memref<80xi32, #tpu.memory_space<vmem>>)
    %dma_wait3A_119 = arith.constant 0 : i32
    %dma_wait3A_120 = tpu.memref_slice %arg3[%dma_wait3A_119] : memref<320000xi32, #tpu.memory_space<hbm>> -> memref<80xi32, #tpu.memory_space<hbm>>
    %dma_wait3A_121 = arith.constant 0 : i32
    %dma_wait3A_122 = tpu.memref_slice %arg3[%dma_wait3A_121] : memref<320000xi32, #tpu.memory_space<hbm>> -> memref<80xi32, #tpu.memory_space<hbm>>
    tpu.wait_dma2 semaphore(%arg31 : memref<!tpu.dma_semaphore, #tpu.memory_space<semaphore_mem>>) src(%dma_wait3A_122 : memref<80xi32, #tpu.memory_space<hbm>>) dst(%arg14 : memref<80xi32, #tpu.memory_space<vmem>>)
    %dma_start3A_123 = arith.constant 0 : i32
    %dma_start3A_124 = arith.constant 0 : i32
    %dma_start3A_125 = tpu.memref_slice %arg2[%dma_start3A_123, %dma_start3A_124] : memref<10000x128xf32, #tpu.memory_space<hbm>> -> memref<10000x128xf32, #tpu.memory_space<hbm>>
    tpu.enqueue_indirect_dma source(%dma_start3A_125 : memref<10000x128xf32, #tpu.memory_space<hbm>>) target(%arg26 : memref<80x128xf32, #tpu.memory_space<vmem>>) offsets(%arg13 : memref<80xi32, #tpu.memory_space<vmem>>) semaphore(%arg39 : memref<!tpu.dma_semaphore, #tpu.memory_space<semaphore_mem>>)
    %dma_wait3A_126 = arith.constant 0 : i32
    %dma_wait3A_127 = arith.constant 0 : i32
    %dma_wait3A_128 = tpu.memref_slice %arg2[%dma_wait3A_126, %dma_wait3A_127] : memref<10000x128xf32, #tpu.memory_space<hbm>> -> memref<10000x128xf32, #tpu.memory_space<hbm>>
    tpu.wait_indirect_dma semaphore(%arg38 : memref<!tpu.dma_semaphore, #tpu.memory_space<semaphore_mem>>) src(%dma_wait3A_128 : memref<10000x128xf32, #tpu.memory_space<hbm>>) dst(%arg25 : memref<80x128xf32, #tpu.memory_space<vmem>>)
    %dma_start3A_129 = arith.constant 0 : i32
    %dma_start3A_130 = arith.constant 0 : i32
    %dma_start3A_131 = tpu.memref_slice %arg27[%dma_start3A_129, %dma_start3A_130] : memref<10000x128xf32, #tpu.memory_space<vmem_shared>> -> memref<10000x128xf32, #tpu.memory_space<vmem_shared>>
    tpu.enqueue_indirect_dma source(%arg25 : memref<80x128xf32, #tpu.memory_space<vmem>>) target(%dma_start3A_131 : memref<10000x128xf32, #tpu.memory_space<vmem_shared>>) offsets(%arg12 : memref<80xi32, #tpu.memory_space<vmem>>) semaphore(%arg42 : memref<!tpu.dma_semaphore, #tpu.memory_space<semaphore_mem>>) {add = true}
    %dma_wait3A_132 = arith.constant 0 : i32
    %dma_wait3A_133 = arith.constant 0 : i32
    %dma_wait3A_134 = tpu.memref_slice %arg27[%dma_wait3A_132, %dma_wait3A_133] : memref<10000x128xf32, #tpu.memory_space<vmem_shared>> -> memref<10000x128xf32, #tpu.memory_space<vmem_shared>>
    tpu.wait_indirect_dma semaphore(%arg40 : memref<!tpu.dma_semaphore, #tpu.memory_space<semaphore_mem>>) src(%arg23 : memref<80x128xf32, #tpu.memory_space<vmem>>) dst(%dma_wait3A_134 : memref<10000x128xf32, #tpu.memory_space<vmem_shared>>)
    %dma_wait3A_135 = arith.constant 0 : i32
    %dma_wait3A_136 = tpu.memref_slice %arg3[%dma_wait3A_135] : memref<320000xi32, #tpu.memory_space<hbm>> -> memref<80xi32, #tpu.memory_space<hbm>>
    %dma_wait3A_137 = arith.constant 0 : i32
    %dma_wait3A_138 = tpu.memref_slice %arg3[%dma_wait3A_137] : memref<320000xi32, #tpu.memory_space<hbm>> -> memref<80xi32, #tpu.memory_space<hbm>>
    tpu.wait_dma2 semaphore(%arg32 : memref<!tpu.dma_semaphore, #tpu.memory_space<semaphore_mem>>) src(%dma_wait3A_138 : memref<80xi32, #tpu.memory_space<hbm>>) dst(%arg15 : memref<80xi32, #tpu.memory_space<vmem>>)
    %dma_wait3A_139 = arith.constant 0 : i32
    %dma_wait3A_140 = tpu.memref_slice %arg3[%dma_wait3A_139] : memref<320000xi32, #tpu.memory_space<hbm>> -> memref<80xi32, #tpu.memory_space<hbm>>
    %dma_wait3A_141 = arith.constant 0 : i32
    %dma_wait3A_142 = tpu.memref_slice %arg3[%dma_wait3A_141] : memref<320000xi32, #tpu.memory_space<hbm>> -> memref<80xi32, #tpu.memory_space<hbm>>
    tpu.wait_dma2 semaphore(%arg32 : memref<!tpu.dma_semaphore, #tpu.memory_space<semaphore_mem>>) src(%dma_wait3A_142 : memref<80xi32, #tpu.memory_space<hbm>>) dst(%arg16 : memref<80xi32, #tpu.memory_space<vmem>>)
    %dma_start3A_143 = arith.constant 0 : i32
    %dma_start3A_144 = arith.constant 0 : i32
    %dma_start3A_145 = tpu.memref_slice %arg2[%dma_start3A_143, %dma_start3A_144] : memref<10000x128xf32, #tpu.memory_space<hbm>> -> memref<10000x128xf32, #tpu.memory_space<hbm>>
    tpu.enqueue_indirect_dma source(%dma_start3A_145 : memref<10000x128xf32, #tpu.memory_space<hbm>>) target(%arg23 : memref<80x128xf32, #tpu.memory_space<vmem>>) offsets(%arg15 : memref<80xi32, #tpu.memory_space<vmem>>) semaphore(%arg36 : memref<!tpu.dma_semaphore, #tpu.memory_space<semaphore_mem>>)
    %dma_wait3A_146 = arith.constant 0 : i32
    %dma_wait3A_147 = arith.constant 0 : i32
    %dma_wait3A_148 = tpu.memref_slice %arg2[%dma_wait3A_146, %dma_wait3A_147] : memref<10000x128xf32, #tpu.memory_space<hbm>> -> memref<10000x128xf32, #tpu.memory_space<hbm>>
    tpu.wait_indirect_dma semaphore(%arg39 : memref<!tpu.dma_semaphore, #tpu.memory_space<semaphore_mem>>) src(%dma_wait3A_148 : memref<10000x128xf32, #tpu.memory_space<hbm>>) dst(%arg26 : memref<80x128xf32, #tpu.memory_space<vmem>>)
    %dma_start3A_149 = arith.constant 0 : i32
    %dma_start3A_150 = arith.constant 0 : i32
    %dma_start3A_151 = tpu.memref_slice %arg27[%dma_start3A_149, %dma_start3A_150] : memref<10000x128xf32, #tpu.memory_space<vmem_shared>> -> memref<10000x128xf32, #tpu.memory_space<vmem_shared>>
    tpu.enqueue_indirect_dma source(%arg26 : memref<80x128xf32, #tpu.memory_space<vmem>>) target(%dma_start3A_151 : memref<10000x128xf32, #tpu.memory_space<vmem_shared>>) offsets(%arg14 : memref<80xi32, #tpu.memory_space<vmem>>) semaphore(%arg43 : memref<!tpu.dma_semaphore, #tpu.memory_space<semaphore_mem>>) {add = true}
    %dma_wait3A_152 = arith.constant 0 : i32
    %dma_wait3A_153 = arith.constant 0 : i32
    %dma_wait3A_154 = tpu.memref_slice %arg2[%dma_wait3A_152, %dma_wait3A_153] : memref<10000x128xf32, #tpu.memory_space<hbm>> -> memref<10000x128xf32, #tpu.memory_space<hbm>>
    tpu.wait_indirect_dma semaphore(%arg36 : memref<!tpu.dma_semaphore, #tpu.memory_space<semaphore_mem>>) src(%dma_wait3A_154 : memref<10000x128xf32, #tpu.memory_space<hbm>>) dst(%arg23 : memref<80x128xf32, #tpu.memory_space<vmem>>)
    %dma_start3A_155 = arith.constant 0 : i32
    %dma_start3A_156 = arith.constant 0 : i32
    %dma_start3A_157 = tpu.memref_slice %arg27[%dma_start3A_155, %dma_start3A_156] : memref<10000x128xf32, #tpu.memory_space<vmem_shared>> -> memref<10000x128xf32, #tpu.memory_space<vmem_shared>>
    tpu.enqueue_indirect_dma source(%arg23 : memref<80x128xf32, #tpu.memory_space<vmem>>) target(%dma_start3A_157 : memref<10000x128xf32, #tpu.memory_space<vmem_shared>>) offsets(%arg16 : memref<80xi32, #tpu.memory_space<vmem>>) semaphore(%arg40 : memref<!tpu.dma_semaphore, #tpu.memory_space<semaphore_mem>>) {add = true}
    %dma_wait3A_158 = arith.constant 0 : i32
    %dma_wait3A_159 = arith.constant 0 : i32
    %dma_wait3A_160 = tpu.memref_slice %arg27[%dma_wait3A_158, %dma_wait3A_159] : memref<10000x128xf32, #tpu.memory_space<vmem_shared>> -> memref<10000x128xf32, #tpu.memory_space<vmem_shared>>
    tpu.wait_indirect_dma semaphore(%arg40 : memref<!tpu.dma_semaphore, #tpu.memory_space<semaphore_mem>>) src(%arg23 : memref<80x128xf32, #tpu.memory_space<vmem>>) dst(%dma_wait3A_160 : memref<10000x128xf32, #tpu.memory_space<vmem_shared>>)
    %dma_wait3A_161 = arith.constant 0 : i32
    %dma_wait3A_162 = arith.constant 0 : i32
    %dma_wait3A_163 = tpu.memref_slice %arg27[%dma_wait3A_161, %dma_wait3A_162] : memref<10000x128xf32, #tpu.memory_space<vmem_shared>> -> memref<10000x128xf32, #tpu.memory_space<vmem_shared>>
    tpu.wait_indirect_dma semaphore(%arg41 : memref<!tpu.dma_semaphore, #tpu.memory_space<semaphore_mem>>) src(%arg24 : memref<80x128xf32, #tpu.memory_space<vmem>>) dst(%dma_wait3A_163 : memref<10000x128xf32, #tpu.memory_space<vmem_shared>>)
    %dma_wait3A_164 = arith.constant 0 : i32
    %dma_wait3A_165 = arith.constant 0 : i32
    %dma_wait3A_166 = tpu.memref_slice %arg27[%dma_wait3A_164, %dma_wait3A_165] : memref<10000x128xf32, #tpu.memory_space<vmem_shared>> -> memref<10000x128xf32, #tpu.memory_space<vmem_shared>>
    tpu.wait_indirect_dma semaphore(%arg42 : memref<!tpu.dma_semaphore, #tpu.memory_space<semaphore_mem>>) src(%arg25 : memref<80x128xf32, #tpu.memory_space<vmem>>) dst(%dma_wait3A_166 : memref<10000x128xf32, #tpu.memory_space<vmem_shared>>)
    %dma_wait3A_167 = arith.constant 0 : i32
    %dma_wait3A_168 = arith.constant 0 : i32
    %dma_wait3A_169 = tpu.memref_slice %arg27[%dma_wait3A_167, %dma_wait3A_168] : memref<10000x128xf32, #tpu.memory_space<vmem_shared>> -> memref<10000x128xf32, #tpu.memory_space<vmem_shared>>
    tpu.wait_indirect_dma semaphore(%arg43 : memref<!tpu.dma_semaphore, #tpu.memory_space<semaphore_mem>>) src(%arg26 : memref<80x128xf32, #tpu.memory_space<vmem>>) dst(%dma_wait3A_169 : memref<10000x128xf32, #tpu.memory_space<vmem_shared>>)
    %barrier3A_170 = arith.constant 0 : index
    tpu.barrier barrier_id(%barrier3A_170)
    "tpu.region"() ({
      %run_scoped3A = tpu.sem_alloc : memref<!tpu.dma_semaphore, #tpu.memory_space<semaphore_mem>>
      %dma_start3A_176 = arith.constant 0 : i32
      %dma_start3A_177 = tpu.memref_slice %arg6[%arg0, %mul3A_2, %dma_start3A_176] : memref<2x10000x128xf32, #tpu.memory_space<hbm>> -> memref<1x624x128xf32, #tpu.memory_space<hbm>>
      %dma_start3A_178 = tpu.memref_squeeze %dma_start3A_177 : memref<1x624x128xf32, #tpu.memory_space<hbm>> -> memref<624x128xf32, #tpu.memory_space<hbm>>
      %dma_start3A_179 = arith.constant 0 : i32
      %dma_start3A_180 = tpu.memref_slice %arg27[%mul3A_2, %dma_start3A_179] : memref<10000x128xf32, #tpu.memory_space<vmem_shared>> -> memref<624x128xf32, #tpu.memory_space<vmem_shared>>
      tpu.enqueue_dma source(%dma_start3A_180 : memref<624x128xf32, #tpu.memory_space<vmem_shared>>) target(%dma_start3A_178 : memref<624x128xf32, #tpu.memory_space<hbm>>) target_semaphore(%run_scoped3A : memref<!tpu.dma_semaphore, #tpu.memory_space<semaphore_mem>>)
      %dma_wait3A_181 = arith.constant 0 : i32
      %dma_wait3A_182 = tpu.memref_slice %arg6[%arg0, %mul3A_2, %dma_wait3A_181] : memref<2x10000x128xf32, #tpu.memory_space<hbm>> -> memref<1x624x128xf32, #tpu.memory_space<hbm>>
      %dma_wait3A_183 = tpu.memref_squeeze %dma_wait3A_182 : memref<1x624x128xf32, #tpu.memory_space<hbm>> -> memref<624x128xf32, #tpu.memory_space<hbm>>
      %dma_wait3A_184 = arith.constant 0 : i32
      %dma_wait3A_185 = tpu.memref_slice %arg27[%mul3A_2, %dma_wait3A_184] : memref<10000x128xf32, #tpu.memory_space<vmem_shared>> -> memref<624x128xf32, #tpu.memory_space<vmem_shared>>
      tpu.wait_dma2 semaphore(%run_scoped3A : memref<!tpu.dma_semaphore, #tpu.memory_space<semaphore_mem>>) src(%dma_wait3A_185 : memref<624x128xf32, #tpu.memory_space<vmem_shared>>) dst(%dma_wait3A_183 : memref<624x128xf32, #tpu.memory_space<hbm>>)
      tpu.yield
    }) : () -> ()
    %eq3A_171 = arith.constant 0 : i32
    %eq3A_172 = arith.cmpi eq, %arg1, %eq3A_171 : i32
    %convert_element_type3A_173 = arith.extui %eq3A_172 : i1 to i32
    %cond3A_174 = arith.constant 0 : i32
    %cond3A_175 = arith.cmpi ne, %convert_element_type3A_173, %cond3A_174 : i32
    scf.if %cond3A_175 {
      "tpu.region"() ({
        %run_scoped3A = tpu.sem_alloc : memref<!tpu.dma_semaphore, #tpu.memory_space<semaphore_mem>>
        %dma_start3A_176 = arith.constant 9984 : i32
        %dma_start3A_177 = arith.constant 0 : i32
        %dma_start3A_178 = tpu.memref_slice %arg6[%arg0, %dma_start3A_176, %dma_start3A_177] : memref<2x10000x128xf32, #tpu.memory_space<hbm>> -> memref<1x16x128xf32, #tpu.memory_space<hbm>>
        %dma_start3A_179 = tpu.memref_squeeze %dma_start3A_178 : memref<1x16x128xf32, #tpu.memory_space<hbm>> -> memref<16x128xf32, #tpu.memory_space<hbm>>
        %dma_start3A_180 = arith.constant 9984 : i32
        %dma_start3A_181 = arith.constant 0 : i32
        %dma_start3A_182 = tpu.memref_slice %arg27[%dma_start3A_180, %dma_start3A_181] : memref<10000x128xf32, #tpu.memory_space<vmem_shared>> -> memref<16x128xf32, #tpu.memory_space<vmem_shared>>
        tpu.enqueue_dma source(%dma_start3A_182 : memref<16x128xf32, #tpu.memory_space<vmem_shared>>) target(%dma_start3A_179 : memref<16x128xf32, #tpu.memory_space<hbm>>) target_semaphore(%run_scoped3A : memref<!tpu.dma_semaphore, #tpu.memory_space<semaphore_mem>>)
        %dma_wait3A_183 = arith.constant 9984 : i32
        %dma_wait3A_184 = arith.constant 0 : i32
        %dma_wait3A_185 = tpu.memref_slice %arg6[%arg0, %dma_wait3A_183, %dma_wait3A_184] : memref<2x10000x128xf32, #tpu.memory_space<hbm>> -> memref<1x16x128xf32, #tpu.memory_space<hbm>>
        %dma_wait3A_186 = tpu.memref_squeeze %dma_wait3A_185 : memref<1x16x128xf32, #tpu.memory_space<hbm>> -> memref<16x128xf32, #tpu.memory_space<hbm>>
        %dma_wait3A_187 = arith.constant 9984 : i32
        %dma_wait3A_188 = arith.constant 0 : i32
        %dma_wait3A_189 = tpu.memref_slice %arg27[%dma_wait3A_187, %dma_wait3A_188] : memref<10000x128xf32, #tpu.memory_space<vmem_shared>> -> memref<16x128xf32, #tpu.memory_space<vmem_shared>>
        tpu.wait_dma2 semaphore(%run_scoped3A : memref<!tpu.dma_semaphore, #tpu.memory_space<semaphore_mem>>) src(%dma_wait3A_189 : memref<16x128xf32, #tpu.memory_space<vmem_shared>>) dst(%dma_wait3A_186 : memref<16x128xf32, #tpu.memory_space<hbm>>)
        tpu.yield
      }) : () -> ()
    } else {
    }
    return
  }
}

#map = affine_map<(d0, d1) -> (0, 0)>
#map1 = affine_map<(d0, d1) -> (0)>
#map2 = affine_map<(d0, d1) -> (0, 0, 0)>
module attributes {stable_mosaic.version = 14 : i64} {
  func.func @body(%arg0: i32, %arg1: i32, %arg2: memref<10000x128xf32, #tpu.memory_space<hbm>>, %arg3: memref<320000xi32, #tpu.memory_space<hbm>>, %arg4: memref<320000xi32, #tpu.memory_space<hbm>>, %arg5: memref<624x128xf32, #tpu.memory_space<hbm>>, %arg6: memref<1x10000xf32, #tpu.memory_space<hbm>>, %arg7: memref<2x10000x128xf32, #tpu.memory_space<hbm>>, %arg8: memref<32x1x10000xf32, #tpu.memory_space<hbm>>, %arg9: memref<80xi32, #tpu.memory_space<vmem>>, %arg10: memref<80xi32, #tpu.memory_space<vmem>>, %arg11: memref<80xi32, #tpu.memory_space<vmem>>, %arg12: memref<80xi32, #tpu.memory_space<vmem>>, %arg13: memref<80xi32, #tpu.memory_space<vmem>>, %arg14: memref<80xi32, #tpu.memory_space<vmem>>, %arg15: memref<80xi32, #tpu.memory_space<vmem>>, %arg16: memref<80xi32, #tpu.memory_space<vmem>>, %arg17: memref<80x128xf32, #tpu.memory_space<vmem>>, %arg18: memref<80x128xf32, #tpu.memory_space<vmem>>, %arg19: memref<10000x128xf32, #tpu.memory_space<vmem_shared>>, %arg20: memref<!tpu.dma_semaphore, #tpu.memory_space<semaphore_mem>>, %arg21: memref<!tpu.dma_semaphore, #tpu.memory_space<semaphore_mem>>, %arg22: memref<!tpu.dma_semaphore, #tpu.memory_space<semaphore_mem>>, %arg23: memref<!tpu.dma_semaphore, #tpu.memory_space<semaphore_mem>>, %arg24: memref<!tpu.dma_semaphore, #tpu.memory_space<semaphore_mem>>, %arg25: memref<!tpu.dma_semaphore, #tpu.memory_space<semaphore_mem>>, %arg26: memref<!tpu.dma_semaphore, #tpu.memory_space<semaphore_mem>>, %arg27: memref<!tpu.dma_semaphore, #tpu.memory_space<semaphore_mem>>, %arg28: memref<1x10000xf32, #tpu.memory_space<vmem>>) attributes {dimension_semantics = [#tpu.dimension_semantics<core_parallel>, #tpu.dimension_semantics<subcore_parallel>], iteration_bounds = array<i64: 2, 16>, scalar_prefetch = 0 : i64, scratch_operands = 20 : i64, tpu.core_type = #tpu.core_type<sc_vector_subcore>, window_params = [{transform_indices = #map}, {transform_indices = #map1}, {transform_indices = #map1}, {transform_indices = #map}, {transform_indices = #map}, {transform_indices = #map2}, {transform_indices = #map2}]} {
    %mul3A = arith.constant 16 : i32
    %mul3A_0 = arith.muli %arg0, %mul3A : i32
    %add3A = arith.addi %mul3A_0, %arg1 : i32
    %mul3A_1 = arith.constant 624 : i32
    %mul3A_2 = arith.muli %arg1, %mul3A_1 : i32
    "tpu.region"() ({
      %run_scoped3A = tpu.sem_alloc : memref<!tpu.dma_semaphore, #tpu.memory_space<semaphore_mem>>
      tpu.enqueue_dma source(%arg6 : memref<1x10000xf32, #tpu.memory_space<hbm>>) target(%arg28 : memref<1x10000xf32, #tpu.memory_space<vmem>>) target_semaphore(%run_scoped3A : memref<!tpu.dma_semaphore, #tpu.memory_space<semaphore_mem>>)
      tpu.wait_dma2 semaphore(%run_scoped3A : memref<!tpu.dma_semaphore, #tpu.memory_space<semaphore_mem>>) src(%arg6 : memref<1x10000xf32, #tpu.memory_space<hbm>>) dst(%arg28 : memref<1x10000xf32, #tpu.memory_space<vmem>>)
      tpu.yield
    }) : () -> ()
    "tpu.region"() ({
      %run_scoped3A = tpu.sem_alloc : memref<!tpu.dma_semaphore, #tpu.memory_space<semaphore_mem>>
      %dma_start3A_75 = arith.constant 0 : i32
      %dma_start3A_76 = tpu.memref_slice %arg19[%mul3A_2, %dma_start3A_75] : memref<10000x128xf32, #tpu.memory_space<vmem_shared>> -> memref<624x128xf32, #tpu.memory_space<vmem_shared>>
      tpu.enqueue_dma source(%arg5 : memref<624x128xf32, #tpu.memory_space<hbm>>) target(%dma_start3A_76 : memref<624x128xf32, #tpu.memory_space<vmem_shared>>) target_semaphore(%run_scoped3A : memref<!tpu.dma_semaphore, #tpu.memory_space<semaphore_mem>>)
      %dma_wait3A_77 = arith.constant 0 : i32
      %dma_wait3A_78 = tpu.memref_slice %arg19[%mul3A_2, %dma_wait3A_77] : memref<10000x128xf32, #tpu.memory_space<vmem_shared>> -> memref<624x128xf32, #tpu.memory_space<vmem_shared>>
      tpu.wait_dma2 semaphore(%run_scoped3A : memref<!tpu.dma_semaphore, #tpu.memory_space<semaphore_mem>>) src(%arg5 : memref<624x128xf32, #tpu.memory_space<hbm>>) dst(%dma_wait3A_78 : memref<624x128xf32, #tpu.memory_space<vmem_shared>>)
      tpu.yield
    }) : () -> ()
    %eq3A = arith.constant 0 : i32
    %eq3A_3 = arith.cmpi eq, %arg1, %eq3A : i32
    %convert_element_type3A = arith.extui %eq3A_3 : i1 to i32
    %cond3A = arith.constant 0 : i32
    %cond3A_4 = arith.cmpi ne, %convert_element_type3A, %cond3A : i32
    scf.if %cond3A_4 {
      "tpu.region"() ({
        %run_scoped3A = tpu.sem_alloc : memref<!tpu.dma_semaphore, #tpu.memory_space<semaphore_mem>>
        %dma_start3A_75 = arith.constant 9984 : i32
        %dma_start3A_76 = arith.constant 0 : i32
        %dma_start3A_77 = tpu.memref_slice %arg19[%dma_start3A_75, %dma_start3A_76] : memref<10000x128xf32, #tpu.memory_space<vmem_shared>> -> memref<16x128xf32, #tpu.memory_space<vmem_shared>>
        %dma_start3A_78 = arith.constant 0 : i32
        %dma_start3A_79 = arith.constant 0 : i32
        %dma_start3A_80 = tpu.memref_slice %arg5[%dma_start3A_78, %dma_start3A_79] : memref<624x128xf32, #tpu.memory_space<hbm>> -> memref<16x128xf32, #tpu.memory_space<hbm>>
        tpu.enqueue_dma source(%dma_start3A_80 : memref<16x128xf32, #tpu.memory_space<hbm>>) target(%dma_start3A_77 : memref<16x128xf32, #tpu.memory_space<vmem_shared>>) target_semaphore(%run_scoped3A : memref<!tpu.dma_semaphore, #tpu.memory_space<semaphore_mem>>)
        %dma_wait3A_81 = arith.constant 9984 : i32
        %dma_wait3A_82 = arith.constant 0 : i32
        %dma_wait3A_83 = tpu.memref_slice %arg19[%dma_wait3A_81, %dma_wait3A_82] : memref<10000x128xf32, #tpu.memory_space<vmem_shared>> -> memref<16x128xf32, #tpu.memory_space<vmem_shared>>
        %dma_wait3A_84 = arith.constant 0 : i32
        %dma_wait3A_85 = arith.constant 0 : i32
        %dma_wait3A_86 = tpu.memref_slice %arg5[%dma_wait3A_84, %dma_wait3A_85] : memref<624x128xf32, #tpu.memory_space<hbm>> -> memref<16x128xf32, #tpu.memory_space<hbm>>
        tpu.wait_dma2 semaphore(%run_scoped3A : memref<!tpu.dma_semaphore, #tpu.memory_space<semaphore_mem>>) src(%dma_wait3A_86 : memref<16x128xf32, #tpu.memory_space<hbm>>) dst(%dma_wait3A_83 : memref<16x128xf32, #tpu.memory_space<vmem_shared>>)
        tpu.yield
      }) : () -> ()
    } else {
    }
    %barrier3A = arith.constant 0 : index
    tpu.barrier barrier_id(%barrier3A)
    %mul3A_5 = arith.constant 10000 : i32
    %mul3A_6 = arith.muli %add3A, %mul3A_5 : i32
    %add3A_7 = arith.constant 0 : i32
    %add3A_8 = arith.addi %mul3A_6, %add3A_7 : i32
    %multiple_of3A = tpu.assume_multiple %add3A_8, 8 : i32
    %dma_start3A = tpu.memref_slice %arg3[%multiple_of3A] : memref<320000xi32, #tpu.memory_space<hbm>> -> memref<80xi32, #tpu.memory_space<hbm>>
    %dma_start3A_9 = tpu.memref_slice %arg3[%multiple_of3A] : memref<320000xi32, #tpu.memory_space<hbm>> -> memref<80xi32, #tpu.memory_space<hbm>>
    tpu.enqueue_dma source(%dma_start3A_9 : memref<80xi32, #tpu.memory_space<hbm>>) target(%arg9 : memref<80xi32, #tpu.memory_space<vmem>>) target_semaphore(%arg20 : memref<!tpu.dma_semaphore, #tpu.memory_space<semaphore_mem>>)
    %dma_start3A_10 = tpu.memref_slice %arg4[%multiple_of3A] : memref<320000xi32, #tpu.memory_space<hbm>> -> memref<80xi32, #tpu.memory_space<hbm>>
    %dma_start3A_11 = tpu.memref_slice %arg4[%multiple_of3A] : memref<320000xi32, #tpu.memory_space<hbm>> -> memref<80xi32, #tpu.memory_space<hbm>>
    tpu.enqueue_dma source(%dma_start3A_11 : memref<80xi32, #tpu.memory_space<hbm>>) target(%arg10 : memref<80xi32, #tpu.memory_space<vmem>>) target_semaphore(%arg20 : memref<!tpu.dma_semaphore, #tpu.memory_space<semaphore_mem>>)
    %mul3A_12 = arith.constant 10000 : i32
    %mul3A_13 = arith.muli %add3A, %mul3A_12 : i32
    %add3A_14 = arith.constant 80 : i32
    %add3A_15 = arith.addi %mul3A_13, %add3A_14 : i32
    %multiple_of3A_16 = tpu.assume_multiple %add3A_15, 8 : i32
    %dma_start3A_17 = tpu.memref_slice %arg3[%multiple_of3A_16] : memref<320000xi32, #tpu.memory_space<hbm>> -> memref<80xi32, #tpu.memory_space<hbm>>
    %dma_start3A_18 = tpu.memref_slice %arg3[%multiple_of3A_16] : memref<320000xi32, #tpu.memory_space<hbm>> -> memref<80xi32, #tpu.memory_space<hbm>>
    tpu.enqueue_dma source(%dma_start3A_18 : memref<80xi32, #tpu.memory_space<hbm>>) target(%arg11 : memref<80xi32, #tpu.memory_space<vmem>>) target_semaphore(%arg21 : memref<!tpu.dma_semaphore, #tpu.memory_space<semaphore_mem>>)
    %dma_start3A_19 = tpu.memref_slice %arg4[%multiple_of3A_16] : memref<320000xi32, #tpu.memory_space<hbm>> -> memref<80xi32, #tpu.memory_space<hbm>>
    %dma_start3A_20 = tpu.memref_slice %arg4[%multiple_of3A_16] : memref<320000xi32, #tpu.memory_space<hbm>> -> memref<80xi32, #tpu.memory_space<hbm>>
    tpu.enqueue_dma source(%dma_start3A_20 : memref<80xi32, #tpu.memory_space<hbm>>) target(%arg12 : memref<80xi32, #tpu.memory_space<vmem>>) target_semaphore(%arg21 : memref<!tpu.dma_semaphore, #tpu.memory_space<semaphore_mem>>)
    %scan3A = arith.constant 0 : i32
    %scan3A_21 = arith.constant 0 : i32
    %scan3A_22 = arith.constant 31 : i32
    %scan3A_23 = arith.addi %scan3A_21, %scan3A_22 : i32
    %scan3A_24 = arith.constant 1 : i32
    scf.for %scan3A_75 = %scan3A_21 to %scan3A_23 step %scan3A_24  : i32 {
      %mul3A_76 = arith.constant 4 : i32
      %mul3A_77 = arith.muli %scan3A_75, %mul3A_76 : i32
      %add3A_78 = arith.constant 0 : i32
      %add3A_79 = arith.addi %mul3A_77, %add3A_78 : i32
      %ge3A = arith.constant 2 : i32
      %ge3A_80 = arith.cmpi sge, %add3A_79, %ge3A : i32
      %convert_element_type3A_81 = arith.extui %ge3A_80 : i1 to i32
      %cond3A_82 = arith.constant 0 : i32
      %cond3A_83 = arith.cmpi ne, %convert_element_type3A_81, %cond3A_82 : i32
      scf.if %cond3A_83 {
        %dma_wait3A_258 = arith.constant 0 : i32
        %dma_wait3A_259 = arith.constant 0 : i32
        %dma_wait3A_260 = tpu.memref_slice %arg19[%dma_wait3A_258, %dma_wait3A_259] : memref<10000x128xf32, #tpu.memory_space<vmem_shared>> -> memref<10000x128xf32, #tpu.memory_space<vmem_shared>>
        tpu.wait_indirect_dma semaphore(%arg26 : memref<!tpu.dma_semaphore, #tpu.memory_space<semaphore_mem>>) src(%arg17 : memref<80x128xf32, #tpu.memory_space<vmem>>) dst(%dma_wait3A_260 : memref<10000x128xf32, #tpu.memory_space<vmem_shared>>)
      } else {
      }
      %add3A_84 = arith.constant 2 : i32
      %add3A_85 = arith.addi %add3A_79, %add3A_84 : i32
      %lt3A = arith.constant 125 : i32
      %lt3A_86 = arith.cmpi slt, %add3A_85, %lt3A : i32
      %convert_element_type3A_87 = arith.extui %lt3A_86 : i1 to i32
      %cond3A_88 = arith.constant 0 : i32
      %cond3A_89 = arith.cmpi ne, %convert_element_type3A_87, %cond3A_88 : i32
      scf.if %cond3A_89 {
        %add3A_258 = arith.constant 2 : i32
        %add3A_259 = arith.addi %add3A_79, %add3A_258 : i32
        %mul3A_260 = arith.constant 10000 : i32
        %mul3A_261 = arith.muli %add3A, %mul3A_260 : i32
        %mul3A_262 = arith.constant 80 : i32
        %mul3A_263 = arith.muli %add3A_259, %mul3A_262 : i32
        %add3A_264 = arith.addi %mul3A_261, %mul3A_263 : i32
        %multiple_of3A_265 = tpu.assume_multiple %add3A_264, 8 : i32
        %dma_start3A_266 = tpu.memref_slice %arg3[%multiple_of3A_265] : memref<320000xi32, #tpu.memory_space<hbm>> -> memref<80xi32, #tpu.memory_space<hbm>>
        %dma_start3A_267 = tpu.memref_slice %arg3[%multiple_of3A_265] : memref<320000xi32, #tpu.memory_space<hbm>> -> memref<80xi32, #tpu.memory_space<hbm>>
        tpu.enqueue_dma source(%dma_start3A_267 : memref<80xi32, #tpu.memory_space<hbm>>) target(%arg13 : memref<80xi32, #tpu.memory_space<vmem>>) target_semaphore(%arg22 : memref<!tpu.dma_semaphore, #tpu.memory_space<semaphore_mem>>)
        %dma_start3A_268 = tpu.memref_slice %arg4[%multiple_of3A_265] : memref<320000xi32, #tpu.memory_space<hbm>> -> memref<80xi32, #tpu.memory_space<hbm>>
        %dma_start3A_269 = tpu.memref_slice %arg4[%multiple_of3A_265] : memref<320000xi32, #tpu.memory_space<hbm>> -> memref<80xi32, #tpu.memory_space<hbm>>
        tpu.enqueue_dma source(%dma_start3A_269 : memref<80xi32, #tpu.memory_space<hbm>>) target(%arg14 : memref<80xi32, #tpu.memory_space<vmem>>) target_semaphore(%arg22 : memref<!tpu.dma_semaphore, #tpu.memory_space<semaphore_mem>>)
      } else {
      }
      %dma_wait3A_90 = arith.constant 0 : i32
      %dma_wait3A_91 = tpu.memref_slice %arg3[%dma_wait3A_90] : memref<320000xi32, #tpu.memory_space<hbm>> -> memref<80xi32, #tpu.memory_space<hbm>>
      %dma_wait3A_92 = arith.constant 0 : i32
      %dma_wait3A_93 = tpu.memref_slice %arg3[%dma_wait3A_92] : memref<320000xi32, #tpu.memory_space<hbm>> -> memref<80xi32, #tpu.memory_space<hbm>>
      tpu.wait_dma2 semaphore(%arg20 : memref<!tpu.dma_semaphore, #tpu.memory_space<semaphore_mem>>) src(%dma_wait3A_93 : memref<80xi32, #tpu.memory_space<hbm>>) dst(%arg9 : memref<80xi32, #tpu.memory_space<vmem>>)
      %dma_wait3A_94 = arith.constant 0 : i32
      %dma_wait3A_95 = tpu.memref_slice %arg3[%dma_wait3A_94] : memref<320000xi32, #tpu.memory_space<hbm>> -> memref<80xi32, #tpu.memory_space<hbm>>
      %dma_wait3A_96 = arith.constant 0 : i32
      %dma_wait3A_97 = tpu.memref_slice %arg3[%dma_wait3A_96] : memref<320000xi32, #tpu.memory_space<hbm>> -> memref<80xi32, #tpu.memory_space<hbm>>
      tpu.wait_dma2 semaphore(%arg20 : memref<!tpu.dma_semaphore, #tpu.memory_space<semaphore_mem>>) src(%dma_wait3A_97 : memref<80xi32, #tpu.memory_space<hbm>>) dst(%arg10 : memref<80xi32, #tpu.memory_space<vmem>>)
      %dma_start3A_98 = arith.constant 0 : i32
      %dma_start3A_99 = arith.constant 0 : i32
      %dma_start3A_100 = tpu.memref_slice %arg2[%dma_start3A_98, %dma_start3A_99] : memref<10000x128xf32, #tpu.memory_space<hbm>> -> memref<10000x128xf32, #tpu.memory_space<hbm>>
      tpu.enqueue_indirect_dma source(%dma_start3A_100 : memref<10000x128xf32, #tpu.memory_space<hbm>>) target(%arg17 : memref<80x128xf32, #tpu.memory_space<vmem>>) offsets(%arg9 : memref<80xi32, #tpu.memory_space<vmem>>) semaphore(%arg24 : memref<!tpu.dma_semaphore, #tpu.memory_space<semaphore_mem>>)
      %broadcast_in_dim3A_101 = arith.constant 0 : i32
      %broadcast_in_dim3A_102 = vector.broadcast %broadcast_in_dim3A_101 : i32 to vector<16xi32>
      %broadcast_in_dim3A_103 = arith.constant 1.000000e+00 : f32
      %broadcast_in_dim3A_104 = vector.broadcast %broadcast_in_dim3A_103 : f32 to vector<16xf32>
      %get3A_105 = arith.constant 0 : index
      %get3A_106 = tpu.vector_load %arg10[%get3A_105] {strides = array<i32>} : memref<80xi32, #tpu.memory_space<vmem>>, vector<16xi32>,
      tpu.vector_store_idx %arg28[%broadcast_in_dim3A_102, %get3A_106], %broadcast_in_dim3A_104 {add = true} : memref<1x10000xf32, #tpu.memory_space<vmem>>[vector<16xi32>, vector<16xi32>], vector<16xf32>,
      %get3A_107 = arith.constant 16 : index
      %get3A_108 = tpu.vector_load %arg10[%get3A_107] {strides = array<i32>} : memref<80xi32, #tpu.memory_space<vmem>>, vector<16xi32>,
      tpu.vector_store_idx %arg28[%broadcast_in_dim3A_102, %get3A_108], %broadcast_in_dim3A_104 {add = true} : memref<1x10000xf32, #tpu.memory_space<vmem>>[vector<16xi32>, vector<16xi32>], vector<16xf32>,
      %get3A_109 = arith.constant 32 : index
      %get3A_110 = tpu.vector_load %arg10[%get3A_109] {strides = array<i32>} : memref<80xi32, #tpu.memory_space<vmem>>, vector<16xi32>,
      tpu.vector_store_idx %arg28[%broadcast_in_dim3A_102, %get3A_110], %broadcast_in_dim3A_104 {add = true} : memref<1x10000xf32, #tpu.memory_space<vmem>>[vector<16xi32>, vector<16xi32>], vector<16xf32>,
      %get3A_111 = arith.constant 48 : index
      %get3A_112 = tpu.vector_load %arg10[%get3A_111] {strides = array<i32>} : memref<80xi32, #tpu.memory_space<vmem>>, vector<16xi32>,
      tpu.vector_store_idx %arg28[%broadcast_in_dim3A_102, %get3A_112], %broadcast_in_dim3A_104 {add = true} : memref<1x10000xf32, #tpu.memory_space<vmem>>[vector<16xi32>, vector<16xi32>], vector<16xf32>,
      %get3A_113 = arith.constant 64 : index
      %get3A_114 = tpu.vector_load %arg10[%get3A_113] {strides = array<i32>} : memref<80xi32, #tpu.memory_space<vmem>>, vector<16xi32>,
      tpu.vector_store_idx %arg28[%broadcast_in_dim3A_102, %get3A_114], %broadcast_in_dim3A_104 {add = true} : memref<1x10000xf32, #tpu.memory_space<vmem>>[vector<16xi32>, vector<16xi32>], vector<16xf32>,
      %ge3A_115 = arith.constant 1 : i32
      %ge3A_116 = arith.cmpi sge, %add3A_79, %ge3A_115 : i32
      %convert_element_type3A_117 = arith.extui %ge3A_116 : i1 to i32
      %cond3A_118 = arith.constant 0 : i32
      %cond3A_119 = arith.cmpi ne, %convert_element_type3A_117, %cond3A_118 : i32
      scf.if %cond3A_119 {
        %dma_wait3A_258 = arith.constant 0 : i32
        %dma_wait3A_259 = arith.constant 0 : i32
        %dma_wait3A_260 = tpu.memref_slice %arg2[%dma_wait3A_258, %dma_wait3A_259] : memref<10000x128xf32, #tpu.memory_space<hbm>> -> memref<10000x128xf32, #tpu.memory_space<hbm>>
        tpu.wait_indirect_dma semaphore(%arg25 : memref<!tpu.dma_semaphore, #tpu.memory_space<semaphore_mem>>) src(%dma_wait3A_260 : memref<10000x128xf32, #tpu.memory_space<hbm>>) dst(%arg18 : memref<80x128xf32, #tpu.memory_space<vmem>>)
        %dma_start3A_261 = arith.constant 0 : i32
        %dma_start3A_262 = arith.constant 0 : i32
        %dma_start3A_263 = tpu.memref_slice %arg19[%dma_start3A_261, %dma_start3A_262] : memref<10000x128xf32, #tpu.memory_space<vmem_shared>> -> memref<10000x128xf32, #tpu.memory_space<vmem_shared>>
        tpu.enqueue_indirect_dma source(%arg18 : memref<80x128xf32, #tpu.memory_space<vmem>>) target(%dma_start3A_263 : memref<10000x128xf32, #tpu.memory_space<vmem_shared>>) offsets(%arg16 : memref<80xi32, #tpu.memory_space<vmem>>) semaphore(%arg27 : memref<!tpu.dma_semaphore, #tpu.memory_space<semaphore_mem>>) {add = true}
      } else {
      }
      %mul3A_120 = arith.constant 4 : i32
      %mul3A_121 = arith.muli %scan3A_75, %mul3A_120 : i32
      %add3A_122 = arith.constant 1 : i32
      %add3A_123 = arith.addi %mul3A_121, %add3A_122 : i32
      %ge3A_124 = arith.constant 2 : i32
      %ge3A_125 = arith.cmpi sge, %add3A_123, %ge3A_124 : i32
      %convert_element_type3A_126 = arith.extui %ge3A_125 : i1 to i32
      %cond3A_127 = arith.constant 0 : i32
      %cond3A_128 = arith.cmpi ne, %convert_element_type3A_126, %cond3A_127 : i32
      scf.if %cond3A_128 {
        %dma_wait3A_258 = arith.constant 0 : i32
        %dma_wait3A_259 = arith.constant 0 : i32
        %dma_wait3A_260 = tpu.memref_slice %arg19[%dma_wait3A_258, %dma_wait3A_259] : memref<10000x128xf32, #tpu.memory_space<vmem_shared>> -> memref<10000x128xf32, #tpu.memory_space<vmem_shared>>
        tpu.wait_indirect_dma semaphore(%arg27 : memref<!tpu.dma_semaphore, #tpu.memory_space<semaphore_mem>>) src(%arg18 : memref<80x128xf32, #tpu.memory_space<vmem>>) dst(%dma_wait3A_260 : memref<10000x128xf32, #tpu.memory_space<vmem_shared>>)
      } else {
      }
      %add3A_129 = arith.constant 2 : i32
      %add3A_130 = arith.addi %add3A_123, %add3A_129 : i32
      %lt3A_131 = arith.constant 125 : i32
      %lt3A_132 = arith.cmpi slt, %add3A_130, %lt3A_131 : i32
      %convert_element_type3A_133 = arith.extui %lt3A_132 : i1 to i32
      %cond3A_134 = arith.constant 0 : i32
      %cond3A_135 = arith.cmpi ne, %convert_element_type3A_133, %cond3A_134 : i32
      scf.if %cond3A_135 {
        %add3A_258 = arith.constant 2 : i32
        %add3A_259 = arith.addi %add3A_123, %add3A_258 : i32
        %mul3A_260 = arith.constant 10000 : i32
        %mul3A_261 = arith.muli %add3A, %mul3A_260 : i32
        %mul3A_262 = arith.constant 80 : i32
        %mul3A_263 = arith.muli %add3A_259, %mul3A_262 : i32
        %add3A_264 = arith.addi %mul3A_261, %mul3A_263 : i32
        %multiple_of3A_265 = tpu.assume_multiple %add3A_264, 8 : i32
        %dma_start3A_266 = tpu.memref_slice %arg3[%multiple_of3A_265] : memref<320000xi32, #tpu.memory_space<hbm>> -> memref<80xi32, #tpu.memory_space<hbm>>
        %dma_start3A_267 = tpu.memref_slice %arg3[%multiple_of3A_265] : memref<320000xi32, #tpu.memory_space<hbm>> -> memref<80xi32, #tpu.memory_space<hbm>>
        tpu.enqueue_dma source(%dma_start3A_267 : memref<80xi32, #tpu.memory_space<hbm>>) target(%arg15 : memref<80xi32, #tpu.memory_space<vmem>>) target_semaphore(%arg23 : memref<!tpu.dma_semaphore, #tpu.memory_space<semaphore_mem>>)
        %dma_start3A_268 = tpu.memref_slice %arg4[%multiple_of3A_265] : memref<320000xi32, #tpu.memory_space<hbm>> -> memref<80xi32, #tpu.memory_space<hbm>>
        %dma_start3A_269 = tpu.memref_slice %arg4[%multiple_of3A_265] : memref<320000xi32, #tpu.memory_space<hbm>> -> memref<80xi32, #tpu.memory_space<hbm>>
        tpu.enqueue_dma source(%dma_start3A_269 : memref<80xi32, #tpu.memory_space<hbm>>) target(%arg16 : memref<80xi32, #tpu.memory_space<vmem>>) target_semaphore(%arg23 : memref<!tpu.dma_semaphore, #tpu.memory_space<semaphore_mem>>)
      } else {
      }
      %dma_wait3A_136 = arith.constant 0 : i32
      %dma_wait3A_137 = tpu.memref_slice %arg3[%dma_wait3A_136] : memref<320000xi32, #tpu.memory_space<hbm>> -> memref<80xi32, #tpu.memory_space<hbm>>
      %dma_wait3A_138 = arith.constant 0 : i32
      %dma_wait3A_139 = tpu.memref_slice %arg3[%dma_wait3A_138] : memref<320000xi32, #tpu.memory_space<hbm>> -> memref<80xi32, #tpu.memory_space<hbm>>
      tpu.wait_dma2 semaphore(%arg21 : memref<!tpu.dma_semaphore, #tpu.memory_space<semaphore_mem>>) src(%dma_wait3A_139 : memref<80xi32, #tpu.memory_space<hbm>>) dst(%arg11 : memref<80xi32, #tpu.memory_space<vmem>>)
      %dma_wait3A_140 = arith.constant 0 : i32
      %dma_wait3A_141 = tpu.memref_slice %arg3[%dma_wait3A_140] : memref<320000xi32, #tpu.memory_space<hbm>> -> memref<80xi32, #tpu.memory_space<hbm>>
      %dma_wait3A_142 = arith.constant 0 : i32
      %dma_wait3A_143 = tpu.memref_slice %arg3[%dma_wait3A_142] : memref<320000xi32, #tpu.memory_space<hbm>> -> memref<80xi32, #tpu.memory_space<hbm>>
      tpu.wait_dma2 semaphore(%arg21 : memref<!tpu.dma_semaphore, #tpu.memory_space<semaphore_mem>>) src(%dma_wait3A_143 : memref<80xi32, #tpu.memory_space<hbm>>) dst(%arg12 : memref<80xi32, #tpu.memory_space<vmem>>)
      %dma_start3A_144 = arith.constant 0 : i32
      %dma_start3A_145 = arith.constant 0 : i32
      %dma_start3A_146 = tpu.memref_slice %arg2[%dma_start3A_144, %dma_start3A_145] : memref<10000x128xf32, #tpu.memory_space<hbm>> -> memref<10000x128xf32, #tpu.memory_space<hbm>>
      tpu.enqueue_indirect_dma source(%dma_start3A_146 : memref<10000x128xf32, #tpu.memory_space<hbm>>) target(%arg18 : memref<80x128xf32, #tpu.memory_space<vmem>>) offsets(%arg11 : memref<80xi32, #tpu.memory_space<vmem>>) semaphore(%arg25 : memref<!tpu.dma_semaphore, #tpu.memory_space<semaphore_mem>>)
      %broadcast_in_dim3A_147 = arith.constant 0 : i32
      %broadcast_in_dim3A_148 = vector.broadcast %broadcast_in_dim3A_147 : i32 to vector<16xi32>
      %broadcast_in_dim3A_149 = arith.constant 1.000000e+00 : f32
      %broadcast_in_dim3A_150 = vector.broadcast %broadcast_in_dim3A_149 : f32 to vector<16xf32>
      %get3A_151 = arith.constant 0 : index
      %get3A_152 = tpu.vector_load %arg12[%get3A_151] {strides = array<i32>} : memref<80xi32, #tpu.memory_space<vmem>>, vector<16xi32>,
      tpu.vector_store_idx %arg28[%broadcast_in_dim3A_148, %get3A_152], %broadcast_in_dim3A_150 {add = true} : memref<1x10000xf32, #tpu.memory_space<vmem>>[vector<16xi32>, vector<16xi32>], vector<16xf32>,
      %get3A_153 = arith.constant 16 : index
      %get3A_154 = tpu.vector_load %arg12[%get3A_153] {strides = array<i32>} : memref<80xi32, #tpu.memory_space<vmem>>, vector<16xi32>,
      tpu.vector_store_idx %arg28[%broadcast_in_dim3A_148, %get3A_154], %broadcast_in_dim3A_150 {add = true} : memref<1x10000xf32, #tpu.memory_space<vmem>>[vector<16xi32>, vector<16xi32>], vector<16xf32>,
      %get3A_155 = arith.constant 32 : index
      %get3A_156 = tpu.vector_load %arg12[%get3A_155] {strides = array<i32>} : memref<80xi32, #tpu.memory_space<vmem>>, vector<16xi32>,
      tpu.vector_store_idx %arg28[%broadcast_in_dim3A_148, %get3A_156], %broadcast_in_dim3A_150 {add = true} : memref<1x10000xf32, #tpu.memory_space<vmem>>[vector<16xi32>, vector<16xi32>], vector<16xf32>,
      %get3A_157 = arith.constant 48 : index
      %get3A_158 = tpu.vector_load %arg12[%get3A_157] {strides = array<i32>} : memref<80xi32, #tpu.memory_space<vmem>>, vector<16xi32>,
      tpu.vector_store_idx %arg28[%broadcast_in_dim3A_148, %get3A_158], %broadcast_in_dim3A_150 {add = true} : memref<1x10000xf32, #tpu.memory_space<vmem>>[vector<16xi32>, vector<16xi32>], vector<16xf32>,
      %get3A_159 = arith.constant 64 : index
      %get3A_160 = tpu.vector_load %arg12[%get3A_159] {strides = array<i32>} : memref<80xi32, #tpu.memory_space<vmem>>, vector<16xi32>,
      tpu.vector_store_idx %arg28[%broadcast_in_dim3A_148, %get3A_160], %broadcast_in_dim3A_150 {add = true} : memref<1x10000xf32, #tpu.memory_space<vmem>>[vector<16xi32>, vector<16xi32>], vector<16xf32>,
      %ge3A_161 = arith.constant 1 : i32
      %ge3A_162 = arith.cmpi sge, %add3A_123, %ge3A_161 : i32
      %convert_element_type3A_163 = arith.extui %ge3A_162 : i1 to i32
      %cond3A_164 = arith.constant 0 : i32
      %cond3A_165 = arith.cmpi ne, %convert_element_type3A_163, %cond3A_164 : i32
      scf.if %cond3A_165 {
        %dma_wait3A_258 = arith.constant 0 : i32
        %dma_wait3A_259 = arith.constant 0 : i32
        %dma_wait3A_260 = tpu.memref_slice %arg2[%dma_wait3A_258, %dma_wait3A_259] : memref<10000x128xf32, #tpu.memory_space<hbm>> -> memref<10000x128xf32, #tpu.memory_space<hbm>>
        tpu.wait_indirect_dma semaphore(%arg24 : memref<!tpu.dma_semaphore, #tpu.memory_space<semaphore_mem>>) src(%dma_wait3A_260 : memref<10000x128xf32, #tpu.memory_space<hbm>>) dst(%arg17 : memref<80x128xf32, #tpu.memory_space<vmem>>)
        %dma_start3A_261 = arith.constant 0 : i32
        %dma_start3A_262 = arith.constant 0 : i32
        %dma_start3A_263 = tpu.memref_slice %arg19[%dma_start3A_261, %dma_start3A_262] : memref<10000x128xf32, #tpu.memory_space<vmem_shared>> -> memref<10000x128xf32, #tpu.memory_space<vmem_shared>>
        tpu.enqueue_indirect_dma source(%arg17 : memref<80x128xf32, #tpu.memory_space<vmem>>) target(%dma_start3A_263 : memref<10000x128xf32, #tpu.memory_space<vmem_shared>>) offsets(%arg10 : memref<80xi32, #tpu.memory_space<vmem>>) semaphore(%arg26 : memref<!tpu.dma_semaphore, #tpu.memory_space<semaphore_mem>>) {add = true}
      } else {
      }
      %mul3A_166 = arith.constant 4 : i32
      %mul3A_167 = arith.muli %scan3A_75, %mul3A_166 : i32
      %add3A_168 = arith.constant 2 : i32
      %add3A_169 = arith.addi %mul3A_167, %add3A_168 : i32
      %ge3A_170 = arith.constant 2 : i32
      %ge3A_171 = arith.cmpi sge, %add3A_169, %ge3A_170 : i32
      %convert_element_type3A_172 = arith.extui %ge3A_171 : i1 to i32
      %cond3A_173 = arith.constant 0 : i32
      %cond3A_174 = arith.cmpi ne, %convert_element_type3A_172, %cond3A_173 : i32
      scf.if %cond3A_174 {
        %dma_wait3A_258 = arith.constant 0 : i32
        %dma_wait3A_259 = arith.constant 0 : i32
        %dma_wait3A_260 = tpu.memref_slice %arg19[%dma_wait3A_258, %dma_wait3A_259] : memref<10000x128xf32, #tpu.memory_space<vmem_shared>> -> memref<10000x128xf32, #tpu.memory_space<vmem_shared>>
        tpu.wait_indirect_dma semaphore(%arg26 : memref<!tpu.dma_semaphore, #tpu.memory_space<semaphore_mem>>) src(%arg17 : memref<80x128xf32, #tpu.memory_space<vmem>>) dst(%dma_wait3A_260 : memref<10000x128xf32, #tpu.memory_space<vmem_shared>>)
      } else {
      }
      %add3A_175 = arith.constant 2 : i32
      %add3A_176 = arith.addi %add3A_169, %add3A_175 : i32
      %lt3A_177 = arith.constant 125 : i32
      %lt3A_178 = arith.cmpi slt, %add3A_176, %lt3A_177 : i32
      %convert_element_type3A_179 = arith.extui %lt3A_178 : i1 to i32
      %cond3A_180 = arith.constant 0 : i32
      %cond3A_181 = arith.cmpi ne, %convert_element_type3A_179, %cond3A_180 : i32
      scf.if %cond3A_181 {
        %add3A_258 = arith.constant 2 : i32
        %add3A_259 = arith.addi %add3A_169, %add3A_258 : i32
        %mul3A_260 = arith.constant 10000 : i32
        %mul3A_261 = arith.muli %add3A, %mul3A_260 : i32
        %mul3A_262 = arith.constant 80 : i32
        %mul3A_263 = arith.muli %add3A_259, %mul3A_262 : i32
        %add3A_264 = arith.addi %mul3A_261, %mul3A_263 : i32
        %multiple_of3A_265 = tpu.assume_multiple %add3A_264, 8 : i32
        %dma_start3A_266 = tpu.memref_slice %arg3[%multiple_of3A_265] : memref<320000xi32, #tpu.memory_space<hbm>> -> memref<80xi32, #tpu.memory_space<hbm>>
        %dma_start3A_267 = tpu.memref_slice %arg3[%multiple_of3A_265] : memref<320000xi32, #tpu.memory_space<hbm>> -> memref<80xi32, #tpu.memory_space<hbm>>
        tpu.enqueue_dma source(%dma_start3A_267 : memref<80xi32, #tpu.memory_space<hbm>>) target(%arg9 : memref<80xi32, #tpu.memory_space<vmem>>) target_semaphore(%arg20 : memref<!tpu.dma_semaphore, #tpu.memory_space<semaphore_mem>>)
        %dma_start3A_268 = tpu.memref_slice %arg4[%multiple_of3A_265] : memref<320000xi32, #tpu.memory_space<hbm>> -> memref<80xi32, #tpu.memory_space<hbm>>
        %dma_start3A_269 = tpu.memref_slice %arg4[%multiple_of3A_265] : memref<320000xi32, #tpu.memory_space<hbm>> -> memref<80xi32, #tpu.memory_space<hbm>>
        tpu.enqueue_dma source(%dma_start3A_269 : memref<80xi32, #tpu.memory_space<hbm>>) target(%arg10 : memref<80xi32, #tpu.memory_space<vmem>>) target_semaphore(%arg20 : memref<!tpu.dma_semaphore, #tpu.memory_space<semaphore_mem>>)
      } else {
      }
      %dma_wait3A_182 = arith.constant 0 : i32
      %dma_wait3A_183 = tpu.memref_slice %arg3[%dma_wait3A_182] : memref<320000xi32, #tpu.memory_space<hbm>> -> memref<80xi32, #tpu.memory_space<hbm>>
      %dma_wait3A_184 = arith.constant 0 : i32
      %dma_wait3A_185 = tpu.memref_slice %arg3[%dma_wait3A_184] : memref<320000xi32, #tpu.memory_space<hbm>> -> memref<80xi32, #tpu.memory_space<hbm>>
      tpu.wait_dma2 semaphore(%arg22 : memref<!tpu.dma_semaphore, #tpu.memory_space<semaphore_mem>>) src(%dma_wait3A_185 : memref<80xi32, #tpu.memory_space<hbm>>) dst(%arg13 : memref<80xi32, #tpu.memory_space<vmem>>)
      %dma_wait3A_186 = arith.constant 0 : i32
      %dma_wait3A_187 = tpu.memref_slice %arg3[%dma_wait3A_186] : memref<320000xi32, #tpu.memory_space<hbm>> -> memref<80xi32, #tpu.memory_space<hbm>>
      %dma_wait3A_188 = arith.constant 0 : i32
      %dma_wait3A_189 = tpu.memref_slice %arg3[%dma_wait3A_188] : memref<320000xi32, #tpu.memory_space<hbm>> -> memref<80xi32, #tpu.memory_space<hbm>>
      tpu.wait_dma2 semaphore(%arg22 : memref<!tpu.dma_semaphore, #tpu.memory_space<semaphore_mem>>) src(%dma_wait3A_189 : memref<80xi32, #tpu.memory_space<hbm>>) dst(%arg14 : memref<80xi32, #tpu.memory_space<vmem>>)
      %dma_start3A_190 = arith.constant 0 : i32
      %dma_start3A_191 = arith.constant 0 : i32
      %dma_start3A_192 = tpu.memref_slice %arg2[%dma_start3A_190, %dma_start3A_191] : memref<10000x128xf32, #tpu.memory_space<hbm>> -> memref<10000x128xf32, #tpu.memory_space<hbm>>
      tpu.enqueue_indirect_dma source(%dma_start3A_192 : memref<10000x128xf32, #tpu.memory_space<hbm>>) target(%arg17 : memref<80x128xf32, #tpu.memory_space<vmem>>) offsets(%arg13 : memref<80xi32, #tpu.memory_space<vmem>>) semaphore(%arg24 : memref<!tpu.dma_semaphore, #tpu.memory_space<semaphore_mem>>)
      %broadcast_in_dim3A_193 = arith.constant 0 : i32
      %broadcast_in_dim3A_194 = vector.broadcast %broadcast_in_dim3A_193 : i32 to vector<16xi32>
      %broadcast_in_dim3A_195 = arith.constant 1.000000e+00 : f32
      %broadcast_in_dim3A_196 = vector.broadcast %broadcast_in_dim3A_195 : f32 to vector<16xf32>
      %get3A_197 = arith.constant 0 : index
      %get3A_198 = tpu.vector_load %arg14[%get3A_197] {strides = array<i32>} : memref<80xi32, #tpu.memory_space<vmem>>, vector<16xi32>,
      tpu.vector_store_idx %arg28[%broadcast_in_dim3A_194, %get3A_198], %broadcast_in_dim3A_196 {add = true} : memref<1x10000xf32, #tpu.memory_space<vmem>>[vector<16xi32>, vector<16xi32>], vector<16xf32>,
      %get3A_199 = arith.constant 16 : index
      %get3A_200 = tpu.vector_load %arg14[%get3A_199] {strides = array<i32>} : memref<80xi32, #tpu.memory_space<vmem>>, vector<16xi32>,
      tpu.vector_store_idx %arg28[%broadcast_in_dim3A_194, %get3A_200], %broadcast_in_dim3A_196 {add = true} : memref<1x10000xf32, #tpu.memory_space<vmem>>[vector<16xi32>, vector<16xi32>], vector<16xf32>,
      %get3A_201 = arith.constant 32 : index
      %get3A_202 = tpu.vector_load %arg14[%get3A_201] {strides = array<i32>} : memref<80xi32, #tpu.memory_space<vmem>>, vector<16xi32>,
      tpu.vector_store_idx %arg28[%broadcast_in_dim3A_194, %get3A_202], %broadcast_in_dim3A_196 {add = true} : memref<1x10000xf32, #tpu.memory_space<vmem>>[vector<16xi32>, vector<16xi32>], vector<16xf32>,
      %get3A_203 = arith.constant 48 : index
      %get3A_204 = tpu.vector_load %arg14[%get3A_203] {strides = array<i32>} : memref<80xi32, #tpu.memory_space<vmem>>, vector<16xi32>,
      tpu.vector_store_idx %arg28[%broadcast_in_dim3A_194, %get3A_204], %broadcast_in_dim3A_196 {add = true} : memref<1x10000xf32, #tpu.memory_space<vmem>>[vector<16xi32>, vector<16xi32>], vector<16xf32>,
      %get3A_205 = arith.constant 64 : index
      %get3A_206 = tpu.vector_load %arg14[%get3A_205] {strides = array<i32>} : memref<80xi32, #tpu.memory_space<vmem>>, vector<16xi32>,
      tpu.vector_store_idx %arg28[%broadcast_in_dim3A_194, %get3A_206], %broadcast_in_dim3A_196 {add = true} : memref<1x10000xf32, #tpu.memory_space<vmem>>[vector<16xi32>, vector<16xi32>], vector<16xf32>,
      %ge3A_207 = arith.constant 1 : i32
      %ge3A_208 = arith.cmpi sge, %add3A_169, %ge3A_207 : i32
      %convert_element_type3A_209 = arith.extui %ge3A_208 : i1 to i32
      %cond3A_210 = arith.constant 0 : i32
      %cond3A_211 = arith.cmpi ne, %convert_element_type3A_209, %cond3A_210 : i32
      scf.if %cond3A_211 {
        %dma_wait3A_258 = arith.constant 0 : i32
        %dma_wait3A_259 = arith.constant 0 : i32
        %dma_wait3A_260 = tpu.memref_slice %arg2[%dma_wait3A_258, %dma_wait3A_259] : memref<10000x128xf32, #tpu.memory_space<hbm>> -> memref<10000x128xf32, #tpu.memory_space<hbm>>
        tpu.wait_indirect_dma semaphore(%arg25 : memref<!tpu.dma_semaphore, #tpu.memory_space<semaphore_mem>>) src(%dma_wait3A_260 : memref<10000x128xf32, #tpu.memory_space<hbm>>) dst(%arg18 : memref<80x128xf32, #tpu.memory_space<vmem>>)
        %dma_start3A_261 = arith.constant 0 : i32
        %dma_start3A_262 = arith.constant 0 : i32
        %dma_start3A_263 = tpu.memref_slice %arg19[%dma_start3A_261, %dma_start3A_262] : memref<10000x128xf32, #tpu.memory_space<vmem_shared>> -> memref<10000x128xf32, #tpu.memory_space<vmem_shared>>
        tpu.enqueue_indirect_dma source(%arg18 : memref<80x128xf32, #tpu.memory_space<vmem>>) target(%dma_start3A_263 : memref<10000x128xf32, #tpu.memory_space<vmem_shared>>) offsets(%arg12 : memref<80xi32, #tpu.memory_space<vmem>>) semaphore(%arg27 : memref<!tpu.dma_semaphore, #tpu.memory_space<semaphore_mem>>) {add = true}
      } else {
      }
      %mul3A_212 = arith.constant 4 : i32
      %mul3A_213 = arith.muli %scan3A_75, %mul3A_212 : i32
      %add3A_214 = arith.constant 3 : i32
      %add3A_215 = arith.addi %mul3A_213, %add3A_214 : i32
      %ge3A_216 = arith.constant 2 : i32
      %ge3A_217 = arith.cmpi sge, %add3A_215, %ge3A_216 : i32
      %convert_element_type3A_218 = arith.extui %ge3A_217 : i1 to i32
      %cond3A_219 = arith.constant 0 : i32
      %cond3A_220 = arith.cmpi ne, %convert_element_type3A_218, %cond3A_219 : i32
      scf.if %cond3A_220 {
        %dma_wait3A_258 = arith.constant 0 : i32
        %dma_wait3A_259 = arith.constant 0 : i32
        %dma_wait3A_260 = tpu.memref_slice %arg19[%dma_wait3A_258, %dma_wait3A_259] : memref<10000x128xf32, #tpu.memory_space<vmem_shared>> -> memref<10000x128xf32, #tpu.memory_space<vmem_shared>>
        tpu.wait_indirect_dma semaphore(%arg27 : memref<!tpu.dma_semaphore, #tpu.memory_space<semaphore_mem>>) src(%arg18 : memref<80x128xf32, #tpu.memory_space<vmem>>) dst(%dma_wait3A_260 : memref<10000x128xf32, #tpu.memory_space<vmem_shared>>)
      } else {
      }
      %add3A_221 = arith.constant 2 : i32
      %add3A_222 = arith.addi %add3A_215, %add3A_221 : i32
      %lt3A_223 = arith.constant 125 : i32
      %lt3A_224 = arith.cmpi slt, %add3A_222, %lt3A_223 : i32
      %convert_element_type3A_225 = arith.extui %lt3A_224 : i1 to i32
      %cond3A_226 = arith.constant 0 : i32
      %cond3A_227 = arith.cmpi ne, %convert_element_type3A_225, %cond3A_226 : i32
      scf.if %cond3A_227 {
        %add3A_258 = arith.constant 2 : i32
        %add3A_259 = arith.addi %add3A_215, %add3A_258 : i32
        %mul3A_260 = arith.constant 10000 : i32
        %mul3A_261 = arith.muli %add3A, %mul3A_260 : i32
        %mul3A_262 = arith.constant 80 : i32
        %mul3A_263 = arith.muli %add3A_259, %mul3A_262 : i32
        %add3A_264 = arith.addi %mul3A_261, %mul3A_263 : i32
        %multiple_of3A_265 = tpu.assume_multiple %add3A_264, 8 : i32
        %dma_start3A_266 = tpu.memref_slice %arg3[%multiple_of3A_265] : memref<320000xi32, #tpu.memory_space<hbm>> -> memref<80xi32, #tpu.memory_space<hbm>>
        %dma_start3A_267 = tpu.memref_slice %arg3[%multiple_of3A_265] : memref<320000xi32, #tpu.memory_space<hbm>> -> memref<80xi32, #tpu.memory_space<hbm>>
        tpu.enqueue_dma source(%dma_start3A_267 : memref<80xi32, #tpu.memory_space<hbm>>) target(%arg11 : memref<80xi32, #tpu.memory_space<vmem>>) target_semaphore(%arg21 : memref<!tpu.dma_semaphore, #tpu.memory_space<semaphore_mem>>)
        %dma_start3A_268 = tpu.memref_slice %arg4[%multiple_of3A_265] : memref<320000xi32, #tpu.memory_space<hbm>> -> memref<80xi32, #tpu.memory_space<hbm>>
        %dma_start3A_269 = tpu.memref_slice %arg4[%multiple_of3A_265] : memref<320000xi32, #tpu.memory_space<hbm>> -> memref<80xi32, #tpu.memory_space<hbm>>
        tpu.enqueue_dma source(%dma_start3A_269 : memref<80xi32, #tpu.memory_space<hbm>>) target(%arg12 : memref<80xi32, #tpu.memory_space<vmem>>) target_semaphore(%arg21 : memref<!tpu.dma_semaphore, #tpu.memory_space<semaphore_mem>>)
      } else {
      }
      %dma_wait3A_228 = arith.constant 0 : i32
      %dma_wait3A_229 = tpu.memref_slice %arg3[%dma_wait3A_228] : memref<320000xi32, #tpu.memory_space<hbm>> -> memref<80xi32, #tpu.memory_space<hbm>>
      %dma_wait3A_230 = arith.constant 0 : i32
      %dma_wait3A_231 = tpu.memref_slice %arg3[%dma_wait3A_230] : memref<320000xi32, #tpu.memory_space<hbm>> -> memref<80xi32, #tpu.memory_space<hbm>>
      tpu.wait_dma2 semaphore(%arg23 : memref<!tpu.dma_semaphore, #tpu.memory_space<semaphore_mem>>) src(%dma_wait3A_231 : memref<80xi32, #tpu.memory_space<hbm>>) dst(%arg15 : memref<80xi32, #tpu.memory_space<vmem>>)
      %dma_wait3A_232 = arith.constant 0 : i32
      %dma_wait3A_233 = tpu.memref_slice %arg3[%dma_wait3A_232] : memref<320000xi32, #tpu.memory_space<hbm>> -> memref<80xi32, #tpu.memory_space<hbm>>
      %dma_wait3A_234 = arith.constant 0 : i32
      %dma_wait3A_235 = tpu.memref_slice %arg3[%dma_wait3A_234] : memref<320000xi32, #tpu.memory_space<hbm>> -> memref<80xi32, #tpu.memory_space<hbm>>
      tpu.wait_dma2 semaphore(%arg23 : memref<!tpu.dma_semaphore, #tpu.memory_space<semaphore_mem>>) src(%dma_wait3A_235 : memref<80xi32, #tpu.memory_space<hbm>>) dst(%arg16 : memref<80xi32, #tpu.memory_space<vmem>>)
      %dma_start3A_236 = arith.constant 0 : i32
      %dma_start3A_237 = arith.constant 0 : i32
      %dma_start3A_238 = tpu.memref_slice %arg2[%dma_start3A_236, %dma_start3A_237] : memref<10000x128xf32, #tpu.memory_space<hbm>> -> memref<10000x128xf32, #tpu.memory_space<hbm>>
      tpu.enqueue_indirect_dma source(%dma_start3A_238 : memref<10000x128xf32, #tpu.memory_space<hbm>>) target(%arg18 : memref<80x128xf32, #tpu.memory_space<vmem>>) offsets(%arg15 : memref<80xi32, #tpu.memory_space<vmem>>) semaphore(%arg25 : memref<!tpu.dma_semaphore, #tpu.memory_space<semaphore_mem>>)
      %broadcast_in_dim3A_239 = arith.constant 0 : i32
      %broadcast_in_dim3A_240 = vector.broadcast %broadcast_in_dim3A_239 : i32 to vector<16xi32>
      %broadcast_in_dim3A_241 = arith.constant 1.000000e+00 : f32
      %broadcast_in_dim3A_242 = vector.broadcast %broadcast_in_dim3A_241 : f32 to vector<16xf32>
      %get3A_243 = arith.constant 0 : index
      %get3A_244 = tpu.vector_load %arg16[%get3A_243] {strides = array<i32>} : memref<80xi32, #tpu.memory_space<vmem>>, vector<16xi32>,
      tpu.vector_store_idx %arg28[%broadcast_in_dim3A_240, %get3A_244], %broadcast_in_dim3A_242 {add = true} : memref<1x10000xf32, #tpu.memory_space<vmem>>[vector<16xi32>, vector<16xi32>], vector<16xf32>,
      %get3A_245 = arith.constant 16 : index
      %get3A_246 = tpu.vector_load %arg16[%get3A_245] {strides = array<i32>} : memref<80xi32, #tpu.memory_space<vmem>>, vector<16xi32>,
      tpu.vector_store_idx %arg28[%broadcast_in_dim3A_240, %get3A_246], %broadcast_in_dim3A_242 {add = true} : memref<1x10000xf32, #tpu.memory_space<vmem>>[vector<16xi32>, vector<16xi32>], vector<16xf32>,
      %get3A_247 = arith.constant 32 : index
      %get3A_248 = tpu.vector_load %arg16[%get3A_247] {strides = array<i32>} : memref<80xi32, #tpu.memory_space<vmem>>, vector<16xi32>,
      tpu.vector_store_idx %arg28[%broadcast_in_dim3A_240, %get3A_248], %broadcast_in_dim3A_242 {add = true} : memref<1x10000xf32, #tpu.memory_space<vmem>>[vector<16xi32>, vector<16xi32>], vector<16xf32>,
      %get3A_249 = arith.constant 48 : index
      %get3A_250 = tpu.vector_load %arg16[%get3A_249] {strides = array<i32>} : memref<80xi32, #tpu.memory_space<vmem>>, vector<16xi32>,
      tpu.vector_store_idx %arg28[%broadcast_in_dim3A_240, %get3A_250], %broadcast_in_dim3A_242 {add = true} : memref<1x10000xf32, #tpu.memory_space<vmem>>[vector<16xi32>, vector<16xi32>], vector<16xf32>,
      %get3A_251 = arith.constant 64 : index
      %get3A_252 = tpu.vector_load %arg16[%get3A_251] {strides = array<i32>} : memref<80xi32, #tpu.memory_space<vmem>>, vector<16xi32>,
      tpu.vector_store_idx %arg28[%broadcast_in_dim3A_240, %get3A_252], %broadcast_in_dim3A_242 {add = true} : memref<1x10000xf32, #tpu.memory_space<vmem>>[vector<16xi32>, vector<16xi32>], vector<16xf32>,
      %ge3A_253 = arith.constant 1 : i32
      %ge3A_254 = arith.cmpi sge, %add3A_215, %ge3A_253 : i32
      %convert_element_type3A_255 = arith.extui %ge3A_254 : i1 to i32
      %cond3A_256 = arith.constant 0 : i32
      %cond3A_257 = arith.cmpi ne, %convert_element_type3A_255, %cond3A_256 : i32
      scf.if %cond3A_257 {
        %dma_wait3A_258 = arith.constant 0 : i32
        %dma_wait3A_259 = arith.constant 0 : i32
        %dma_wait3A_260 = tpu.memref_slice %arg2[%dma_wait3A_258, %dma_wait3A_259] : memref<10000x128xf32, #tpu.memory_space<hbm>> -> memref<10000x128xf32, #tpu.memory_space<hbm>>
        tpu.wait_indirect_dma semaphore(%arg24 : memref<!tpu.dma_semaphore, #tpu.memory_space<semaphore_mem>>) src(%dma_wait3A_260 : memref<10000x128xf32, #tpu.memory_space<hbm>>) dst(%arg17 : memref<80x128xf32, #tpu.memory_space<vmem>>)
        %dma_start3A_261 = arith.constant 0 : i32
        %dma_start3A_262 = arith.constant 0 : i32
        %dma_start3A_263 = tpu.memref_slice %arg19[%dma_start3A_261, %dma_start3A_262] : memref<10000x128xf32, #tpu.memory_space<vmem_shared>> -> memref<10000x128xf32, #tpu.memory_space<vmem_shared>>
        tpu.enqueue_indirect_dma source(%arg17 : memref<80x128xf32, #tpu.memory_space<vmem>>) target(%dma_start3A_263 : memref<10000x128xf32, #tpu.memory_space<vmem_shared>>) offsets(%arg14 : memref<80xi32, #tpu.memory_space<vmem>>) semaphore(%arg26 : memref<!tpu.dma_semaphore, #tpu.memory_space<semaphore_mem>>) {add = true}
      } else {
      }
    }
    %scan3A_25 = arith.constant 31 : i32
    %dma_wait3A = arith.constant 0 : i32
    %dma_wait3A_26 = arith.constant 0 : i32
    %dma_wait3A_27 = tpu.memref_slice %arg19[%dma_wait3A, %dma_wait3A_26] : memref<10000x128xf32, #tpu.memory_space<vmem_shared>> -> memref<10000x128xf32, #tpu.memory_space<vmem_shared>>
    tpu.wait_indirect_dma semaphore(%arg26 : memref<!tpu.dma_semaphore, #tpu.memory_space<semaphore_mem>>) src(%arg17 : memref<80x128xf32, #tpu.memory_space<vmem>>) dst(%dma_wait3A_27 : memref<10000x128xf32, #tpu.memory_space<vmem_shared>>)
    %dma_wait3A_28 = arith.constant 0 : i32
    %dma_wait3A_29 = tpu.memref_slice %arg3[%dma_wait3A_28] : memref<320000xi32, #tpu.memory_space<hbm>> -> memref<80xi32, #tpu.memory_space<hbm>>
    %dma_wait3A_30 = arith.constant 0 : i32
    %dma_wait3A_31 = tpu.memref_slice %arg3[%dma_wait3A_30] : memref<320000xi32, #tpu.memory_space<hbm>> -> memref<80xi32, #tpu.memory_space<hbm>>
    tpu.wait_dma2 semaphore(%arg20 : memref<!tpu.dma_semaphore, #tpu.memory_space<semaphore_mem>>) src(%dma_wait3A_31 : memref<80xi32, #tpu.memory_space<hbm>>) dst(%arg9 : memref<80xi32, #tpu.memory_space<vmem>>)
    %dma_wait3A_32 = arith.constant 0 : i32
    %dma_wait3A_33 = tpu.memref_slice %arg3[%dma_wait3A_32] : memref<320000xi32, #tpu.memory_space<hbm>> -> memref<80xi32, #tpu.memory_space<hbm>>
    %dma_wait3A_34 = arith.constant 0 : i32
    %dma_wait3A_35 = tpu.memref_slice %arg3[%dma_wait3A_34] : memref<320000xi32, #tpu.memory_space<hbm>> -> memref<80xi32, #tpu.memory_space<hbm>>
    tpu.wait_dma2 semaphore(%arg20 : memref<!tpu.dma_semaphore, #tpu.memory_space<semaphore_mem>>) src(%dma_wait3A_35 : memref<80xi32, #tpu.memory_space<hbm>>) dst(%arg10 : memref<80xi32, #tpu.memory_space<vmem>>)
    %dma_start3A_36 = arith.constant 0 : i32
    %dma_start3A_37 = arith.constant 0 : i32
    %dma_start3A_38 = tpu.memref_slice %arg2[%dma_start3A_36, %dma_start3A_37] : memref<10000x128xf32, #tpu.memory_space<hbm>> -> memref<10000x128xf32, #tpu.memory_space<hbm>>
    tpu.enqueue_indirect_dma source(%dma_start3A_38 : memref<10000x128xf32, #tpu.memory_space<hbm>>) target(%arg17 : memref<80x128xf32, #tpu.memory_space<vmem>>) offsets(%arg9 : memref<80xi32, #tpu.memory_space<vmem>>) semaphore(%arg24 : memref<!tpu.dma_semaphore, #tpu.memory_space<semaphore_mem>>)
    %broadcast_in_dim3A = arith.constant 0 : i32
    %broadcast_in_dim3A_39 = vector.broadcast %broadcast_in_dim3A : i32 to vector<16xi32>
    %broadcast_in_dim3A_40 = arith.constant 1.000000e+00 : f32
    %broadcast_in_dim3A_41 = vector.broadcast %broadcast_in_dim3A_40 : f32 to vector<16xf32>
    %get3A = arith.constant 0 : index
    %get3A_42 = tpu.vector_load %arg10[%get3A] {strides = array<i32>} : memref<80xi32, #tpu.memory_space<vmem>>, vector<16xi32>,
    tpu.vector_store_idx %arg28[%broadcast_in_dim3A_39, %get3A_42], %broadcast_in_dim3A_41 {add = true} : memref<1x10000xf32, #tpu.memory_space<vmem>>[vector<16xi32>, vector<16xi32>], vector<16xf32>,
    %get3A_43 = arith.constant 16 : index
    %get3A_44 = tpu.vector_load %arg10[%get3A_43] {strides = array<i32>} : memref<80xi32, #tpu.memory_space<vmem>>, vector<16xi32>,
    tpu.vector_store_idx %arg28[%broadcast_in_dim3A_39, %get3A_44], %broadcast_in_dim3A_41 {add = true} : memref<1x10000xf32, #tpu.memory_space<vmem>>[vector<16xi32>, vector<16xi32>], vector<16xf32>,
    %get3A_45 = arith.constant 32 : index
    %get3A_46 = tpu.vector_load %arg10[%get3A_45] {strides = array<i32>} : memref<80xi32, #tpu.memory_space<vmem>>, vector<16xi32>,
    tpu.vector_store_idx %arg28[%broadcast_in_dim3A_39, %get3A_46], %broadcast_in_dim3A_41 {add = true} : memref<1x10000xf32, #tpu.memory_space<vmem>>[vector<16xi32>, vector<16xi32>], vector<16xf32>,
    %get3A_47 = arith.constant 48 : index
    %get3A_48 = tpu.vector_load %arg10[%get3A_47] {strides = array<i32>} : memref<80xi32, #tpu.memory_space<vmem>>, vector<16xi32>,
    tpu.vector_store_idx %arg28[%broadcast_in_dim3A_39, %get3A_48], %broadcast_in_dim3A_41 {add = true} : memref<1x10000xf32, #tpu.memory_space<vmem>>[vector<16xi32>, vector<16xi32>], vector<16xf32>,
    %get3A_49 = arith.constant 64 : index
    %get3A_50 = tpu.vector_load %arg10[%get3A_49] {strides = array<i32>} : memref<80xi32, #tpu.memory_space<vmem>>, vector<16xi32>,
    tpu.vector_store_idx %arg28[%broadcast_in_dim3A_39, %get3A_50], %broadcast_in_dim3A_41 {add = true} : memref<1x10000xf32, #tpu.memory_space<vmem>>[vector<16xi32>, vector<16xi32>], vector<16xf32>,
    %dma_wait3A_51 = arith.constant 0 : i32
    %dma_wait3A_52 = arith.constant 0 : i32
    %dma_wait3A_53 = tpu.memref_slice %arg2[%dma_wait3A_51, %dma_wait3A_52] : memref<10000x128xf32, #tpu.memory_space<hbm>> -> memref<10000x128xf32, #tpu.memory_space<hbm>>
    tpu.wait_indirect_dma semaphore(%arg25 : memref<!tpu.dma_semaphore, #tpu.memory_space<semaphore_mem>>) src(%dma_wait3A_53 : memref<10000x128xf32, #tpu.memory_space<hbm>>) dst(%arg18 : memref<80x128xf32, #tpu.memory_space<vmem>>)
    %dma_start3A_54 = arith.constant 0 : i32
    %dma_start3A_55 = arith.constant 0 : i32
    %dma_start3A_56 = tpu.memref_slice %arg19[%dma_start3A_54, %dma_start3A_55] : memref<10000x128xf32, #tpu.memory_space<vmem_shared>> -> memref<10000x128xf32, #tpu.memory_space<vmem_shared>>
    tpu.enqueue_indirect_dma source(%arg18 : memref<80x128xf32, #tpu.memory_space<vmem>>) target(%dma_start3A_56 : memref<10000x128xf32, #tpu.memory_space<vmem_shared>>) offsets(%arg16 : memref<80xi32, #tpu.memory_space<vmem>>) semaphore(%arg27 : memref<!tpu.dma_semaphore, #tpu.memory_space<semaphore_mem>>) {add = true}
    %dma_wait3A_57 = arith.constant 0 : i32
    %dma_wait3A_58 = arith.constant 0 : i32
    %dma_wait3A_59 = tpu.memref_slice %arg2[%dma_wait3A_57, %dma_wait3A_58] : memref<10000x128xf32, #tpu.memory_space<hbm>> -> memref<10000x128xf32, #tpu.memory_space<hbm>>
    tpu.wait_indirect_dma semaphore(%arg24 : memref<!tpu.dma_semaphore, #tpu.memory_space<semaphore_mem>>) src(%dma_wait3A_59 : memref<10000x128xf32, #tpu.memory_space<hbm>>) dst(%arg17 : memref<80x128xf32, #tpu.memory_space<vmem>>)
    %dma_start3A_60 = arith.constant 0 : i32
    %dma_start3A_61 = arith.constant 0 : i32
    %dma_start3A_62 = tpu.memref_slice %arg19[%dma_start3A_60, %dma_start3A_61] : memref<10000x128xf32, #tpu.memory_space<vmem_shared>> -> memref<10000x128xf32, #tpu.memory_space<vmem_shared>>
    tpu.enqueue_indirect_dma source(%arg17 : memref<80x128xf32, #tpu.memory_space<vmem>>) target(%dma_start3A_62 : memref<10000x128xf32, #tpu.memory_space<vmem_shared>>) offsets(%arg10 : memref<80xi32, #tpu.memory_space<vmem>>) semaphore(%arg26 : memref<!tpu.dma_semaphore, #tpu.memory_space<semaphore_mem>>) {add = true}
    %dma_wait3A_63 = arith.constant 0 : i32
    %dma_wait3A_64 = arith.constant 0 : i32
    %dma_wait3A_65 = tpu.memref_slice %arg19[%dma_wait3A_63, %dma_wait3A_64] : memref<10000x128xf32, #tpu.memory_space<vmem_shared>> -> memref<10000x128xf32, #tpu.memory_space<vmem_shared>>
    tpu.wait_indirect_dma semaphore(%arg26 : memref<!tpu.dma_semaphore, #tpu.memory_space<semaphore_mem>>) src(%arg17 : memref<80x128xf32, #tpu.memory_space<vmem>>) dst(%dma_wait3A_65 : memref<10000x128xf32, #tpu.memory_space<vmem_shared>>)
    %dma_wait3A_66 = arith.constant 0 : i32
    %dma_wait3A_67 = arith.constant 0 : i32
    %dma_wait3A_68 = tpu.memref_slice %arg19[%dma_wait3A_66, %dma_wait3A_67] : memref<10000x128xf32, #tpu.memory_space<vmem_shared>> -> memref<10000x128xf32, #tpu.memory_space<vmem_shared>>
    tpu.wait_indirect_dma semaphore(%arg27 : memref<!tpu.dma_semaphore, #tpu.memory_space<semaphore_mem>>) src(%arg18 : memref<80x128xf32, #tpu.memory_space<vmem>>) dst(%dma_wait3A_68 : memref<10000x128xf32, #tpu.memory_space<vmem_shared>>)
    %barrier3A_69 = arith.constant 0 : index
    tpu.barrier barrier_id(%barrier3A_69)
    "tpu.region"() ({
      %run_scoped3A = tpu.sem_alloc : memref<!tpu.dma_semaphore, #tpu.memory_space<semaphore_mem>>
      %dma_start3A_75 = arith.constant 0 : i32
      %dma_start3A_76 = tpu.memref_slice %arg7[%arg0, %mul3A_2, %dma_start3A_75] : memref<2x10000x128xf32, #tpu.memory_space<hbm>> -> memref<1x624x128xf32, #tpu.memory_space<hbm>>
      %dma_start3A_77 = tpu.memref_squeeze %dma_start3A_76 : memref<1x624x128xf32, #tpu.memory_space<hbm>> -> memref<624x128xf32, #tpu.memory_space<hbm>>
      %dma_start3A_78 = arith.constant 0 : i32
      %dma_start3A_79 = tpu.memref_slice %arg19[%mul3A_2, %dma_start3A_78] : memref<10000x128xf32, #tpu.memory_space<vmem_shared>> -> memref<624x128xf32, #tpu.memory_space<vmem_shared>>
      tpu.enqueue_dma source(%dma_start3A_79 : memref<624x128xf32, #tpu.memory_space<vmem_shared>>) target(%dma_start3A_77 : memref<624x128xf32, #tpu.memory_space<hbm>>) target_semaphore(%run_scoped3A : memref<!tpu.dma_semaphore, #tpu.memory_space<semaphore_mem>>)
      %dma_wait3A_80 = arith.constant 0 : i32
      %dma_wait3A_81 = tpu.memref_slice %arg7[%arg0, %mul3A_2, %dma_wait3A_80] : memref<2x10000x128xf32, #tpu.memory_space<hbm>> -> memref<1x624x128xf32, #tpu.memory_space<hbm>>
      %dma_wait3A_82 = tpu.memref_squeeze %dma_wait3A_81 : memref<1x624x128xf32, #tpu.memory_space<hbm>> -> memref<624x128xf32, #tpu.memory_space<hbm>>
      %dma_wait3A_83 = arith.constant 0 : i32
      %dma_wait3A_84 = tpu.memref_slice %arg19[%mul3A_2, %dma_wait3A_83] : memref<10000x128xf32, #tpu.memory_space<vmem_shared>> -> memref<624x128xf32, #tpu.memory_space<vmem_shared>>
      tpu.wait_dma2 semaphore(%run_scoped3A : memref<!tpu.dma_semaphore, #tpu.memory_space<semaphore_mem>>) src(%dma_wait3A_84 : memref<624x128xf32, #tpu.memory_space<vmem_shared>>) dst(%dma_wait3A_82 : memref<624x128xf32, #tpu.memory_space<hbm>>)
      tpu.yield
    }) : () -> ()
    "tpu.region"() ({
      %run_scoped3A = tpu.sem_alloc : memref<!tpu.dma_semaphore, #tpu.memory_space<semaphore_mem>>
      %dma_start3A_75 = arith.constant 0 : i32
      %dma_start3A_76 = arith.constant 0 : i32
      %dma_start3A_77 = tpu.memref_slice %arg8[%add3A, %dma_start3A_75, %dma_start3A_76] : memref<32x1x10000xf32, #tpu.memory_space<hbm>> -> memref<1x1x10000xf32, #tpu.memory_space<hbm>>
      %dma_start3A_78 = tpu.memref_squeeze %dma_start3A_77 : memref<1x1x10000xf32, #tpu.memory_space<hbm>> -> memref<1x10000xf32, #tpu.memory_space<hbm>>
      %dma_start3A_79 = arith.constant 0 : i32
      %dma_start3A_80 = arith.constant 0 : i32
      %dma_start3A_81 = tpu.memref_slice %arg8[%add3A, %dma_start3A_79, %dma_start3A_80] : memref<32x1x10000xf32, #tpu.memory_space<hbm>> -> memref<1x1x10000xf32, #tpu.memory_space<hbm>>
      %dma_start3A_82 = tpu.memref_squeeze %dma_start3A_81 : memref<1x1x10000xf32, #tpu.memory_space<hbm>> -> memref<1x10000xf32, #tpu.memory_space<hbm>>
      tpu.enqueue_dma source(%arg28 : memref<1x10000xf32, #tpu.memory_space<vmem>>) target(%dma_start3A_82 : memref<1x10000xf32, #tpu.memory_space<hbm>>) target_semaphore(%run_scoped3A : memref<!tpu.dma_semaphore, #tpu.memory_space<semaphore_mem>>)
      %dma_wait3A_83 = arith.constant 0 : i32
      %dma_wait3A_84 = arith.constant 0 : i32
      %dma_wait3A_85 = tpu.memref_slice %arg8[%add3A, %dma_wait3A_83, %dma_wait3A_84] : memref<32x1x10000xf32, #tpu.memory_space<hbm>> -> memref<1x1x10000xf32, #tpu.memory_space<hbm>>
      %dma_wait3A_86 = tpu.memref_squeeze %dma_wait3A_85 : memref<1x1x10000xf32, #tpu.memory_space<hbm>> -> memref<1x10000xf32, #tpu.memory_space<hbm>>
      %dma_wait3A_87 = arith.constant 0 : i32
      %dma_wait3A_88 = arith.constant 0 : i32
      %dma_wait3A_89 = tpu.memref_slice %arg8[%add3A, %dma_wait3A_87, %dma_wait3A_88] : memref<32x1x10000xf32, #tpu.memory_space<hbm>> -> memref<1x1x10000xf32, #tpu.memory_space<hbm>>
      %dma_wait3A_90 = tpu.memref_squeeze %dma_wait3A_89 : memref<1x1x10000xf32, #tpu.memory_space<hbm>> -> memref<1x10000xf32, #tpu.memory_space<hbm>>
      tpu.wait_dma2 semaphore(%run_scoped3A : memref<!tpu.dma_semaphore, #tpu.memory_space<semaphore_mem>>) src(%arg28 : memref<1x10000xf32, #tpu.memory_space<vmem>>) dst(%dma_wait3A_90 : memref<1x10000xf32, #tpu.memory_space<hbm>>)
      tpu.yield
    }) : () -> ()
    %eq3A_70 = arith.constant 0 : i32
    %eq3A_71 = arith.cmpi eq, %arg1, %eq3A_70 : i32
    %convert_element_type3A_72 = arith.extui %eq3A_71 : i1 to i32
    %cond3A_73 = arith.constant 0 : i32
    %cond3A_74 = arith.cmpi ne, %convert_element_type3A_72, %cond3A_73 : i32
    scf.if %cond3A_74 {
      "tpu.region"() ({
        %run_scoped3A = tpu.sem_alloc : memref<!tpu.dma_semaphore, #tpu.memory_space<semaphore_mem>>
        %dma_start3A_75 = arith.constant 9984 : i32
        %dma_start3A_76 = arith.constant 0 : i32
        %dma_start3A_77 = tpu.memref_slice %arg7[%arg0, %dma_start3A_75, %dma_start3A_76] : memref<2x10000x128xf32, #tpu.memory_space<hbm>> -> memref<1x16x128xf32, #tpu.memory_space<hbm>>
        %dma_start3A_78 = tpu.memref_squeeze %dma_start3A_77 : memref<1x16x128xf32, #tpu.memory_space<hbm>> -> memref<16x128xf32, #tpu.memory_space<hbm>>
        %dma_start3A_79 = arith.constant 9984 : i32
        %dma_start3A_80 = arith.constant 0 : i32
        %dma_start3A_81 = tpu.memref_slice %arg19[%dma_start3A_79, %dma_start3A_80] : memref<10000x128xf32, #tpu.memory_space<vmem_shared>> -> memref<16x128xf32, #tpu.memory_space<vmem_shared>>
        tpu.enqueue_dma source(%dma_start3A_81 : memref<16x128xf32, #tpu.memory_space<vmem_shared>>) target(%dma_start3A_78 : memref<16x128xf32, #tpu.memory_space<hbm>>) target_semaphore(%run_scoped3A : memref<!tpu.dma_semaphore, #tpu.memory_space<semaphore_mem>>)
        %dma_wait3A_82 = arith.constant 9984 : i32
        %dma_wait3A_83 = arith.constant 0 : i32
        %dma_wait3A_84 = tpu.memref_slice %arg7[%arg0, %dma_wait3A_82, %dma_wait3A_83] : memref<2x10000x128xf32, #tpu.memory_space<hbm>> -> memref<1x16x128xf32, #tpu.memory_space<hbm>>
        %dma_wait3A_85 = tpu.memref_squeeze %dma_wait3A_84 : memref<1x16x128xf32, #tpu.memory_space<hbm>> -> memref<16x128xf32, #tpu.memory_space<hbm>>
        %dma_wait3A_86 = arith.constant 9984 : i32
        %dma_wait3A_87 = arith.constant 0 : i32
        %dma_wait3A_88 = tpu.memref_slice %arg19[%dma_wait3A_86, %dma_wait3A_87] : memref<10000x128xf32, #tpu.memory_space<vmem_shared>> -> memref<16x128xf32, #tpu.memory_space<vmem_shared>>
        tpu.wait_dma2 semaphore(%run_scoped3A : memref<!tpu.dma_semaphore, #tpu.memory_space<semaphore_mem>>) src(%dma_wait3A_88 : memref<16x128xf32, #tpu.memory_space<vmem_shared>>) dst(%dma_wait3A_85 : memref<16x128xf32, #tpu.memory_space<hbm>>)
        tpu.yield
      }) : () -> ()
    } else {
    }
    return
  }
}

module attributes {stable_mosaic.version = 14 : i64} {
  func.func @_tc1_body(%arg0: i32, %arg1: memref<2000x128xf32, #tpu.memory_space<vmem>>, %arg2: memref<128x128xf32, #tpu.memory_space<vmem>>, %arg3: memref<128x128xf32, #tpu.memory_space<vmem>>, %arg4: memref<1x128xf32, #tpu.memory_space<vmem>>, %arg5: memref<2000x128xf32, #tpu.memory_space<vmem>>, %arg6: memref<2000x128xf32, #tpu.memory_space<vmem>>) attributes {dimension_semantics = [#tpu.dimension_semantics<arbitrary>], iteration_bounds = array<i64: 5>, scalar_prefetch = 0 : i64, scratch_operands = 0 : i64, tpu.core_type = #tpu.core_type<tc>, window_params = [{transform_indices = @transform_0, window_bounds = array<i64: 2000, 128>}, {pipeline_mode = #tpu.pipeline_mode<synchronous>, transform_indices = @transform_1, window_bounds = array<i64: 128, 128>}, {pipeline_mode = #tpu.pipeline_mode<synchronous>, transform_indices = @transform_2, window_bounds = array<i64: 128, 128>}, {pipeline_mode = #tpu.pipeline_mode<synchronous>, transform_indices = @transform_3, window_bounds = array<i64: 1, 128>}, {transform_indices = @transform_4, window_bounds = array<i64: 2000, 128>}, {transform_indices = @transform_5, window_bounds = array<i64: 2000, 128>}]} {
    %get3A = arith.constant 0 : index
    %get3A_0 = arith.constant 0 : index
    %get3A_1 = vector.load %arg1[%get3A, %get3A_0] : memref<2000x128xf32, #tpu.memory_space<vmem>>, vector<2000x128xf32>
    %get3A_2 = arith.constant 0 : index
    %get3A_3 = arith.constant 0 : index
    %get3A_4 = vector.load %arg2[%get3A_2, %get3A_3] : memref<128x128xf32, #tpu.memory_space<vmem>>, vector<128x128xf32>
    %dot_general3A = arith.constant dense<0.000000e+00> : vector<2000x128xf32>
    %dot_general3A_5 = tpu.matmul %get3A_1, %get3A_4, %dot_general3A {dimension_numbers = #tpu.dot_dimension_numbers<[1], [1], [0], [0], [0, 0, 1, 0], [], []>, transpose_lhs_hint = false} : vector<2000x128xf32>, vector<128x128xf32>, vector<2000x128xf32> -> vector<2000x128xf32>
    %swap3A = arith.constant 0 : index
    %swap3A_6 = arith.constant 0 : index
    %swap3A_7 = vector.load %arg5[%swap3A, %swap3A_6] : memref<2000x128xf32, #tpu.memory_space<vmem>>, vector<2000x128xf32>
    tpu.vector_store %arg5[%swap3A, %swap3A_6], %dot_general3A_5 {strides = array<i32>} : memref<2000x128xf32, #tpu.memory_space<vmem>>, vector<2000x128xf32>,
    %get3A_8 = arith.constant 0 : index
    %get3A_9 = arith.constant 0 : index
    %get3A_10 = vector.load %arg3[%get3A_8, %get3A_9] : memref<128x128xf32, #tpu.memory_space<vmem>>, vector<128x128xf32>
    %dot_general3A_11 = arith.constant dense<0.000000e+00> : vector<2000x128xf32>
    %dot_general3A_12 = tpu.matmul %get3A_1, %get3A_10, %dot_general3A_11 {dimension_numbers = #tpu.dot_dimension_numbers<[1], [1], [0], [0], [0, 0, 1, 0], [], []>, transpose_lhs_hint = false} : vector<2000x128xf32>, vector<128x128xf32>, vector<2000x128xf32> -> vector<2000x128xf32>
    %get3A_13 = arith.constant 0 : index
    %get3A_14 = arith.constant 0 : index
    %get3A_15 = vector.load %arg4[%get3A_13, %get3A_14] : memref<1x128xf32, #tpu.memory_space<vmem>>, vector<1x128xf32>
    %add3A = vector.broadcast %get3A_15 : vector<1x128xf32> to vector<2000x128xf32>
    %add3A_16 = arith.addf %dot_general3A_12, %add3A : vector<2000x128xf32>
    %swap3A_17 = arith.constant 0 : index
    %swap3A_18 = arith.constant 0 : index
    %swap3A_19 = vector.load %arg6[%swap3A_17, %swap3A_18] : memref<2000x128xf32, #tpu.memory_space<vmem>>, vector<2000x128xf32>
    tpu.vector_store %arg6[%swap3A_17, %swap3A_18], %add3A_16 {strides = array<i32>} : memref<2000x128xf32, #tpu.memory_space<vmem>>, vector<2000x128xf32>,
    return
  }
  func.func @transform_0(%arg0: i32) -> (i32, i32) {
    %c0_i32 = arith.constant 0 : i32
    %c0_i32_0 = arith.constant 0 : i32
    return %arg0, %c0_i32 : i32, i32
  }
  func.func @transform_1(%arg0: i32) -> (i32, i32) {
    %c0_i32 = arith.constant 0 : i32
    %c0_i32_0 = arith.constant 0 : i32
    %c0_i32_1 = arith.constant 0 : i32
    return %c0_i32, %c0_i32_0 : i32, i32
  }
  func.func @transform_2(%arg0: i32) -> (i32, i32) {
    %c0_i32 = arith.constant 0 : i32
    %c0_i32_0 = arith.constant 0 : i32
    %c0_i32_1 = arith.constant 0 : i32
    return %c0_i32, %c0_i32_0 : i32, i32
  }
  func.func @transform_3(%arg0: i32) -> (i32, i32) {
    %c0_i32 = arith.constant 0 : i32
    %c0_i32_0 = arith.constant 0 : i32
    %c0_i32_1 = arith.constant 0 : i32
    return %c0_i32, %c0_i32_0 : i32, i32
  }
  func.func @transform_4(%arg0: i32) -> (i32, i32) {
    %c0_i32 = arith.constant 0 : i32
    %c0_i32_0 = arith.constant 0 : i32
    return %arg0, %c0_i32 : i32, i32
  }
  func.func @transform_5(%arg0: i32) -> (i32, i32) {
    %c0_i32 = arith.constant 0 : i32
    %c0_i32_0 = arith.constant 0 : i32
    return %arg0, %c0_i32 : i32, i32
  }
}

module attributes {stable_mosaic.version = 14 : i64} {
  func.func @_tc2_body(%arg0: memref<2x10000x128xf32, #tpu.memory_space<vmem>>, %arg1: memref<32x10000xf32, #tpu.memory_space<vmem>>, %arg2: memref<10000x128xf32, #tpu.memory_space<vmem>>, %arg3: memref<10000x128xf32, #tpu.memory_space<vmem>>) attributes {dimension_semantics = [], scalar_prefetch = 0 : i64, scratch_operands = 0 : i64, tpu.core_type = #tpu.core_type<tc>} {
    %get3A = arith.constant 0 : index
    %get3A_0 = arith.constant 0 : index
    %get3A_1 = vector.load %arg1[%get3A, %get3A_0] : memref<32x10000xf32, #tpu.memory_space<vmem>>, vector<32x10000xf32>
    %reduce_sum3A = arith.constant dense<0.000000e+00> : vector<10000xf32>
    %reduce_sum3A_2 = vector.multi_reduction <add>, %get3A_1, %reduce_sum3A [0] : vector<32x10000xf32> to vector<10000xf32>
    %broadcast_in_dim3A = vector.shape_cast %reduce_sum3A_2 : vector<10000xf32> to vector<1x10000xf32>
    %max3A = arith.constant 1.000000e+00 : f32
    %max3A_3 = vector.broadcast %max3A : f32 to vector<1x10000xf32>
    %max3A_4 = arith.maximumf %broadcast_in_dim3A, %max3A_3 : vector<1x10000xf32>
    %div3A = arith.constant 1.000000e+00 : f32
    %div3A_5 = vector.broadcast %div3A : f32 to vector<1x10000xf32>
    %div3A_6 = arith.divf %div3A_5, %max3A_4 : vector<1x10000xf32>
    %broadcast_in_dim3A_7 = arith.constant 1.000000e+00 : f32
    %broadcast_in_dim3A_8 = vector.broadcast %broadcast_in_dim3A_7 : f32 to vector<1x128xf32>
    %dot_general3A = arith.constant dense<0.000000e+00> : vector<10000x128xf32>
    %dot_general3A_9 = tpu.matmul %div3A_6, %broadcast_in_dim3A_8, %dot_general3A {dimension_numbers = #tpu.dot_dimension_numbers<[0], [0], [1], [1], [0, 1, 1, 1], [], []>, transpose_lhs_hint = false} : vector<1x10000xf32>, vector<1x128xf32>, vector<10000x128xf32> -> vector<10000x128xf32>
    %get3A_10 = arith.constant 0 : index
    %get3A_11 = arith.constant 0 : index
    %get3A_12 = arith.constant 0 : index
    %get3A_13 = vector.load %arg0[%get3A_10, %get3A_11, %get3A_12] : memref<2x10000x128xf32, #tpu.memory_space<vmem>>, vector<1x10000x128xf32>
    %get3A_14 = vector.shape_cast %get3A_13 : vector<1x10000x128xf32> to vector<10000x128xf32>
    %get3A_15 = arith.constant 1 : index
    %get3A_16 = arith.constant 0 : index
    %get3A_17 = arith.constant 0 : index
    %get3A_18 = vector.load %arg0[%get3A_15, %get3A_16, %get3A_17] : memref<2x10000x128xf32, #tpu.memory_space<vmem>>, vector<1x10000x128xf32>
    %get3A_19 = vector.shape_cast %get3A_18 : vector<1x10000x128xf32> to vector<10000x128xf32>
    %add3A = arith.addf %get3A_14, %get3A_19 : vector<10000x128xf32>
    %mul3A = arith.mulf %add3A, %dot_general3A_9 : vector<10000x128xf32>
    %get3A_20 = arith.constant 0 : index
    %get3A_21 = arith.constant 0 : index
    %get3A_22 = vector.load %arg2[%get3A_20, %get3A_21] : memref<10000x128xf32, #tpu.memory_space<vmem>>, vector<10000x128xf32>
    %add3A_23 = arith.addf %mul3A, %get3A_22 : vector<10000x128xf32>
    %max3A_24 = arith.constant 0.000000e+00 : f32
    %max3A_25 = vector.broadcast %max3A_24 : f32 to vector<10000x128xf32>
    %max3A_26 = arith.maximumf %add3A_23, %max3A_25 : vector<10000x128xf32>
    %swap3A = arith.constant 0 : index
    %swap3A_27 = arith.constant 0 : index
    %swap3A_28 = vector.load %arg3[%swap3A, %swap3A_27] : memref<10000x128xf32, #tpu.memory_space<vmem>>, vector<10000x128xf32>
    tpu.vector_store %arg3[%swap3A, %swap3A_27], %max3A_26 {strides = array<i32>} : memref<10000x128xf32, #tpu.memory_space<vmem>>, vector<10000x128xf32>,
    return
  }
}

module attributes {stable_mosaic.version = 14 : i64} {
  func.func @_tc3_body(%arg0: memref<2x10000x128xf32, #tpu.memory_space<vmem>>, %arg1: memref<32x10000xf32, #tpu.memory_space<vmem>>, %arg2: memref<10000x128xf32, #tpu.memory_space<vmem>>, %arg3: memref<64x128xf32, #tpu.memory_space<vmem>>, %arg4: memref<64x128xf32, #tpu.memory_space<vmem>>, %arg5: memref<1x64xf32, #tpu.memory_space<vmem>>, %arg6: memref<10000x64xf32, #tpu.memory_space<vmem>>) attributes {dimension_semantics = [], scalar_prefetch = 0 : i64, scratch_operands = 0 : i64, tpu.core_type = #tpu.core_type<tc>} {
    %get3A = arith.constant 0 : index
    %get3A_0 = arith.constant 0 : index
    %get3A_1 = vector.load %arg1[%get3A, %get3A_0] : memref<32x10000xf32, #tpu.memory_space<vmem>>, vector<32x10000xf32>
    %reduce_sum3A = arith.constant dense<0.000000e+00> : vector<10000xf32>
    %reduce_sum3A_2 = vector.multi_reduction <add>, %get3A_1, %reduce_sum3A [0] : vector<32x10000xf32> to vector<10000xf32>
    %broadcast_in_dim3A = vector.shape_cast %reduce_sum3A_2 : vector<10000xf32> to vector<1x10000xf32>
    %max3A = arith.constant 1.000000e+00 : f32
    %max3A_3 = vector.broadcast %max3A : f32 to vector<1x10000xf32>
    %max3A_4 = arith.maximumf %broadcast_in_dim3A, %max3A_3 : vector<1x10000xf32>
    %div3A = arith.constant 1.000000e+00 : f32
    %div3A_5 = vector.broadcast %div3A : f32 to vector<1x10000xf32>
    %div3A_6 = arith.divf %div3A_5, %max3A_4 : vector<1x10000xf32>
    %broadcast_in_dim3A_7 = arith.constant 1.000000e+00 : f32
    %broadcast_in_dim3A_8 = vector.broadcast %broadcast_in_dim3A_7 : f32 to vector<1x128xf32>
    %dot_general3A = arith.constant dense<0.000000e+00> : vector<10000x128xf32>
    %dot_general3A_9 = tpu.matmul %div3A_6, %broadcast_in_dim3A_8, %dot_general3A {dimension_numbers = #tpu.dot_dimension_numbers<[0], [0], [1], [1], [0, 1, 1, 1], [], []>, transpose_lhs_hint = false} : vector<1x10000xf32>, vector<1x128xf32>, vector<10000x128xf32> -> vector<10000x128xf32>
    %get3A_10 = arith.constant 0 : index
    %get3A_11 = arith.constant 0 : index
    %get3A_12 = arith.constant 0 : index
    %get3A_13 = vector.load %arg0[%get3A_10, %get3A_11, %get3A_12] : memref<2x10000x128xf32, #tpu.memory_space<vmem>>, vector<1x10000x128xf32>
    %get3A_14 = vector.shape_cast %get3A_13 : vector<1x10000x128xf32> to vector<10000x128xf32>
    %get3A_15 = arith.constant 1 : index
    %get3A_16 = arith.constant 0 : index
    %get3A_17 = arith.constant 0 : index
    %get3A_18 = vector.load %arg0[%get3A_15, %get3A_16, %get3A_17] : memref<2x10000x128xf32, #tpu.memory_space<vmem>>, vector<1x10000x128xf32>
    %get3A_19 = vector.shape_cast %get3A_18 : vector<1x10000x128xf32> to vector<10000x128xf32>
    %add3A = arith.addf %get3A_14, %get3A_19 : vector<10000x128xf32>
    %mul3A = arith.mulf %add3A, %dot_general3A_9 : vector<10000x128xf32>
    %get3A_20 = arith.constant 0 : index
    %get3A_21 = arith.constant 0 : index
    %get3A_22 = vector.load %arg3[%get3A_20, %get3A_21] : memref<64x128xf32, #tpu.memory_space<vmem>>, vector<64x128xf32>
    %dot_general3A_23 = arith.constant dense<0.000000e+00> : vector<10000x64xf32>
    %dot_general3A_24 = tpu.matmul %mul3A, %get3A_22, %dot_general3A_23 {dimension_numbers = #tpu.dot_dimension_numbers<[1], [1], [0], [0], [0, 0, 1, 0], [], []>, transpose_lhs_hint = false} : vector<10000x128xf32>, vector<64x128xf32>, vector<10000x64xf32> -> vector<10000x64xf32>
    %get3A_25 = arith.constant 0 : index
    %get3A_26 = arith.constant 0 : index
    %get3A_27 = vector.load %arg2[%get3A_25, %get3A_26] : memref<10000x128xf32, #tpu.memory_space<vmem>>, vector<10000x128xf32>
    %get3A_28 = arith.constant 0 : index
    %get3A_29 = arith.constant 0 : index
    %get3A_30 = vector.load %arg4[%get3A_28, %get3A_29] : memref<64x128xf32, #tpu.memory_space<vmem>>, vector<64x128xf32>
    %dot_general3A_31 = arith.constant dense<0.000000e+00> : vector<10000x64xf32>
    %dot_general3A_32 = tpu.matmul %get3A_27, %get3A_30, %dot_general3A_31 {dimension_numbers = #tpu.dot_dimension_numbers<[1], [1], [0], [0], [0, 0, 1, 0], [], []>, transpose_lhs_hint = false} : vector<10000x128xf32>, vector<64x128xf32>, vector<10000x64xf32> -> vector<10000x64xf32>
    %add3A_33 = arith.addf %dot_general3A_24, %dot_general3A_32 : vector<10000x64xf32>
    %get3A_34 = arith.constant 0 : index
    %get3A_35 = arith.constant 0 : index
    %get3A_36 = vector.load %arg5[%get3A_34, %get3A_35] : memref<1x64xf32, #tpu.memory_space<vmem>>, vector<1x64xf32>
    %add3A_37 = vector.broadcast %get3A_36 : vector<1x64xf32> to vector<10000x64xf32>
    %add3A_38 = arith.addf %add3A_33, %add3A_37 : vector<10000x64xf32>
    %swap3A = arith.constant 0 : index
    %swap3A_39 = arith.constant 0 : index
    %swap3A_40 = vector.load %arg6[%swap3A, %swap3A_39] : memref<10000x64xf32, #tpu.memory_space<vmem>>, vector<10000x64xf32>
    tpu.vector_store %arg6[%swap3A, %swap3A_39], %add3A_38 {strides = array<i32>} : memref<10000x64xf32, #tpu.memory_space<vmem>>, vector<10000x64xf32>,
    return
  }
}

</mosaic_0001>

<sc_bundles>
// kernel: kernel.10.cloned.1.call-start
scs
__scs_entry_jumppad:
0x0: {  	(pc) =	sbr.rel $0x88, $3  }
0x1: {  	(tag) =	ssettag $0x0;
	lr =	simm.s32 $0x1  }
0x2: {  	[smem:$0x3F99] =	sst lr;
	_ =	strace $0xD0000000  }
0x3: {  	_ = 	snop  }
0x4: {  	_ = 	snop  }
0x5: {  	_ = 	snop  }
0x6: {  	_ = 	snop  }
0x7: {  	_ = 	snop  }
__scs_overlays_trampoline_lowered:
0x8: {  	[smem:$0x3FA8] =	sst s0  }
0x9: {  	[smem:$0x3FA9] =	sst s1  }
0xa: {  	[smem:$0x3FAA] =	sst s2  }
0xb: {  	[smem:$0x3FAB] =	sst s3  }
0xc: {  	[smem:$0x3FAC] =	sst s4  }
0xd: {  	[smem:$0x3FAD] =	sst s5  }
0xe: {  	[smem:$0x3FAE] =	sst s6  }
0xf: {  	[smem:$0x3FAF] =	sst s7  }
0x10: {  	[smem:$0x3FB0] =	sst s8  }
0x11: {  	[smem:$0x3FB1] =	sst s9;
	s0 =	simm.s32 @!p0 $0x0  }
0x12: {  	s1 =	sld [smem:$0x3F97];
	s0 =	simm.s32 @p0 $0x1  }
0x13: {  	[smem:$0x3FB2] =	sst s0;
	s0 =	simm.s32 @!p1 $0x0  }
0x14: {  	s2 =	sld [smem:$0x3F96];
	s0 =	simm.s32 @p1 $0x1  }
0x15: {  	[smem:$0x3FB3] =	sst s0;
	s0 =	simm.s32 @!p2 $0x0  }
0x16: {  	s3 =	sld [smem:$0x3FDB];
	s0 =	simm.s32 @p2 $0x1  }
0x17: {  	s4 =	simm.s32 $0x1BF5;
	[smem:$0x3FB5] =	sst s0  }
0x18: {  	s0 =	sld [smem:$0x3F98];
	_ =	swait.ge [sflag:s4], $0x0  }
0x19: {  	s7 =	sld [smem:$0x3F99]  }
0x1a: {  	s8 =	sadd.s32 $0xFFFFE003, lr  }
0x1b: {  	s9 =	sadd.s32 $0xFFFFFEF7, lr;
	s5 =	simm.s32 $0xFFFFFFFF;
	p2 =	slt.u32 s8, $0xFFFFF086  }
0x1c: {  	p1 =	slt.u32 s9, $0xF7A;
	s5 =	simm.s32 @!p2 $0x0  }
0x1d: {  	s5 =	simm.s32 @p1 $0x1;
	p0 =	seq.s32 s7, s2  }
0x1e: {  	s7 =	smul.u32 @!p0 $0xF7A, s2;
	p2 =	seq.s32 @!p0 s5, $0x0  }
0x1f: {  	s9 =	smul.u32 $0xF7A, s1;
	s8 =	simm.s32 @!p0 $0x1BF5;
	p2 =	por !p2, p0  }
0x20: {  	[sflag:s8] =	ssyncset.s32 @!p0 $0xFFFFF086;
	s6 =	sadd.s32 @!p0 s3, s7;
	s7 =	simm.s32 @!p0 $0x108  }
0x21: {  	s3 =	sadd.s32 s3, s9;
	s6 =	sadd.s32 @!p0 $0x88, s6;
	s7 =	simm.s32 @p2 $0x1082  }
0x22: {  	[simem:s7], [sflag:s8] =	dma.local @!p0 [hbm:s6], $0xF7A  }
0x23: {  	s9 =	sor.u32 $0xD0000000, s2;
	s6 =	simm.s32 $0x108;
	_ =	swait.ge @!p0 [sflag:s8], $0x0  }
0x24: {  	s3 =	sadd.s32 $0x88, s3;
	s6 =	simm.s32 @!p1 $0x1082;
	[sflag:s4] =	ssyncset.s32 $0xFFFFF086  }
0x25: {  	[simem:s6], [sflag:s4] =	dma.local [hbm:s3], $0xF7A  }
0x26: {  	[smem:$0x3F99] =	sst s1;
	(tag) =	ssettag s2;
	_ =	strace s9  }
0x27: {  	s1 =	sld [smem:$0x3FA9]  }
0x28: {  	s2 =	sld [smem:$0x3FAA]  }
0x29: {  	s4 =	sld [smem:$0x3FAC]  }
0x2a: {  	p0 =	seq.s32 s5, $0x0;
	s5 =	sld [smem:$0x3FAD]  }
0x2b: {  	s6 =	sld [smem:$0x3FAE]  }
0x2c: {  	s7 =	sld [smem:$0x3FAF]  }
0x2d: {  	s3 =	simm.s32 $0x108;
	s8 =	sld [smem:$0x3FB0]  }
0x2e: {  	s3 =	simm.s32 @!p0 $0x1082;
	s9 =	sld [smem:$0x3FB1]  }
0x2f: {  	lr =	sadd.s32 s0, s3;
	s0 =	sld [smem:$0x3FA8]  }
0x30: {  	s3 =	sld [smem:$0x3FAB]  }
0x31: {  	[smem:$0x3FB4] =	sst s10  }
0x32: {  	s10 =	sld [smem:$0x3FB2];
	_ =	sdelay $0x3  }
0x33: {  	p0 =	seq.s32 s10, $0x1;
	s10 =	sld [smem:$0x3FB4];
	_ =	sdelay $0x3  }
0x34: {  	[smem:$0x3FB4] =	sst s10  }
0x35: {  	s10 =	sld [smem:$0x3FB3];
	_ =	sdelay $0x3  }
0x36: {  	p1 =	seq.s32 s10, $0x1;
	s10 =	sld [smem:$0x3FB4];
	_ =	sdelay $0x3  }
0x37: {  	[smem:$0x3FB4] =	sst s10  }
0x38: {  	s10 =	sld [smem:$0x3FB5]  }
0x39: {  	_ = 	snop;
	(pc) =	sbr.ind lr, $3  }
0x3a: {  	_ = 	snop  }
0x3b: {  	_ = 	snop  }
0x3c: {  	p2 =	seq.s32 s10, $0x1;
	s10 =	sld [smem:$0x3FB4]  }
0x3d: {  	_ =	shalt  }
0x3e: {  	_ =	shalt  }
0x3f: {  	_ =	shalt  }
0x40: {  	_ =	shalt  }
0x41: {  	_ =	shalt  }
0x42: {  	_ =	shalt  }
0x43: {  	_ =	shalt  }
0x44: {  	_ =	shalt  }
0x45: {  	_ =	shalt  }
0x46: {  	_ =	shalt  }
0x47: {  	_ =	shalt  }
0x48: {  	_ =	shalt  }
0x49: {  	_ =	shalt  }
0x4a: {  	_ =	shalt  }
0x4b: {  	_ =	shalt  }
0x4c: {  	_ =	shalt  }
0x4d: {  	_ =	shalt  }
0x4e: {  	_ =	shalt  }
0x4f: {  	_ =	shalt  }
0x50: {  	_ =	shalt  }
0x51: {  	_ =	shalt  }
0x52: {  	_ =	shalt  }
0x53: {  	_ =	shalt  }
0x54: {  	_ =	shalt  }
0x55: {  	_ =	shalt  }
0x56: {  	_ =	shalt  }
0x57: {  	_ =	shalt  }
0x58: {  	_ =	shalt  }
0x59: {  	_ =	shalt  }
0x5a: {  	_ =	shalt  }
0x5b: {  	_ =	shalt  }
0x5c: {  	_ =	shalt  }
0x5d: {  	_ =	shalt  }
0x5e: {  	_ =	shalt  }
0x5f: {  	_ =	shalt  }
0x60: {  	_ =	shalt  }
0x61: {  	_ =	shalt  }
0x62: {  	_ =	shalt  }
0x63: {  	_ =	shalt  }
0x64: {  	_ =	shalt  }
0x65: {  	_ =	shalt  }
0x66: {  	_ =	shalt  }
0x67: {  	_ =	shalt  }
0x68: {  	_ =	shalt  }
0x69: {  	_ =	shalt  }
0x6a: {  	_ =	shalt  }
0x6b: {  	_ =	shalt  }
0x6c: {  	_ =	shalt  }
0x6d: {  	_ =	shalt  }
0x6e: {  	_ =	shalt  }
0x6f: {  	_ =	shalt  }
0x70: {  	_ =	shalt  }
0x71: {  	_ =	shalt  }
0x72: {  	_ =	shalt  }
0x73: {  	_ =	shalt  }
0x74: {  	_ =	shalt  }
0x75: {  	_ =	shalt  }
0x76: {  	_ =	shalt  }
0x77: {  	_ =	shalt  }
0x78: {  	_ =	shalt  }
0x79: {  	_ =	shalt  }
0x7a: {  	_ =	shalt  }
0x7b: {  	_ =	shalt  }
0x7c: {  	_ =	shalt  }
0x7d: {  	_ =	shalt  }
0x7e: {  	_ =	shalt  }
0x7f: {  	_ =	shalt  }
0x80: {  	_ =	shalt  }
0x81: {  	_ =	shalt  }
0x82: {  	_ =	shalt  }
0x83: {  	_ =	shalt  }
0x84: {  	_ =	shalt  }
0x85: {  	_ =	shalt  }
0x86: {  	_ =	shalt  }
0x87: {  	_ =	shalt  }
.Lfunc_end0:
.L_simem_size_0:
called_computation.1_lowered:
.L_overlay_start_0:
0x88: {  	s2 =	sld [smem:$0x3FD9]  }
0x89: {  	s3 =	sld [smem:$0x3FFE];
	_ =	sdelay $0x1  }
0x8a: {  	s1 =	srdreg.scid  }
0x8b: {  	s0 =	sand.u32 $0x1, s1  }
0x8c: {  	s16 =	sshll.u32 s0, $0xA;
	s2 =	sadd.s32 s3, s2  }
0x8d: {  	s2 =	sadd.s32 s2, s16  }
0x8e: {  	[smem:$0x3FC0] =	sst s2  }
0x8f: {  	_ = 	snop  }
0x90: {  	(tm) =	ssettm $0x1  }
0x91: {  	s17 =	sld [smem:$0x3FFB];
	_ =	sdelay $0x3  }
0x92: {  	_ =	strace s17  }
0x93: {  	s2 =	sld [smem:$0x3FFC];
	_ =	sdelay $0x3  }
0x94: {  	_ =	strace s2  }
0x95: {  	s2 =	sld [smem:$0x3FFD];
	_ =	sdelay $0x3  }
0x96: {  	_ =	strace s2  }
0x97: {  	_ =	strace $0x8FFFFFFF  }
0x98: {  	s18 =	sld [smem:$0x3FDB];
	_ =	sdelay $0x1  }
0x99: {  	s19 =	simm.s32 $_scs_section_size  }
0x9a: {  	s4 =	simm.s32 $_size__tile_overlayer_lowered;
	s5 =	simm.s32 $_tile_overlayer_lowered  }
0x9b: {  	s22 =	simm.s32 $0x1BFF;
	s21 =	sshll.u32 s5, $0x1;
	s2 =	sadd.s32 s19, s18  }
0x9c: {  	s6 =	simm.s32 $0x0;
	s20 =	sshll.u32 s4, $0x1;
	s4 =	sadd.s32 s21, s2  }
0x9d: {  	[timem:s6], [sflag:s22] =	dma.local [hbm:s4], s20  }
0x9e: {  	_ =	swait.ge [sflag:s22], s20  }
0x9f: {  	s3 =	ssub.s32 $0x0, s20;
	[sflag:s22] =	ssyncset.done $0x0  }
0xa0: {  	[sflag:s22] =	ssyncadd.s32 s3;
	_ =	sdelay $0x1  }
0xa1: {  	s23 =	simm.s32 $0x1B8B  }
0xa2: {  	_ =	swait.ge [sflag:s23], $0x1  }
0xa3: {  	[sflag:s23] =	ssyncset.done $0x0  }
0xa4: {  	s25 =	simm.s32 $0x1B8E;
	s24 =	sld [smem:$0x3FFE];
	[sflag:s23] =	ssyncadd.s32 $0xFFFFFFFF  }
0xa5: {  	s26 =	simm.s32 $execute0_lowered;
	[smem:$0x3FD2] =	sst s25  }
0xa6: {  	s4 =	sshll.u32 s26, $0x1;
	_ =	strace $0x80000049;
	[dreg:$0x1] =	wrdreg $0xFFFFFFFF  }
0xa7: {  	s28 =	simm.s32 $_size_execute0_lowered;
	s2 =	sadd.s32 s2, s4;
	[dreg:$0x0] =	wrdreg $0x0  }
0xa8: {  	s4 =	sshll.u32 s28, $0x1;
	[dreg:$0x2] =	wrdreg s2  }
0xa9: {  	[dreg:$0x3] =	wrdreg s4  }
0xaa: {  	[dreg:$0x4] =	wrdreg $0xC0  }
0xab: {  	_ =	task [dreg:s6], $0x5FFFF  }
0xac: {  	[dreg:$0x1] =	wrdreg $0xFFFFFFFF  }
0xad: {  	[dreg:$0x0] =	wrdreg $0x60  }
0xae: {  	[dreg:$0x2] =	wrdreg s24  }
0xaf: {  	[dreg:$0x3] =	wrdreg $0xA8000  }
0xb0: {  	[dreg:$0x4] =	wrdreg $0x9  }
0xb1: {  	_ =	task.clear_ibuf [dreg:s6], $0x5FFFF;
	_ =	strace $0x90000049  }
0xb2: {  	s29 =	simm.s32 $0x9;
	_ =	strace $0x8000004B  }
0xb3: {  	_ =	swait.ge [sflag:s29], $0x1  }
0xb4: {  	[sflag:s29] =	ssyncadd.s32 $0xFFFFFFFF  }
0xb5: {  	_ =	strace $0x9000004B  }
0xb6: {  	_ =	sfence  }
0xb7: {  	s30 =	sld [smem:$0x0];
	_ =	sdelay $0x2  }
0xb8: {  	s31 =	sshll.u32 s1, $0xD;
	s1 =	sshrl.u32 s1, $0x2  }
0xb9: {  	s3 =	sand.u32 $0x4000, s31;
	s1 =	sadd.s32 s1, s30  }
0xba: {  	s0 =	sor.u32 s3, s0;
	s1 =	sshll.u32 s1, $0x11  }
0xbb: {  	s0 =	sor.u32 s1, s0  }
0xbc: {  	s0 =	sadd.s32 $0x8F2B, s0  }
0xbd: {  	[sflag:s0] =	ssyncadd.remote.s32 $0x1  }
0xbe: {  	_ =	sfence.sel $0xFFFF  }
0xbf: {  	[dreg:$0x0] =	wrdreg $0xFFFFFFFF;
	(pc) =	sbr.abs _section_cstart, $3  }
0xc0: {  	[dreg:$0x1] =	wrdreg $0xFFFFFFFF  }
0xc1: {  	_ =	task.clear_ibuf [dreg:s6], $0x2FFFF;
	_ =	strace $0x9FFFFFFF  }
0xc2: {  	(tm) =	ssettm $0x7FFFFFFF  }
0xc3: {  	_ =	shalt  }
tec
execute0_lowered:
.L_overlay_start_1:
0x0: {  	(tag) =	ssettag $0x1  }
0x1: {  	s0 =	rddreg [dreg:$0x0]  }
0x2: {  	s1 =	rddreg [dreg:$0x1]  }
0x3: {  	s2 =	simm.s32 $0x0;
	s5 =	srdreg.scid;
	s8 =	stileid.u32  }
0x4: {  	[smem:$0x7FF] =	sst s2;
	s3 =	sadd.s32 $0x15A00, s0;
	s4 =	sadd.s32 $0xBC00, s0  }
0x5: {  	s6 =	sand.u32 $0x1, s5;
	s5 =	sadd.s32 $0x1E00, s0;
	s10 =	smul.u32 $0x4E000, s8  }
0x6: {  	s11 =	sadd.s32 $0x3D200, s0;
	s28 =	sshll.u32 s8, $0x6;
	s31 =	sadd.s32 $0x138000, s1  }
0x7: {  	s24 =	smul.u32 $0x13800, s8;
	_ =	strace $0x8000004A;
	s7 =	sshll.u32 s6, $0x4  }
0x8: {  	s9 =	ssub.s32 $0x2, s6;
	[dreg:$0x7] =	wrdreg s11;
	s15 =	sor.u32 $0x1C11, s28  }
0x9: {  	[dreg:$0xa] =	wrdreg s31;
	s6 =	smul.u32 $0x138800, s6;
	s7 =	sor.u32 s8, s7  }
0xa: {  	s26 =	sshrl.u32 s9, $0x1;
	s10 =	sshrl.u32 s10, $0x2;
	[dreg:$0x9] =	wrdreg s15  }
0xb: {  	s7 =	smul.u32 $0x2710, s7;
	s9 =	ssub.s32 s9, s26;
	s10 =	sadd.s32 s10, s1  }
0xc: {  	s0 =	sadd.s32 $0x3FA00, s0;
	[dreg:$0x8] =	wrdreg s10;
	s31 =	smax.u32 s9, $0x1  }
0xd: {  	s26 =	sadd.s32 s24, s6;
	s19 =	sadd.s32 $0x280, s7;
	[dreg:$0x17] =	wrdreg s31  }
0xe: {  	s6 =	sshrl.u32 s6, $0x3;
	s21 =	sadd.s32 $0x2D0, s7;
	[dreg:$0x3] =	wrdreg s19  }
0xf: {  	s28 =	sshrl.u32 s26, $0x3;
	s22 =	sadd.s32 $0x320, s7;
	[dreg:$0x4] =	wrdreg s21  }
0x10: {  	s6 =	sadd.s32 s0, s6;
	s23 =	sadd.s32 $0x370, s7;
	[dreg:$0x5] =	wrdreg s22  }
0x11: {  	s30 =	sshrl.u32 s7, $0x3;
	s0 =	sadd.s32 s0, s28;
	[dreg:$0x6] =	wrdreg s23  }
0x12: {  	s12 =	sadd.s32 s4, s30;
	[dreg:$0x15] =	wrdreg s0  }
0x13: {  	s13 =	sadd.s32 s5, s30;
	s14 =	sadd.s32 $0xA, s30;
	[dreg:$0xb] =	wrdreg s12  }
0x14: {  	[dreg:$0xc] =	wrdreg s13;
	s13 =	sadd.s32 s4, s14  }
0x15: {  	s18 =	sadd.s32 $0x1E, s30;
	s10 =	sadd.s32 s5, s14;
	[dreg:$0xd] =	wrdreg s13  }
0x16: {  	s25 =	sadd.s32 $0x4D8, s30;
	s20 =	sadd.s32 s4, s18;
	[dreg:$0xe] =	wrdreg s10  }
0x17: {  	s11 =	sadd.s32 s4, s25;
	[dreg:$0x11] =	wrdreg s20  }
0x18: {  	s12 =	sadd.s32 $0x14, s30;
	s30 =	sadd.s32 $0x27000, s6;
	[dreg:$0x13] =	wrdreg s11  }
0x19: {  	s29 =	simm.s32 $0x700;
	s16 =	sadd.s32 s4, s12;
	[dreg:$0x16] =	wrdreg s30  }
0x1a: {  	p0 =	sne.s32 s8, $0x0;
	s17 =	sadd.s32 s5, s12;
	[dreg:$0xf] =	wrdreg s16  }
0x1b: {  	s8 =	simm.s32 $0x0;
	s10 =	sadd.s32 s5, s18;
	[dreg:$0x10] =	wrdreg s17  }
0x1c: {  	s12 =	simm.s32 $0x50;
	[dreg:$0x12] =	wrdreg s10;
	s10 =	sadd.s32 s5, s25  }
0x1d: {  	s25 =	simm.s32 $0x680;
	[dreg:$0x14] =	wrdreg s10;
	s10 =	simm.s32 $0x11  }
.LBB2_1:
0x1e: {  	[dreg:$0x18] =	wrdreg s8  }
0x1f: {  	s0 =	rddreg [dreg:$0x8]  }
0x20: {  	s6 =	sshrl.u32 s0, $0x3;
	s0 =	rddreg [dreg:$0x7]  }
0x21: {  	[dreg:$0x19] =	wrdreg s6  }
0x22: {  	[spmem:s6], [sflag:s15] =	dma.local [hbm:s0], $0x2700  }
0x23: {  	_ =	swait.ge [sflag:s10], $0x2700  }
0x24: {  	s6 =	rddreg [dreg:$0xa]  }
0x25: {  	[sflag:s10] =	ssyncset.done $0x0;
	s6 =	sshrl.u32 @!p0 s6, $0x3  }
0x26: {  	[sflag:s10] =	ssyncadd.s32 $0xFFFFD900;
	[dreg:$0x1a] =	wrdreg s6  }
0x27: {  	[spmem:s6], [sflag:s15] =	dma.local @!p0 [hbm:s0], $0x100  }
0x28: {  	s6 =	simm.s32 @!p0 $0x11  }
0x29: {  	_ =	swait.ge @!p0 [sflag:s6], $0x100  }
0x2a: {  	[sflag:s6] =	ssyncset.done @!p0 $0x0  }
0x2b: {  	[sflag:s6] =	ssyncadd.s32 @!p0 $0xFFFFFF00  }
0x2c: {  	[bflag:$0x0] =	sbarrier.arrive $0xFFFF  }
0x2d: {  	s6 =	rddreg [dreg:$0xb]  }
0x2e: {  	[tilespmem:s2], [sflag:$0x1] =	stream.linear.gather [hbm4b:s6+s2], $0x50, $0x38;
	[tilespmem:$0x1E080] =	vst v63  }
0x2f: {  	s10 =	simm.s32 $0x80;
	s8 =	rddreg [dreg:$0xc]  }
0x30: {  	[tilespmem:s10], [sflag:$0x1] =	stream.linear.gather [hbm4b:s8+s2], $0x50, $0x38;
	[tilespmem:$0x1E080] =	vst v63  }
0x31: {  	s24 =	simm.s32 $0x100;
	s9 =	rddreg [dreg:$0xd]  }
0x32: {  	[tilespmem:s24], [sflag:$0x2] =	stream.linear.gather [hbm4b:s9+s2], $0x50, $0x38;
	[tilespmem:$0x1E080] =	vst v63  }
0x33: {  	s26 =	simm.s32 $0x180;
	s11 =	rddreg [dreg:$0xe]  }
0x34: {  	[tilespmem:s26], [sflag:$0x2] =	stream.linear.gather [hbm4b:s11+s2], $0x50, $0x38;
	[tilespmem:$0x1E080] =	vst v63  }
0x35: {  	s28 =	simm.s32 $0x200;
	s30 =	simm.s32 $0x280;
	s13 =	rddreg [dreg:$0xf]  }
0x36: {  	[tilespmem:s28], [sflag:$0x3] =	stream.linear.gather [hbm4b:s13+s2], $0x50, $0x38;
	[tilespmem:$0x1E080] =	vst v63  }
0x37: {  	s17 =	simm.s32 $0x380;
	p1 =	por $0x1, $0x1;
	s14 =	rddreg [dreg:$0x10]  }
0x38: {  	[tilespmem:s30], [sflag:$0x3] =	stream.linear.gather [hbm4b:s14+s2], $0x50, $0x38;
	[tilespmem:$0x1E080] =	vst v63  }
0x39: {  	s15 =	rddreg [dreg:$0x11];
	s6 =	simm.s32 @!p1 $0x140;
	s13 =	simm.s32 $0x300  }
0x3a: {  	[tilespmem:s13], [sflag:$0x4] =	stream.linear.gather [hbm4b:s15+s2], $0x50, $0x38;
	[tilespmem:$0x1E080] =	vst v63  }
0x3b: {  	s16 =	rddreg [dreg:$0x12];
	s6 =	simm.s32 @p1 $0x140;
	s15 =	simm.s32 @!p1 $0xD  }
0x3c: {  	[tilespmem:s17], [sflag:$0x4] =	stream.linear.gather [hbm4b:s16+s2], $0x50, $0x38;
	[tilespmem:$0x1E080] =	vst v63  }
0x3d: {  	s6 =	sadd.s32 s7, s6;
	_ =	swait.ge @!p1 [sflag:s15], $0x2800  }
0x3e: {  	s6 =	sshrl.u32 s6, $0x3;
	[sflag:s15] =	ssyncset.done @!p1 $0x0  }
0x3f: {  	s0 =	simm.s32 $0x400;
	s18 =	sadd.s32 s4, s6;
	[sflag:s15] =	ssyncadd.s32 @!p1 $0xFFFFD800  }
0x40: {  	[tilespmem:s0], [sflag:$0x5] =	stream.linear.gather [hbm4b:s18+s2], $0x50, $0x38;
	[tilespmem:$0x1E080] =	vst v63  }
0x41: {  	s19 =	simm.s32 $0x1;
	s6 =	sadd.s32 s5, s6;
	s11 =	simm.s32 $0x480  }
0x42: {  	[tilespmem:s11], [sflag:$0x5] =	stream.linear.gather [hbm4b:s6+s2], $0x50, $0x38;
	[tilespmem:$0x1E080] =	vst v63  }
0x43: {  	_ =	swait.ge [sflag:s19], $0x50  }
0x44: {  	[sflag:s19] =	ssyncset.done $0x0  }
0x45: {  	[sflag:s19] =	ssyncadd.s32 $0xFFFFFFB0  }
0x46: {  	_ =	swait.ge [sflag:s19], $0x50  }
0x47: {  	[sflag:s19] =	ssyncset.done $0x0  }
0x48: {  	s16 =	simm.s32 $0x800;
	s6 =	simm.s32 @!p1 $0xC;
	[sflag:s19] =	ssyncadd.s32 $0xFFFFFFB0  }
0x49: {  	[tilespmem:s16], [sflag:$0x9] =	stream.indirect.gather [hbm4b:s3+s12], $0x80, s2, s12, $0xb8;
	[tilespmem:$0x1E080] =	vst v63  }
0x4a: {  	_ =	swait.ge @!p1 [sflag:s6], $0x2800  }
0x4b: {  	s20 =	simm.s32 @!p1 $0x780;
	s15 =	simm.s32 @!p1 $0x190;
	[sflag:s6] =	ssyncset.done @!p1 $0x0  }
0x4c: {  	s19 =	simm.s32 @!p1 $0x8000;
	[sflag:s6] =	ssyncadd.s32 @!p1 $0xFFFFD800;
	s6 =	simm.s32 @!p1 $0x50  }
0x4d: {  	[spmem:s1] =	stream.indirect.scatter.add.f32 @!p1 [tilespmem:s19], [sflag:$0x10], $0x80, s20, s6, $0xb8;
	[tilespmem:$0x1E080] =	vst v63  }
0x4e: {  	s15 =	simm.s32 @p1 $0x190;
	s6 =	simm.s32 @!p1 $0xE  }
0x4f: {  	s15 =	sadd.s32 s7, s15;
	_ =	swait.ge @!p1 [sflag:s6], $0x2800  }
0x50: {  	s15 =	sshrl.u32 s15, $0x3;
	[sflag:s6] =	ssyncset.done @!p1 $0x0  }
0x51: {  	s18 =	simm.s32 $0x500;
	s20 =	sadd.s32 s4, s15;
	[sflag:s6] =	ssyncadd.s32 @!p1 $0xFFFFD800  }
0x52: {  	[tilespmem:s18], [sflag:$0x6] =	stream.linear.gather [hbm4b:s20+s2], $0x50, $0x38;
	[tilespmem:$0x1E080] =	vst v63  }
0x53: {  	s22 =	simm.s32 $0x2;
	s21 =	sadd.s32 s5, s15;
	s20 =	simm.s32 $0x580  }
0x54: {  	[tilespmem:s20], [sflag:$0x6] =	stream.linear.gather [hbm4b:s21+s2], $0x50, $0x38;
	[tilespmem:$0x1E080] =	vst v63  }
0x55: {  	_ =	swait.ge [sflag:s22], $0x50  }
0x56: {  	[sflag:s22] =	ssyncset.done $0x0  }
0x57: {  	[sflag:s22] =	ssyncadd.s32 $0xFFFFFFB0  }
0x58: {  	_ =	swait.ge [sflag:s22], $0x50  }
0x59: {  	[sflag:s22] =	ssyncset.done $0x0  }
0x5a: {  	s9 =	simm.s32 $0x9;
	s21 =	simm.s32 $0x3000;
	[sflag:s22] =	ssyncadd.s32 $0xFFFFFFB0  }
0x5b: {  	[tilespmem:s21], [sflag:$0xA] =	stream.indirect.gather [hbm4b:s3+s12], $0x80, s24, s12, $0xb8;
	[tilespmem:$0x1E080] =	vst v63  }
0x5c: {  	_ =	swait.ge [sflag:s9], $0x2800  }
0x5d: {  	s6 =	simm.s32 @!p1 $0x1E0;
	[sflag:s9] =	ssyncset.done $0x0  }
0x5e: {  	s15 =	simm.s32 @!p1 $0xF;
	s6 =	simm.s32 @p1 $0x1E0;
	[sflag:s9] =	ssyncadd.s32 $0xFFFFD800  }
0x5f: {  	[spmem:s1] =	stream.indirect.scatter.add.f32 [tilespmem:s16], [sflag:$0xD], $0x80, s10, s12, $0xb8;
	[tilespmem:$0x1E080] =	vst v63  }
0x60: {  	s6 =	sadd.s32 s7, s6;
	_ =	swait.ge @!p1 [sflag:s15], $0x2800  }
0x61: {  	s6 =	sshrl.u32 s6, $0x3;
	[sflag:s15] =	ssyncset.done @!p1 $0x0  }
0x62: {  	s23 =	sadd.s32 s4, s6;
	s22 =	simm.s32 $0x600;
	[sflag:s15] =	ssyncadd.s32 @!p1 $0xFFFFD800  }
0x63: {  	[tilespmem:s22], [sflag:$0x7] =	stream.linear.gather [hbm4b:s23+s2], $0x50, $0x38;
	[tilespmem:$0x1E080] =	vst v63  }
0x64: {  	s31 =	simm.s32 $0x3;
	s6 =	sadd.s32 s5, s6  }
0x65: {  	[tilespmem:s25], [sflag:$0x7] =	stream.linear.gather [hbm4b:s6+s2], $0x50, $0x38;
	[tilespmem:$0x1E080] =	vst v63  }
0x66: {  	_ =	swait.ge [sflag:s31], $0x50  }
0x67: {  	[sflag:s31] =	ssyncset.done $0x0  }
0x68: {  	[sflag:s31] =	ssyncadd.s32 $0xFFFFFFB0  }
0x69: {  	_ =	swait.ge [sflag:s31], $0x50  }
0x6a: {  	[sflag:s31] =	ssyncset.done $0x0  }
0x6b: {  	s23 =	simm.s32 $0x5800;
	s25 =	simm.s32 $0xA;
	[sflag:s31] =	ssyncadd.s32 $0xFFFFFFB0  }
0x6c: {  	[tilespmem:s23], [sflag:$0xB] =	stream.indirect.gather [hbm4b:s3+s12], $0x80, s28, s12, $0xb8;
	[tilespmem:$0x1E080] =	vst v63  }
0x6d: {  	_ =	swait.ge [sflag:s25], $0x2800  }
0x6e: {  	s6 =	simm.s32 @!p1 $0x230;
	[sflag:s25] =	ssyncset.done $0x0  }
0x6f: {  	s15 =	simm.s32 @!p1 $0x10;
	s6 =	simm.s32 @p1 $0x230;
	[sflag:s25] =	ssyncadd.s32 $0xFFFFD800  }
0x70: {  	[spmem:s1] =	stream.indirect.scatter.add.f32 [tilespmem:s21], [sflag:$0xE], $0x80, s26, s12, $0xb8;
	[tilespmem:$0x1E080] =	vst v63  }
0x71: {  	s6 =	sadd.s32 s7, s6;
	_ =	swait.ge @!p1 [sflag:s15], $0x2800  }
0x72: {  	s6 =	sshrl.u32 s6, $0x3;
	[sflag:s15] =	ssyncset.done @!p1 $0x0  }
0x73: {  	s8 =	sadd.s32 s4, s6;
	[sflag:s15] =	ssyncadd.s32 @!p1 $0xFFFFD800  }
0x74: {  	[tilespmem:s29], [sflag:$0x8] =	stream.linear.gather [hbm4b:s8+s2], $0x50, $0x38;
	[tilespmem:$0x1E080] =	vst v63  }
0x75: {  	s14 =	simm.s32 $0x780;
	s19 =	simm.s32 $0x4;
	s6 =	sadd.s32 s5, s6  }
0x76: {  	[tilespmem:s14], [sflag:$0x8] =	stream.linear.gather [hbm4b:s6+s2], $0x50, $0x38;
	[tilespmem:$0x1E080] =	vst v63  }
0x77: {  	_ =	swait.ge [sflag:s19], $0x50  }
0x78: {  	[sflag:s19] =	ssyncset.done $0x0  }
0x79: {  	[sflag:s19] =	ssyncadd.s32 $0xFFFFFFB0  }
0x7a: {  	_ =	swait.ge [sflag:s19], $0x50  }
0x7b: {  	[sflag:s19] =	ssyncset.done $0x0  }
0x7c: {  	s8 =	simm.s32 $0x8000;
	s29 =	simm.s32 $0xB;
	[sflag:s19] =	ssyncadd.s32 $0xFFFFFFB0  }
0x7d: {  	[tilespmem:s8], [sflag:$0xC] =	stream.indirect.gather [hbm4b:s3+s12], $0x80, s13, s12, $0xb8;
	[tilespmem:$0x1E080] =	vst v63  }
0x7e: {  	_ =	swait.ge [sflag:s29], $0x2800  }
0x7f: {  	[sflag:s29] =	ssyncset.done $0x0  }
0x80: {  	s14 =	simm.s32 $0xD;
	[sflag:s29] =	ssyncadd.s32 $0xFFFFD800  }
0x81: {  	[spmem:s1] =	stream.indirect.scatter.add.f32 [tilespmem:s23], [sflag:$0xF], $0x80, s30, s12, $0xb8;
	[tilespmem:$0x1E080] =	vst v63  }
0x82: {  	s6 =	simm.s32 $0x0;
	_ =	swait.ge [sflag:s14], $0x2800  }
0x83: {  	s6 =	simm.s32 @p1 $0x0;
	s31 =	rddreg [dreg:$0x3]  }
0x84: {  	s15 =	sadd.s32 s6, s31  }
0x85: {  	[sflag:s14] =	ssyncset.done $0x0;
	s15 =	sshrl.u32 s15, $0x3  }
0x86: {  	[sflag:s14] =	ssyncadd.s32 $0xFFFFD800;
	s14 =	sadd.s32 s4, s15  }
0x87: {  	[tilespmem:s2], [sflag:$0x1] =	stream.linear.gather [hbm4b:s14+s2], $0x50, $0x38;
	[tilespmem:$0x1E080] =	vst v63  }
0x88: {  	s29 =	simm.s32 $0x5;
	s15 =	sadd.s32 s5, s15  }
0x89: {  	[tilespmem:s10], [sflag:$0x1] =	stream.linear.gather [hbm4b:s15+s2], $0x50, $0x38;
	[tilespmem:$0x1E080] =	vst v63  }
0x8a: {  	_ =	swait.ge [sflag:s29], $0x50  }
0x8b: {  	[sflag:s29] =	ssyncset.done $0x0  }
0x8c: {  	[sflag:s29] =	ssyncadd.s32 $0xFFFFFFB0  }
0x8d: {  	_ =	swait.ge [sflag:s29], $0x50  }
0x8e: {  	[sflag:s29] =	ssyncset.done $0x0  }
0x8f: {  	s31 =	simm.s32 $0xC;
	[sflag:s29] =	ssyncadd.s32 $0xFFFFFFB0  }
0x90: {  	[tilespmem:s16], [sflag:$0x9] =	stream.indirect.gather [hbm4b:s3+s12], $0x80, s0, s12, $0xb8;
	[tilespmem:$0x1E080] =	vst v63  }
0x91: {  	_ =	swait.ge [sflag:s31], $0x2800  }
0x92: {  	[sflag:s31] =	ssyncset.done $0x0  }
0x93: {  	[sflag:s31] =	ssyncadd.s32 $0xFFFFD800  }
0x94: {  	[spmem:s1] =	stream.indirect.scatter.add.f32 [tilespmem:s8], [sflag:$0x10], $0x80, s17, s12, $0xb8;
	[tilespmem:$0x1E080] =	vst v63  }
0x95: {  	s8 =	simm.s32 $0xE  }
0x96: {  	_ =	swait.ge [sflag:s8], $0x2800  }
0x97: {  	s10 =	rddreg [dreg:$0x4]  }
0x98: {  	s15 =	sadd.s32 s6, s10  }
0x99: {  	[sflag:s8] =	ssyncset.done $0x0;
	s15 =	sshrl.u32 s15, $0x3  }
0x9a: {  	[sflag:s8] =	ssyncadd.s32 $0xFFFFD800;
	s14 =	sadd.s32 s4, s15  }
0x9b: {  	[tilespmem:s24], [sflag:$0x2] =	stream.linear.gather [hbm4b:s14+s2], $0x50, $0x38;
	[tilespmem:$0x1E080] =	vst v63  }
0x9c: {  	s15 =	sadd.s32 s5, s15  }
0x9d: {  	[tilespmem:s26], [sflag:$0x2] =	stream.linear.gather [hbm4b:s15+s2], $0x50, $0x38;
	[tilespmem:$0x1E080] =	vst v63  }
0x9e: {  	s15 =	simm.s32 $0x6  }
0x9f: {  	_ =	swait.ge [sflag:s15], $0x50  }
0xa0: {  	[sflag:s15] =	ssyncset.done $0x0  }
0xa1: {  	[sflag:s15] =	ssyncadd.s32 $0xFFFFFFB0  }
0xa2: {  	_ =	swait.ge [sflag:s15], $0x50  }
0xa3: {  	[sflag:s15] =	ssyncset.done $0x0  }
0xa4: {  	[sflag:s15] =	ssyncadd.s32 $0xFFFFFFB0  }
0xa5: {  	[tilespmem:s21], [sflag:$0xA] =	stream.indirect.gather [hbm4b:s3+s12], $0x80, s18, s12, $0xb8;
	[tilespmem:$0x1E080] =	vst v63  }
0xa6: {  	_ =	swait.ge [sflag:s9], $0x2800  }
0xa7: {  	[sflag:s9] =	ssyncset.done $0x0  }
0xa8: {  	s18 =	simm.s32 $0xF;
	[sflag:s9] =	ssyncadd.s32 $0xFFFFD800  }
0xa9: {  	[spmem:s1] =	stream.indirect.scatter.add.f32 [tilespmem:s16], [sflag:$0xD], $0x80, s11, s12, $0xb8;
	[tilespmem:$0x1E080] =	vst v63  }
0xaa: {  	_ =	swait.ge [sflag:s18], $0x2800  }
0xab: {  	s19 =	rddreg [dreg:$0x5]  }
0xac: {  	s15 =	sadd.s32 s6, s19  }
0xad: {  	[sflag:s18] =	ssyncset.done $0x0;
	s15 =	sshrl.u32 s15, $0x3  }
0xae: {  	[sflag:s18] =	ssyncadd.s32 $0xFFFFD800;
	s24 =	sadd.s32 s4, s15  }
0xaf: {  	[tilespmem:s28], [sflag:$0x3] =	stream.linear.gather [hbm4b:s24+s2], $0x50, $0x38;
	[tilespmem:$0x1E080] =	vst v63  }
0xb0: {  	s26 =	simm.s32 $0x7;
	s15 =	sadd.s32 s5, s15  }
0xb1: {  	[tilespmem:s30], [sflag:$0x3] =	stream.linear.gather [hbm4b:s15+s2], $0x50, $0x38;
	[tilespmem:$0x1E080] =	vst v63  }
0xb2: {  	_ =	swait.ge [sflag:s26], $0x50  }
0xb3: {  	[sflag:s26] =	ssyncset.done $0x0  }
0xb4: {  	[sflag:s26] =	ssyncadd.s32 $0xFFFFFFB0  }
0xb5: {  	_ =	swait.ge [sflag:s26], $0x50  }
0xb6: {  	[sflag:s26] =	ssyncset.done $0x0  }
0xb7: {  	[sflag:s26] =	ssyncadd.s32 $0xFFFFFFB0  }
0xb8: {  	[tilespmem:s23], [sflag:$0xB] =	stream.indirect.gather [hbm4b:s3+s12], $0x80, s22, s12, $0xb8;
	[tilespmem:$0x1E080] =	vst v63  }
0xb9: {  	_ =	swait.ge [sflag:s25], $0x2800  }
0xba: {  	[sflag:s25] =	ssyncset.done $0x0  }
0xbb: {  	s28 =	simm.s32 $0x10;
	[sflag:s25] =	ssyncadd.s32 $0xFFFFD800  }
0xbc: {  	[spmem:s1] =	stream.indirect.scatter.add.f32 [tilespmem:s21], [sflag:$0xE], $0x80, s20, s12, $0xb8;
	[tilespmem:$0x1E080] =	vst v63  }
0xbd: {  	_ =	swait.ge [sflag:s28], $0x2800  }
0xbe: {  	s29 =	rddreg [dreg:$0x6]  }
0xbf: {  	s6 =	sadd.s32 s6, s29  }
0xc0: {  	[sflag:s28] =	ssyncset.done $0x0;
	s6 =	sshrl.u32 s6, $0x3  }
0xc1: {  	[sflag:s28] =	ssyncadd.s32 $0xFFFFD800;
	s30 =	sadd.s32 s4, s6  }
0xc2: {  	[tilespmem:s13], [sflag:$0x4] =	stream.linear.gather [hbm4b:s30+s2], $0x50, $0x38;
	[tilespmem:$0x1E080] =	vst v63  }
0xc3: {  	s31 =	simm.s32 $0x8;
	s6 =	sadd.s32 s5, s6  }
0xc4: {  	[tilespmem:s17], [sflag:$0x4] =	stream.linear.gather [hbm4b:s6+s2], $0x50, $0x38;
	[tilespmem:$0x1E080] =	vst v63  }
0xc5: {  	_ =	swait.ge [sflag:s31], $0x50  }
0xc6: {  	[sflag:s31] =	ssyncset.done $0x0  }
0xc7: {  	[sflag:s31] =	ssyncadd.s32 $0xFFFFFFB0  }
0xc8: {  	p2 =	por $0x0, $0x0;
	_ =	swait.ge [sflag:s31], $0x50  }
0xc9: {  	s19 =	simm.s32 $0x500;
	s24 =	simm.s32 @!p2 $0x410;
	[sflag:s31] =	ssyncset.done $0x0  }
0xca: {  	s15 =	simm.s32 @!p2 $0x3C0;
	s6 =	simm.s32 $0x280;
	[sflag:s31] =	ssyncadd.s32 $0xFFFFFFB0  }
.LBB2_2:
0xcb: {  	s17 =	simm.s32 $0x700;
	s8 =	simm.s32 $0x8000;
	s14 =	simm.s32 $0xB  }
0xcc: {  	[tilespmem:s8], [sflag:$0xC] =	stream.indirect.gather [hbm4b:s3+s12], $0x80, s17, s12, $0xb8;
	[tilespmem:$0x1E080] =	vst v63  }
0xcd: {  	_ =	swait.ge [sflag:s14], $0x2800  }
0xce: {  	s15 =	simm.s32 @p2 $0x140;
	s29 =	simm.s32 @!p2 $0xD;
	[sflag:s14] =	ssyncset.done $0x0  }
0xcf: {  	s13 =	simm.s32 $0x680;
	s28 =	simm.s32 $0x5800;
	[sflag:s14] =	ssyncadd.s32 $0xFFFFD800  }
0xd0: {  	[spmem:s1] =	stream.indirect.scatter.add.f32 [tilespmem:s28], [sflag:$0xF], $0x80, s13, s12, $0xb8;
	[tilespmem:$0x1E080] =	vst v63  }
0xd1: {  	s15 =	sadd.s32 s7, s15;
	_ =	swait.ge @!p2 [sflag:s29], $0x2800  }
0xd2: {  	s15 =	sshrl.u32 s15, $0x3;
	[sflag:s29] =	ssyncset.done @!p2 $0x0  }
0xd3: {  	s22 =	simm.s32 $0x400;
	s21 =	sadd.s32 s4, s15;
	[sflag:s29] =	ssyncadd.s32 @!p2 $0xFFFFD800  }
0xd4: {  	[tilespmem:s22], [sflag:$0x5] =	stream.linear.gather [hbm4b:s21+s2], $0x50, $0x38;
	[tilespmem:$0x1E080] =	vst v63  }
0xd5: {  	s11 =	simm.s32 $0x480;
	s0 =	simm.s32 $0x1;
	s23 =	sadd.s32 s5, s15  }
0xd6: {  	[tilespmem:s11], [sflag:$0x5] =	stream.linear.gather [hbm4b:s23+s2], $0x50, $0x38;
	[tilespmem:$0x1E080] =	vst v63  }
0xd7: {  	_ =	swait.ge [sflag:s0], $0x50  }
0xd8: {  	[sflag:s0] =	ssyncset.done $0x0  }
0xd9: {  	[sflag:s0] =	ssyncadd.s32 $0xFFFFFFB0  }
0xda: {  	s30 =	sadd.s32 @!p2 $0x230, s6;
	_ =	swait.ge [sflag:s0], $0x50  }
0xdb: {  	s16 =	simm.s32 $0x800;
	s24 =	simm.s32 @p2 $0x190;
	[sflag:s0] =	ssyncset.done $0x0  }
0xdc: {  	s30 =	simm.s32 @p2 $0x230;
	s29 =	simm.s32 @!p2 $0xC;
	[sflag:s0] =	ssyncadd.s32 $0xFFFFFFB0  }
0xdd: {  	[tilespmem:s16], [sflag:$0x9] =	stream.indirect.gather [hbm4b:s3+s12], $0x80, s2, s12, $0xb8;
	[tilespmem:$0x1E080] =	vst v63  }
0xde: {  	s10 =	simm.s32 @!p2 $0x780;
	s30 =	sadd.s32 s7, s30;
	_ =	swait.ge @!p2 [sflag:s29], $0x2800  }
0xdf: {  	s15 =	sshrl.u32 s30, $0x3;
	s30 =	simm.s32 @!p2 $0xE;
	[sflag:s29] =	ssyncset.done @!p2 $0x0  }
0xe0: {  	s0 =	simm.s32 @!p2 $0x8000;
	[sflag:s29] =	ssyncadd.s32 @!p2 $0xFFFFD800;
	s29 =	simm.s32 @!p2 $0x50  }
0xe1: {  	[spmem:s1] =	stream.indirect.scatter.add.f32 @!p2 [tilespmem:s0], [sflag:$0x10], $0x80, s10, s29, $0xb8;
	[tilespmem:$0x1E080] =	vst v63  }
0xe2: {  	s24 =	sadd.s32 s7, s24;
	_ =	swait.ge @!p2 [sflag:s30], $0x2800  }
0xe3: {  	s0 =	sshrl.u32 s24, $0x3;
	[sflag:s30] =	ssyncset.done @!p2 $0x0  }
0xe4: {  	s18 =	simm.s32 $0x500;
	s25 =	sadd.s32 s4, s0;
	[sflag:s30] =	ssyncadd.s32 @!p2 $0xFFFFD800  }
0xe5: {  	[tilespmem:s18], [sflag:$0x6] =	stream.linear.gather [hbm4b:s25+s2], $0x50, $0x38;
	[tilespmem:$0x1E080] =	vst v63  }
0xe6: {  	s21 =	simm.s32 $0x580;
	s29 =	simm.s32 $0x2;
	s0 =	sadd.s32 s5, s0  }
0xe7: {  	[tilespmem:s21], [sflag:$0x6] =	stream.linear.gather [hbm4b:s0+s2], $0x50, $0x38;
	[tilespmem:$0x1E080] =	vst v63  }
0xe8: {  	_ =	swait.ge [sflag:s29], $0x50  }
0xe9: {  	[sflag:s29] =	ssyncset.done $0x0  }
0xea: {  	[sflag:s29] =	ssyncadd.s32 $0xFFFFFFB0  }
0xeb: {  	_ =	swait.ge [sflag:s29], $0x50  }
0xec: {  	s9 =	simm.s32 $0x9;
	[sflag:s29] =	ssyncset.done $0x0  }
0xed: {  	s23 =	simm.s32 $0x3000;
	[sflag:s29] =	ssyncadd.s32 $0xFFFFFFB0;
	s29 =	simm.s32 $0x100  }
0xee: {  	[tilespmem:s23], [sflag:$0xA] =	stream.indirect.gather [hbm4b:s3+s12], $0x80, s29, s12, $0xb8;
	[tilespmem:$0x1E080] =	vst v63  }
0xef: {  	s26 =	sadd.s32 @!p2 $0x1E0, s6;
	_ =	swait.ge [sflag:s9], $0x2800  }
0xf0: {  	s26 =	simm.s32 @p2 $0x1E0;
	[sflag:s9] =	ssyncset.done $0x0  }
0xf1: {  	s24 =	simm.s32 $0x80;
	s0 =	simm.s32 @!p2 $0xF;
	[sflag:s9] =	ssyncadd.s32 $0xFFFFD800  }
0xf2: {  	[spmem:s1] =	stream.indirect.scatter.add.f32 [tilespmem:s16], [sflag:$0xD], $0x80, s24, s12, $0xb8;
	[tilespmem:$0x1E080] =	vst v63  }
0xf3: {  	s26 =	sadd.s32 s7, s26;
	_ =	swait.ge @!p2 [sflag:s0], $0x2800  }
0xf4: {  	s26 =	sshrl.u32 s26, $0x3;
	[sflag:s0] =	ssyncset.done @!p2 $0x0  }
0xf5: {  	s30 =	sadd.s32 s4, s26;
	s25 =	simm.s32 $0x600;
	[sflag:s0] =	ssyncadd.s32 @!p2 $0xFFFFD800  }
0xf6: {  	[tilespmem:s25], [sflag:$0x7] =	stream.linear.gather [hbm4b:s30+s2], $0x50, $0x38;
	[tilespmem:$0x1E080] =	vst v63  }
0xf7: {  	s31 =	sadd.s32 s5, s26;
	s10 =	simm.s32 $0x3  }
0xf8: {  	[tilespmem:s13], [sflag:$0x7] =	stream.linear.gather [hbm4b:s31+s2], $0x50, $0x38;
	[tilespmem:$0x1E080] =	vst v63  }
0xf9: {  	_ =	swait.ge [sflag:s10], $0x50  }
0xfa: {  	[sflag:s10] =	ssyncset.done $0x0  }
0xfb: {  	[sflag:s10] =	ssyncadd.s32 $0xFFFFFFB0  }
0xfc: {  	_ =	swait.ge [sflag:s10], $0x50  }
0xfd: {  	[sflag:s10] =	ssyncset.done $0x0  }
0xfe: {  	s30 =	simm.s32 $0x200;
	s31 =	simm.s32 $0xA;
	[sflag:s10] =	ssyncadd.s32 $0xFFFFFFB0  }
0xff: {  	[tilespmem:s28], [sflag:$0xB] =	stream.indirect.gather [hbm4b:s3+s12], $0x80, s30, s12, $0xb8;
	[tilespmem:$0x1E080] =	vst v63  }
0x100: {  	_ =	swait.ge [sflag:s31], $0x2800  }
0x101: {  	[sflag:s31] =	ssyncset.done $0x0  }
0x102: {  	s26 =	simm.s32 $0x180;
	s0 =	simm.s32 @!p2 $0x10;
	[sflag:s31] =	ssyncadd.s32 $0xFFFFD800  }
0x103: {  	[spmem:s1] =	stream.indirect.scatter.add.f32 [tilespmem:s23], [sflag:$0xE], $0x80, s26, s12, $0xb8;
	[tilespmem:$0x1E080] =	vst v63  }
0x104: {  	_ =	swait.ge @!p2 [sflag:s0], $0x2800  }
0x105: {  	[sflag:s0] =	ssyncset.done @!p2 $0x0  }
0x106: {  	s13 =	sadd.s32 s4, s15;
	[sflag:s0] =	ssyncadd.s32 @!p2 $0xFFFFD800  }
0x107: {  	[tilespmem:s17], [sflag:$0x8] =	stream.linear.gather [hbm4b:s13+s2], $0x50, $0x38;
	[tilespmem:$0x1E080] =	vst v63  }
0x108: {  	s15 =	sadd.s32 s5, s15;
	s17 =	simm.s32 $0x780;
	s13 =	simm.s32 $0x4  }
0x109: {  	[tilespmem:s17], [sflag:$0x8] =	stream.linear.gather [hbm4b:s15+s2], $0x50, $0x38;
	[tilespmem:$0x1E080] =	vst v63  }
0x10a: {  	_ =	swait.ge [sflag:s13], $0x50  }
0x10b: {  	[sflag:s13] =	ssyncset.done $0x0  }
0x10c: {  	[sflag:s13] =	ssyncadd.s32 $0xFFFFFFB0  }
0x10d: {  	_ =	swait.ge [sflag:s13], $0x50  }
0x10e: {  	[sflag:s13] =	ssyncset.done $0x0  }
0x10f: {  	s17 =	simm.s32 $0x300;
	[sflag:s13] =	ssyncadd.s32 $0xFFFFFFB0  }
0x110: {  	[tilespmem:s8], [sflag:$0xC] =	stream.indirect.gather [hbm4b:s3+s12], $0x80, s17, s12, $0xb8;
	[tilespmem:$0x1E080] =	vst v63  }
0x111: {  	_ =	swait.ge [sflag:s14], $0x2800  }
0x112: {  	[sflag:s14] =	ssyncset.done $0x0  }
0x113: {  	s10 =	simm.s32 $0xD;
	s13 =	simm.s32 $0x280;
	[sflag:s14] =	ssyncadd.s32 $0xFFFFD800  }
0x114: {  	[spmem:s1] =	stream.indirect.scatter.add.f32 [tilespmem:s28], [sflag:$0xF], $0x80, s13, s12, $0xb8;
	[tilespmem:$0x1E080] =	vst v63  }
0x115: {  	s15 =	smov.u32 s6;
	_ =	swait.ge [sflag:s10], $0x2800  }
0x116: {  	s15 =	simm.s32 @p2 $0x0;
	s14 =	rddreg [dreg:$0x3]  }
0x117: {  	s0 =	sadd.s32 s15, s14  }
0x118: {  	s20 =	smov.u32 s19;
	[sflag:s10] =	ssyncset.done $0x0;
	s0 =	sshrl.u32 s0, $0x3  }
0x119: {  	s6 =	smov.u32 s20;
	[sflag:s10] =	ssyncadd.s32 $0xFFFFD800;
	s20 =	sadd.s32 s4, s0  }
0x11a: {  	[tilespmem:s2], [sflag:$0x1] =	stream.linear.gather [hbm4b:s20+s2], $0x50, $0x38;
	[tilespmem:$0x1E080] =	vst v63  }
0x11b: {  	s14 =	simm.s32 $0x5;
	s0 =	sadd.s32 s5, s0  }
0x11c: {  	[tilespmem:s24], [sflag:$0x1] =	stream.linear.gather [hbm4b:s0+s2], $0x50, $0x38;
	[tilespmem:$0x1E080] =	vst v63  }
0x11d: {  	_ =	swait.ge [sflag:s14], $0x50  }
0x11e: {  	[sflag:s14] =	ssyncset.done $0x0  }
0x11f: {  	[sflag:s14] =	ssyncadd.s32 $0xFFFFFFB0  }
0x120: {  	_ =	swait.ge [sflag:s14], $0x50  }
0x121: {  	[sflag:s14] =	ssyncset.done $0x0  }
0x122: {  	s20 =	simm.s32 $0xC;
	[sflag:s14] =	ssyncadd.s32 $0xFFFFFFB0  }
0x123: {  	[tilespmem:s16], [sflag:$0x9] =	stream.indirect.gather [hbm4b:s3+s12], $0x80, s22, s12, $0xb8;
	[tilespmem:$0x1E080] =	vst v63  }
0x124: {  	_ =	swait.ge [sflag:s20], $0x2800  }
0x125: {  	[sflag:s20] =	ssyncset.done $0x0  }
0x126: {  	s22 =	simm.s32 $0xE;
	[sflag:s20] =	ssyncadd.s32 $0xFFFFD800;
	s20 =	simm.s32 $0x380  }
0x127: {  	[spmem:s1] =	stream.indirect.scatter.add.f32 [tilespmem:s8], [sflag:$0x10], $0x80, s20, s12, $0xb8;
	[tilespmem:$0x1E080] =	vst v63  }
0x128: {  	_ =	swait.ge [sflag:s22], $0x2800  }
0x129: {  	s24 =	rddreg [dreg:$0x4]  }
0x12a: {  	s0 =	sadd.s32 s15, s24  }
0x12b: {  	[sflag:s22] =	ssyncset.done $0x0;
	s0 =	sshrl.u32 s0, $0x3  }
0x12c: {  	[sflag:s22] =	ssyncadd.s32 $0xFFFFD800;
	s8 =	sadd.s32 s4, s0  }
0x12d: {  	[tilespmem:s29], [sflag:$0x2] =	stream.linear.gather [hbm4b:s8+s2], $0x50, $0x38;
	[tilespmem:$0x1E080] =	vst v63  }
0x12e: {  	s14 =	simm.s32 $0x6;
	s0 =	sadd.s32 s5, s0  }
0x12f: {  	[tilespmem:s26], [sflag:$0x2] =	stream.linear.gather [hbm4b:s0+s2], $0x50, $0x38;
	[tilespmem:$0x1E080] =	vst v63  }
0x130: {  	_ =	swait.ge [sflag:s14], $0x50  }
0x131: {  	[sflag:s14] =	ssyncset.done $0x0  }
0x132: {  	[sflag:s14] =	ssyncadd.s32 $0xFFFFFFB0  }
0x133: {  	_ =	swait.ge [sflag:s14], $0x50  }
0x134: {  	[sflag:s14] =	ssyncset.done $0x0  }
0x135: {  	[sflag:s14] =	ssyncadd.s32 $0xFFFFFFB0  }
0x136: {  	[tilespmem:s23], [sflag:$0xA] =	stream.indirect.gather [hbm4b:s3+s12], $0x80, s18, s12, $0xb8;
	[tilespmem:$0x1E080] =	vst v63  }
0x137: {  	_ =	swait.ge [sflag:s9], $0x2800  }
0x138: {  	[sflag:s9] =	ssyncset.done $0x0  }
0x139: {  	s18 =	simm.s32 $0xF;
	[sflag:s9] =	ssyncadd.s32 $0xFFFFD800  }
0x13a: {  	[spmem:s1] =	stream.indirect.scatter.add.f32 [tilespmem:s16], [sflag:$0xD], $0x80, s11, s12, $0xb8;
	[tilespmem:$0x1E080] =	vst v63  }
0x13b: {  	_ =	swait.ge [sflag:s18], $0x2800  }
0x13c: {  	s22 =	rddreg [dreg:$0x5]  }
0x13d: {  	s0 =	sadd.s32 s15, s22  }
0x13e: {  	[sflag:s18] =	ssyncset.done $0x0;
	s0 =	sshrl.u32 s0, $0x3  }
0x13f: {  	[sflag:s18] =	ssyncadd.s32 $0xFFFFD800;
	s24 =	sadd.s32 s4, s0  }
0x140: {  	[tilespmem:s30], [sflag:$0x3] =	stream.linear.gather [hbm4b:s24+s2], $0x50, $0x38;
	[tilespmem:$0x1E080] =	vst v63  }
0x141: {  	s26 =	simm.s32 $0x7;
	s0 =	sadd.s32 s5, s0  }
0x142: {  	[tilespmem:s13], [sflag:$0x3] =	stream.linear.gather [hbm4b:s0+s2], $0x50, $0x38;
	[tilespmem:$0x1E080] =	vst v63  }
0x143: {  	_ =	swait.ge [sflag:s26], $0x50  }
0x144: {  	[sflag:s26] =	ssyncset.done $0x0  }
0x145: {  	[sflag:s26] =	ssyncadd.s32 $0xFFFFFFB0  }
0x146: {  	_ =	swait.ge [sflag:s26], $0x50  }
0x147: {  	[sflag:s26] =	ssyncset.done $0x0  }
0x148: {  	[sflag:s26] =	ssyncadd.s32 $0xFFFFFFB0  }
0x149: {  	[tilespmem:s28], [sflag:$0xB] =	stream.indirect.gather [hbm4b:s3+s12], $0x80, s25, s12, $0xb8;
	[tilespmem:$0x1E080] =	vst v63  }
0x14a: {  	_ =	swait.ge [sflag:s31], $0x2800  }
0x14b: {  	[sflag:s31] =	ssyncset.done $0x0  }
0x14c: {  	s28 =	simm.s32 $0x10;
	[sflag:s31] =	ssyncadd.s32 $0xFFFFD800  }
0x14d: {  	[spmem:s1] =	stream.indirect.scatter.add.f32 [tilespmem:s23], [sflag:$0xE], $0x80, s21, s12, $0xb8;
	[tilespmem:$0x1E080] =	vst v63  }
0x14e: {  	_ =	swait.ge [sflag:s28], $0x2800  }
0x14f: {  	s29 =	rddreg [dreg:$0x6]  }
0x150: {  	s0 =	sadd.s32 s15, s29  }
0x151: {  	[sflag:s28] =	ssyncset.done $0x0;
	s0 =	sshrl.u32 s0, $0x3  }
0x152: {  	[sflag:s28] =	ssyncadd.s32 $0xFFFFD800;
	s30 =	sadd.s32 s4, s0  }
0x153: {  	[tilespmem:s17], [sflag:$0x4] =	stream.linear.gather [hbm4b:s30+s2], $0x50, $0x38;
	[tilespmem:$0x1E080] =	vst v63  }
0x154: {  	s19 =	sadd.s32 $0x280, s19;
	s31 =	simm.s32 $0x8;
	s0 =	sadd.s32 s5, s0  }
0x155: {  	[tilespmem:s20], [sflag:$0x4] =	stream.linear.gather [hbm4b:s0+s2], $0x50, $0x38;
	[tilespmem:$0x1E080] =	vst v63  }
0x156: {  	p1 =	sne.s32 s19, $0x2580;
	_ =	swait.ge [sflag:s31], $0x50  }
.Ltmp0:
0x157: {  	[sflag:s31] =	ssyncset.done $0x0;
	(pc) =	sbr.rel @p1 .LBB2_2-.Ltmp0, $4  }
0x158: {  	[sflag:s31] =	ssyncadd.s32 $0xFFFFFFB0  }
0x159: {  	_ =	swait.ge [sflag:s31], $0x50  }
0x15a: {  	p2 =	seq.s32 s6, $0x0;
	[sflag:s31] =	ssyncset.done $0x0  }
0x15b: {  	s24 =	sadd.s32 @!p2 $0x190, s6;
	s15 =	sadd.s32 @!p2 $0x140, s6;
	[sflag:s31] =	ssyncadd.s32 $0xFFFFFFB0  }
0x15c: {  	s0 =	simm.s32 $0x700;
	s20 =	simm.s32 $0x8000;
	s18 =	simm.s32 $0xB  }
0x15d: {  	[tilespmem:s20], [sflag:$0xC] =	stream.indirect.gather [hbm4b:s3+s12], $0x80, s0, s12, $0xb8;
	[tilespmem:$0x1E080] =	vst v63  }
0x15e: {  	_ =	swait.ge [sflag:s18], $0x2800  }
0x15f: {  	s15 =	simm.s32 @p2 $0x140;
	s8 =	simm.s32 $0x680;
	[sflag:s18] =	ssyncset.done $0x0  }
0x160: {  	s28 =	simm.s32 $0x5800;
	s0 =	simm.s32 @!p2 $0xD;
	[sflag:s18] =	ssyncadd.s32 $0xFFFFD800  }
0x161: {  	[spmem:s1] =	stream.indirect.scatter.add.f32 [tilespmem:s28], [sflag:$0xF], $0x80, s8, s12, $0xb8;
	[tilespmem:$0x1E080] =	vst v63  }
0x162: {  	s10 =	sadd.s32 s7, s15;
	_ =	swait.ge @!p2 [sflag:s0], $0x2800  }
0x163: {  	s10 =	sshrl.u32 s10, $0x3;
	[sflag:s0] =	ssyncset.done @!p2 $0x0  }
0x164: {  	s21 =	simm.s32 $0x400;
	s19 =	sadd.s32 s4, s10;
	[sflag:s0] =	ssyncadd.s32 @!p2 $0xFFFFD800  }
0x165: {  	[tilespmem:s21], [sflag:$0x5] =	stream.linear.gather [hbm4b:s19+s2], $0x50, $0x38;
	[tilespmem:$0x1E080] =	vst v63  }
0x166: {  	s23 =	simm.s32 $0x480;
	s14 =	simm.s32 $0x1;
	s22 =	sadd.s32 s5, s10  }
0x167: {  	[tilespmem:s23], [sflag:$0x5] =	stream.linear.gather [hbm4b:s22+s2], $0x50, $0x38;
	[tilespmem:$0x1E080] =	vst v63  }
0x168: {  	_ =	swait.ge [sflag:s14], $0x50  }
0x169: {  	[sflag:s14] =	ssyncset.done $0x0  }
0x16a: {  	[sflag:s14] =	ssyncadd.s32 $0xFFFFFFB0  }
0x16b: {  	_ =	swait.ge [sflag:s14], $0x50  }
0x16c: {  	[sflag:s14] =	ssyncset.done $0x0  }
0x16d: {  	s30 =	simm.s32 $0x800;
	s0 =	simm.s32 @!p2 $0xC;
	[sflag:s14] =	ssyncadd.s32 $0xFFFFFFB0  }
0x16e: {  	[tilespmem:s30], [sflag:$0x9] =	stream.indirect.gather [hbm4b:s3+s12], $0x80, s2, s12, $0xb8;
	[tilespmem:$0x1E080] =	vst v63  }
0x16f: {  	_ =	swait.ge @!p2 [sflag:s0], $0x2800  }
0x170: {  	s15 =	simm.s32 @!p2 $0x780;
	[sflag:s0] =	ssyncset.done @!p2 $0x0  }
0x171: {  	s10 =	simm.s32 @!p2 $0x8000;
	[sflag:s0] =	ssyncadd.s32 @!p2 $0xFFFFD800;
	s0 =	simm.s32 @!p2 $0x50  }
0x172: {  	[spmem:s1] =	stream.indirect.scatter.add.f32 @!p2 [tilespmem:s10], [sflag:$0x10], $0x80, s15, s0, $0xb8;
	[tilespmem:$0x1E080] =	vst v63  }
0x173: {  	s24 =	simm.s32 @p2 $0x190;
	s0 =	simm.s32 @!p2 $0xE  }
0x174: {  	s24 =	sadd.s32 s7, s24;
	_ =	swait.ge @!p2 [sflag:s0], $0x2800  }
0x175: {  	s10 =	sshrl.u32 s24, $0x3;
	[sflag:s0] =	ssyncset.done @!p2 $0x0  }
0x176: {  	s22 =	simm.s32 $0x500;
	s25 =	sadd.s32 s4, s10;
	[sflag:s0] =	ssyncadd.s32 @!p2 $0xFFFFD800  }
0x177: {  	[tilespmem:s22], [sflag:$0x6] =	stream.linear.gather [hbm4b:s25+s2], $0x50, $0x38;
	[tilespmem:$0x1E080] =	vst v63  }
0x178: {  	s31 =	simm.s32 $0x580;
	s21 =	simm.s32 $0x2;
	s26 =	sadd.s32 s5, s10  }
0x179: {  	[tilespmem:s31], [sflag:$0x6] =	stream.linear.gather [hbm4b:s26+s2], $0x50, $0x38;
	[tilespmem:$0x1E080] =	vst v63  }
0x17a: {  	_ =	swait.ge [sflag:s21], $0x50  }
0x17b: {  	[sflag:s21] =	ssyncset.done $0x0  }
0x17c: {  	[sflag:s21] =	ssyncadd.s32 $0xFFFFFFB0  }
0x17d: {  	_ =	swait.ge [sflag:s21], $0x50  }
0x17e: {  	s17 =	simm.s32 $0x9;
	[sflag:s21] =	ssyncset.done $0x0  }
0x17f: {  	s23 =	simm.s32 $0x3000;
	s10 =	simm.s32 $0x100;
	[sflag:s21] =	ssyncadd.s32 $0xFFFFFFB0  }
0x180: {  	[tilespmem:s23], [sflag:$0xA] =	stream.indirect.gather [hbm4b:s3+s12], $0x80, s10, s12, $0xb8;
	[tilespmem:$0x1E080] =	vst v63  }
0x181: {  	_ =	swait.ge [sflag:s17], $0x2800  }
0x182: {  	s13 =	simm.s32 $0x80;
	s0 =	sadd.s32 @!p2 $0x1E0, s6;
	[sflag:s17] =	ssyncset.done $0x0  }
0x183: {  	s0 =	simm.s32 @p2 $0x1E0;
	s10 =	simm.s32 @!p2 $0xF;
	[sflag:s17] =	ssyncadd.s32 $0xFFFFD800  }
0x184: {  	[spmem:s1] =	stream.indirect.scatter.add.f32 [tilespmem:s30], [sflag:$0xD], $0x80, s13, s12, $0xb8;
	[tilespmem:$0x1E080] =	vst v63  }
0x185: {  	s0 =	sadd.s32 s7, s0;
	_ =	swait.ge @!p2 [sflag:s10], $0x2800  }
0x186: {  	s0 =	sshrl.u32 s0, $0x3;
	[sflag:s10] =	ssyncset.done @!p2 $0x0  }
0x187: {  	s25 =	simm.s32 $0x600;
	s15 =	sadd.s32 s4, s0;
	[sflag:s10] =	ssyncadd.s32 @!p2 $0xFFFFD800  }
0x188: {  	[tilespmem:s25], [sflag:$0x7] =	stream.linear.gather [hbm4b:s15+s2], $0x50, $0x38;
	[tilespmem:$0x1E080] =	vst v63  }
0x189: {  	s11 =	simm.s32 $0x680;
	s0 =	sadd.s32 s5, s0  }
0x18a: {  	[tilespmem:s11], [sflag:$0x7] =	stream.linear.gather [hbm4b:s0+s2], $0x50, $0x38;
	[tilespmem:$0x1E080] =	vst v63  }
0x18b: {  	s11 =	simm.s32 $0x3  }
0x18c: {  	_ =	swait.ge [sflag:s11], $0x50  }
0x18d: {  	[sflag:s11] =	ssyncset.done $0x0  }
0x18e: {  	[sflag:s11] =	ssyncadd.s32 $0xFFFFFFB0  }
0x18f: {  	_ =	swait.ge [sflag:s11], $0x50  }
0x190: {  	[sflag:s11] =	ssyncset.done $0x0  }
0x191: {  	s24 =	simm.s32 $0x200;
	s31 =	simm.s32 $0xA;
	[sflag:s11] =	ssyncadd.s32 $0xFFFFFFB0  }
0x192: {  	[tilespmem:s28], [sflag:$0xB] =	stream.indirect.gather [hbm4b:s3+s12], $0x80, s24, s12, $0xb8;
	[tilespmem:$0x1E080] =	vst v63  }
0x193: {  	_ =	swait.ge [sflag:s31], $0x2800  }
0x194: {  	s13 =	simm.s32 $0x180;
	s0 =	sadd.s32 @!p2 $0x230, s6;
	[sflag:s31] =	ssyncset.done $0x0  }
0x195: {  	s10 =	simm.s32 @!p2 $0x10;
	s0 =	simm.s32 @p2 $0x230;
	[sflag:s31] =	ssyncadd.s32 $0xFFFFD800  }
0x196: {  	[spmem:s1] =	stream.indirect.scatter.add.f32 [tilespmem:s23], [sflag:$0xE], $0x80, s13, s12, $0xb8;
	[tilespmem:$0x1E080] =	vst v63  }
0x197: {  	s0 =	sadd.s32 s7, s0;
	_ =	swait.ge @!p2 [sflag:s10], $0x2800  }
0x198: {  	s0 =	sshrl.u32 s0, $0x3;
	[sflag:s10] =	ssyncset.done @!p2 $0x0  }
0x199: {  	s9 =	simm.s32 $0x700;
	s26 =	sadd.s32 s4, s0;
	[sflag:s10] =	ssyncadd.s32 @!p2 $0xFFFFD800  }
0x19a: {  	[tilespmem:s9], [sflag:$0x8] =	stream.linear.gather [hbm4b:s26+s2], $0x50, $0x38;
	[tilespmem:$0x1E080] =	vst v63  }
0x19b: {  	s0 =	sadd.s32 s5, s0;
	s10 =	simm.s32 $0x780;
	s9 =	simm.s32 $0x4  }
0x19c: {  	[tilespmem:s10], [sflag:$0x8] =	stream.linear.gather [hbm4b:s0+s2], $0x50, $0x38;
	[tilespmem:$0x1E080] =	vst v63  }
0x19d: {  	_ =	swait.ge [sflag:s9], $0x50  }
0x19e: {  	[sflag:s9] =	ssyncset.done $0x0  }
0x19f: {  	[sflag:s9] =	ssyncadd.s32 $0xFFFFFFB0  }
0x1a0: {  	_ =	swait.ge [sflag:s9], $0x50  }
0x1a1: {  	[sflag:s9] =	ssyncset.done $0x0  }
0x1a2: {  	s13 =	simm.s32 $0x300;
	[sflag:s9] =	ssyncadd.s32 $0xFFFFFFB0  }
0x1a3: {  	[tilespmem:s20], [sflag:$0xC] =	stream.indirect.gather [hbm4b:s3+s12], $0x80, s13, s12, $0xb8;
	[tilespmem:$0x1E080] =	vst v63  }
0x1a4: {  	_ =	swait.ge [sflag:s18], $0x2800  }
0x1a5: {  	[sflag:s18] =	ssyncset.done $0x0  }
0x1a6: {  	s26 =	simm.s32 $0x280;
	s13 =	simm.s32 $0xD;
	[sflag:s18] =	ssyncadd.s32 $0xFFFFD800  }
0x1a7: {  	[spmem:s1] =	stream.indirect.scatter.add.f32 [tilespmem:s28], [sflag:$0xF], $0x80, s26, s12, $0xb8;
	[tilespmem:$0x1E080] =	vst v63  }
0x1a8: {  	_ =	swait.ge [sflag:s13], $0x2800  }
0x1a9: {  	s6 =	simm.s32 @p2 $0x0;
	s15 =	rddreg [dreg:$0x3]  }
0x1aa: {  	s0 =	sadd.s32 s6, s15  }
0x1ab: {  	[sflag:s13] =	ssyncset.done $0x0;
	s0 =	sshrl.u32 s0, $0x3  }
0x1ac: {  	[sflag:s13] =	ssyncadd.s32 $0xFFFFD800;
	s24 =	sadd.s32 s4, s0  }
0x1ad: {  	[tilespmem:s2], [sflag:$0x1] =	stream.linear.gather [hbm4b:s24+s2], $0x50, $0x38;
	[tilespmem:$0x1E080] =	vst v63  }
0x1ae: {  	s8 =	simm.s32 $0x80;
	s0 =	sadd.s32 s5, s0  }
0x1af: {  	[tilespmem:s8], [sflag:$0x1] =	stream.linear.gather [hbm4b:s0+s2], $0x50, $0x38;
	[tilespmem:$0x1E080] =	vst v63  }
0x1b0: {  	s8 =	simm.s32 $0x5  }
0x1b1: {  	_ =	swait.ge [sflag:s8], $0x50  }
0x1b2: {  	[sflag:s8] =	ssyncset.done $0x0  }
0x1b3: {  	[sflag:s8] =	ssyncadd.s32 $0xFFFFFFB0  }
0x1b4: {  	_ =	swait.ge [sflag:s8], $0x50  }
0x1b5: {  	[sflag:s8] =	ssyncset.done $0x0  }
0x1b6: {  	s16 =	simm.s32 $0x400;
	s15 =	simm.s32 $0xC;
	[sflag:s8] =	ssyncadd.s32 $0xFFFFFFB0  }
0x1b7: {  	[tilespmem:s30], [sflag:$0x9] =	stream.indirect.gather [hbm4b:s3+s12], $0x80, s16, s12, $0xb8;
	[tilespmem:$0x1E080] =	vst v63  }
0x1b8: {  	_ =	swait.ge [sflag:s15], $0x2800  }
0x1b9: {  	[sflag:s15] =	ssyncset.done $0x0  }
0x1ba: {  	s24 =	simm.s32 $0x380;
	s16 =	simm.s32 $0xE;
	[sflag:s15] =	ssyncadd.s32 $0xFFFFD800  }
0x1bb: {  	[spmem:s1] =	stream.indirect.scatter.add.f32 [tilespmem:s20], [sflag:$0x10], $0x80, s24, s12, $0xb8;
	[tilespmem:$0x1E080] =	vst v63  }
0x1bc: {  	_ =	swait.ge [sflag:s16], $0x2800  }
0x1bd: {  	s10 =	rddreg [dreg:$0x4]  }
0x1be: {  	s0 =	sadd.s32 s6, s10  }
0x1bf: {  	[sflag:s16] =	ssyncset.done $0x0;
	s0 =	sshrl.u32 s0, $0x3  }
0x1c0: {  	s19 =	simm.s32 $0x100;
	[sflag:s16] =	ssyncadd.s32 $0xFFFFD800;
	s10 =	sadd.s32 s4, s0  }
0x1c1: {  	[tilespmem:s19], [sflag:$0x2] =	stream.linear.gather [hbm4b:s10+s2], $0x50, $0x38;
	[tilespmem:$0x1E080] =	vst v63  }
0x1c2: {  	s29 =	simm.s32 $0x180;
	s0 =	sadd.s32 s5, s0;
	s19 =	simm.s32 $0x6  }
0x1c3: {  	[tilespmem:s29], [sflag:$0x2] =	stream.linear.gather [hbm4b:s0+s2], $0x50, $0x38;
	[tilespmem:$0x1E080] =	vst v63  }
0x1c4: {  	_ =	swait.ge [sflag:s19], $0x50  }
0x1c5: {  	[sflag:s19] =	ssyncset.done $0x0  }
0x1c6: {  	[sflag:s19] =	ssyncadd.s32 $0xFFFFFFB0  }
0x1c7: {  	_ =	swait.ge [sflag:s19], $0x50  }
0x1c8: {  	[sflag:s19] =	ssyncset.done $0x0  }
0x1c9: {  	[sflag:s19] =	ssyncadd.s32 $0xFFFFFFB0  }
0x1ca: {  	[tilespmem:s23], [sflag:$0xA] =	stream.indirect.gather [hbm4b:s3+s12], $0x80, s22, s12, $0xb8;
	[tilespmem:$0x1E080] =	vst v63  }
0x1cb: {  	_ =	swait.ge [sflag:s17], $0x2800  }
0x1cc: {  	[sflag:s17] =	ssyncset.done $0x0  }
0x1cd: {  	s19 =	simm.s32 $0x480;
	s22 =	simm.s32 $0xF;
	[sflag:s17] =	ssyncadd.s32 $0xFFFFD800  }
0x1ce: {  	[spmem:s1] =	stream.indirect.scatter.add.f32 [tilespmem:s30], [sflag:$0xD], $0x80, s19, s12, $0xb8;
	[tilespmem:$0x1E080] =	vst v63  }
0x1cf: {  	_ =	swait.ge [sflag:s22], $0x2800  }
0x1d0: {  	s10 =	rddreg [dreg:$0x5]  }
0x1d1: {  	s0 =	sadd.s32 s6, s10  }
0x1d2: {  	[sflag:s22] =	ssyncset.done $0x0;
	s0 =	sshrl.u32 s0, $0x3  }
0x1d3: {  	s29 =	simm.s32 $0x200;
	[sflag:s22] =	ssyncadd.s32 $0xFFFFD800;
	s10 =	sadd.s32 s4, s0  }
0x1d4: {  	[tilespmem:s29], [sflag:$0x3] =	stream.linear.gather [hbm4b:s10+s2], $0x50, $0x38;
	[tilespmem:$0x1E080] =	vst v63  }
0x1d5: {  	s0 =	sadd.s32 s5, s0;
	s10 =	simm.s32 $0x7  }
0x1d6: {  	[tilespmem:s26], [sflag:$0x3] =	stream.linear.gather [hbm4b:s0+s2], $0x50, $0x38;
	[tilespmem:$0x1E080] =	vst v63  }
0x1d7: {  	_ =	swait.ge [sflag:s10], $0x50  }
0x1d8: {  	[sflag:s10] =	ssyncset.done $0x0  }
0x1d9: {  	[sflag:s10] =	ssyncadd.s32 $0xFFFFFFB0  }
0x1da: {  	_ =	swait.ge [sflag:s10], $0x50  }
0x1db: {  	[sflag:s10] =	ssyncset.done $0x0  }
0x1dc: {  	[sflag:s10] =	ssyncadd.s32 $0xFFFFFFB0  }
0x1dd: {  	[tilespmem:s28], [sflag:$0xB] =	stream.indirect.gather [hbm4b:s3+s12], $0x80, s25, s12, $0xb8;
	[tilespmem:$0x1E080] =	vst v63  }
0x1de: {  	_ =	swait.ge [sflag:s31], $0x2800  }
0x1df: {  	[sflag:s31] =	ssyncset.done $0x0  }
0x1e0: {  	s10 =	simm.s32 $0x580;
	[sflag:s31] =	ssyncadd.s32 $0xFFFFD800  }
0x1e1: {  	[spmem:s1] =	stream.indirect.scatter.add.f32 [tilespmem:s23], [sflag:$0xE], $0x80, s10, s12, $0xb8;
	[tilespmem:$0x1E080] =	vst v63  }
0x1e2: {  	s10 =	simm.s32 $0x10  }
0x1e3: {  	_ =	swait.ge [sflag:s10], $0x2800  }
0x1e4: {  	s25 =	rddreg [dreg:$0x6]  }
0x1e5: {  	s0 =	sadd.s32 s6, s25  }
0x1e6: {  	[sflag:s10] =	ssyncset.done $0x0;
	s0 =	sshrl.u32 s0, $0x3  }
0x1e7: {  	[sflag:s10] =	ssyncadd.s32 $0xFFFFD800;
	s25 =	simm.s32 $0x300;
	s6 =	sadd.s32 s4, s0  }
0x1e8: {  	[tilespmem:s25], [sflag:$0x4] =	stream.linear.gather [hbm4b:s6+s2], $0x50, $0x38;
	[tilespmem:$0x1E080] =	vst v63  }
0x1e9: {  	s0 =	sadd.s32 s5, s0;
	s6 =	simm.s32 $0x8  }
0x1ea: {  	[tilespmem:s24], [sflag:$0x4] =	stream.linear.gather [hbm4b:s0+s2], $0x50, $0x38;
	[tilespmem:$0x1E080] =	vst v63  }
0x1eb: {  	_ =	swait.ge [sflag:s6], $0x50  }
0x1ec: {  	[sflag:s6] =	ssyncset.done $0x0  }
0x1ed: {  	[sflag:s6] =	ssyncadd.s32 $0xFFFFFFB0  }
0x1ee: {  	_ =	swait.ge [sflag:s6], $0x50  }
0x1ef: {  	[sflag:s6] =	ssyncset.done $0x0  }
0x1f0: {  	s25 =	simm.s32 $0x700;
	[sflag:s6] =	ssyncadd.s32 $0xFFFFFFB0  }
0x1f1: {  	[tilespmem:s20], [sflag:$0xC] =	stream.indirect.gather [hbm4b:s3+s12], $0x80, s25, s12, $0xb8;
	[tilespmem:$0x1E080] =	vst v63  }
0x1f2: {  	_ =	swait.ge [sflag:s18], $0x2800  }
0x1f3: {  	[sflag:s18] =	ssyncset.done $0x0  }
0x1f4: {  	s6 =	simm.s32 $0x680;
	[sflag:s18] =	ssyncadd.s32 $0xFFFFD800  }
0x1f5: {  	[spmem:s1] =	stream.indirect.scatter.add.f32 [tilespmem:s28], [sflag:$0xF], $0x80, s6, s12, $0xb8;
	[tilespmem:$0x1E080] =	vst v63  }
0x1f6: {  	_ =	swait.ge [sflag:s13], $0x2800  }
0x1f7: {  	[sflag:s13] =	ssyncset.done $0x0  }
0x1f8: {  	s6 =	simm.s32 $0x400;
	s0 =	rddreg [dreg:$0x13];
	[sflag:s13] =	ssyncadd.s32 $0xFFFFD800  }
0x1f9: {  	[tilespmem:s6], [sflag:$0x5] =	stream.linear.gather [hbm4b:s0+s2], $0x50, $0x38;
	[tilespmem:$0x1E080] =	vst v63  }
0x1fa: {  	s0 =	rddreg [dreg:$0x14]  }
0x1fb: {  	[tilespmem:s19], [sflag:$0x5] =	stream.linear.gather [hbm4b:s0+s2], $0x50, $0x38;
	[tilespmem:$0x1E080] =	vst v63  }
0x1fc: {  	_ =	swait.ge [sflag:s14], $0x50  }
0x1fd: {  	[sflag:s14] =	ssyncset.done $0x0  }
0x1fe: {  	[sflag:s14] =	ssyncadd.s32 $0xFFFFFFB0  }
0x1ff: {  	_ =	swait.ge [sflag:s14], $0x50  }
0x200: {  	[sflag:s14] =	ssyncset.done $0x0  }
0x201: {  	[sflag:s14] =	ssyncadd.s32 $0xFFFFFFB0  }
0x202: {  	[tilespmem:s30], [sflag:$0x9] =	stream.indirect.gather [hbm4b:s3+s12], $0x80, s2, s12, $0xb8;
	[tilespmem:$0x1E080] =	vst v63  }
0x203: {  	_ =	swait.ge [sflag:s15], $0x2800  }
0x204: {  	[sflag:s15] =	ssyncset.done $0x0  }
0x205: {  	s19 =	simm.s32 $0x780;
	[sflag:s15] =	ssyncadd.s32 $0xFFFFD800  }
0x206: {  	[spmem:s1] =	stream.indirect.scatter.add.f32 [tilespmem:s20], [sflag:$0x10], $0x80, s19, s12, $0xb8;
	[tilespmem:$0x1E080] =	vst v63  }
0x207: {  	_ =	swait.ge [sflag:s16], $0x2800  }
0x208: {  	[sflag:s16] =	ssyncset.done $0x0  }
0x209: {  	[sflag:s16] =	ssyncadd.s32 $0xFFFFD800  }
0x20a: {  	_ =	swait.ge [sflag:s21], $0x50  }
0x20b: {  	[sflag:s21] =	ssyncset.done $0x0  }
0x20c: {  	[sflag:s21] =	ssyncadd.s32 $0xFFFFFFB0  }
0x20d: {  	_ =	swait.ge [sflag:s21], $0x50  }
0x20e: {  	[sflag:s21] =	ssyncset.done $0x0  }
0x20f: {  	s19 =	simm.s32 $0x100;
	[sflag:s21] =	ssyncadd.s32 $0xFFFFFFB0  }
0x210: {  	[tilespmem:s23], [sflag:$0xA] =	stream.indirect.gather [hbm4b:s3+s12], $0x80, s19, s12, $0xb8;
	[tilespmem:$0x1E080] =	vst v63  }
0x211: {  	_ =	swait.ge [sflag:s17], $0x2800  }
0x212: {  	[sflag:s17] =	ssyncset.done $0x0  }
0x213: {  	s21 =	simm.s32 $0x80;
	[sflag:s17] =	ssyncadd.s32 $0xFFFFD800  }
0x214: {  	[spmem:s1] =	stream.indirect.scatter.add.f32 [tilespmem:s30], [sflag:$0xD], $0x80, s21, s12, $0xb8;
	[tilespmem:$0x1E080] =	vst v63  }
0x215: {  	_ =	swait.ge [sflag:s22], $0x2800  }
0x216: {  	[sflag:s22] =	ssyncset.done $0x0  }
0x217: {  	[sflag:s22] =	ssyncadd.s32 $0xFFFFD800  }
0x218: {  	_ =	swait.ge [sflag:s11], $0x50  }
0x219: {  	[sflag:s11] =	ssyncset.done $0x0  }
0x21a: {  	[sflag:s11] =	ssyncadd.s32 $0xFFFFFFB0  }
0x21b: {  	_ =	swait.ge [sflag:s11], $0x50  }
0x21c: {  	[sflag:s11] =	ssyncset.done $0x0  }
0x21d: {  	s19 =	simm.s32 $0x200;
	[sflag:s11] =	ssyncadd.s32 $0xFFFFFFB0  }
0x21e: {  	[tilespmem:s28], [sflag:$0xB] =	stream.indirect.gather [hbm4b:s3+s12], $0x80, s19, s12, $0xb8;
	[tilespmem:$0x1E080] =	vst v63  }
0x21f: {  	_ =	swait.ge [sflag:s31], $0x2800  }
0x220: {  	[sflag:s31] =	ssyncset.done $0x0  }
0x221: {  	s21 =	simm.s32 $0x180;
	[sflag:s31] =	ssyncadd.s32 $0xFFFFD800  }
0x222: {  	[spmem:s1] =	stream.indirect.scatter.add.f32 [tilespmem:s23], [sflag:$0xE], $0x80, s21, s12, $0xb8;
	[tilespmem:$0x1E080] =	vst v63  }
0x223: {  	_ =	swait.ge [sflag:s10], $0x2800  }
0x224: {  	[sflag:s10] =	ssyncset.done $0x0  }
0x225: {  	[sflag:s10] =	ssyncadd.s32 $0xFFFFD800  }
0x226: {  	_ =	swait.ge [sflag:s9], $0x50  }
0x227: {  	[sflag:s9] =	ssyncset.done $0x0  }
0x228: {  	[sflag:s9] =	ssyncadd.s32 $0xFFFFFFB0  }
0x229: {  	_ =	swait.ge [sflag:s9], $0x50  }
0x22a: {  	[sflag:s9] =	ssyncset.done $0x0  }
0x22b: {  	s23 =	simm.s32 $0x300;
	[sflag:s9] =	ssyncadd.s32 $0xFFFFFFB0  }
0x22c: {  	[tilespmem:s20], [sflag:$0xC] =	stream.indirect.gather [hbm4b:s3+s12], $0x80, s23, s12, $0xb8;
	[tilespmem:$0x1E080] =	vst v63  }
0x22d: {  	_ =	swait.ge [sflag:s18], $0x2800  }
0x22e: {  	[sflag:s18] =	ssyncset.done $0x0  }
0x22f: {  	[sflag:s18] =	ssyncadd.s32 $0xFFFFD800  }
0x230: {  	[spmem:s1] =	stream.indirect.scatter.add.f32 [tilespmem:s28], [sflag:$0xF], $0x80, s26, s12, $0xb8;
	[tilespmem:$0x1E080] =	vst v63  }
0x231: {  	_ =	swait.ge [sflag:s13], $0x2800  }
0x232: {  	[sflag:s13] =	ssyncset.done $0x0  }
0x233: {  	[sflag:s13] =	ssyncadd.s32 $0xFFFFD800  }
0x234: {  	_ =	swait.ge [sflag:s8], $0x50  }
0x235: {  	[sflag:s8] =	ssyncset.done $0x0  }
0x236: {  	[sflag:s8] =	ssyncadd.s32 $0xFFFFFFB0  }
0x237: {  	_ =	swait.ge [sflag:s8], $0x50  }
0x238: {  	[sflag:s8] =	ssyncset.done $0x0  }
0x239: {  	[sflag:s8] =	ssyncadd.s32 $0xFFFFFFB0  }
0x23a: {  	[tilespmem:s30], [sflag:$0x9] =	stream.indirect.gather [hbm4b:s3+s12], $0x80, s6, s12, $0xb8;
	[tilespmem:$0x1E080] =	vst v63  }
0x23b: {  	_ =	swait.ge [sflag:s15], $0x2800  }
0x23c: {  	[sflag:s15] =	ssyncset.done $0x0  }
0x23d: {  	[sflag:s15] =	ssyncadd.s32 $0xFFFFD800  }
0x23e: {  	[spmem:s1] =	stream.indirect.scatter.add.f32 [tilespmem:s20], [sflag:$0x10], $0x80, s24, s12, $0xb8;
	[tilespmem:$0x1E080] =	vst v63  }
0x23f: {  	_ =	swait.ge [sflag:s17], $0x2800  }
0x240: {  	[sflag:s17] =	ssyncset.done $0x0  }
0x241: {  	s0 =	simm.s32 $0x480;
	[sflag:s17] =	ssyncadd.s32 $0xFFFFD800  }
0x242: {  	[spmem:s1] =	stream.indirect.scatter.add.f32 [tilespmem:s30], [sflag:$0xD], $0x80, s0, s12, $0xb8;
	[tilespmem:$0x1E080] =	vst v63  }
0x243: {  	_ =	swait.ge [sflag:s13], $0x2800  }
0x244: {  	[sflag:s13] =	ssyncset.done $0x0  }
0x245: {  	[sflag:s13] =	ssyncadd.s32 $0xFFFFD800  }
0x246: {  	_ =	swait.ge [sflag:s16], $0x2800  }
0x247: {  	[sflag:s16] =	ssyncset.done $0x0  }
0x248: {  	[sflag:s16] =	ssyncadd.s32 $0xFFFFD800  }
0x249: {  	_ =	swait.ge [sflag:s22], $0x2800  }
0x24a: {  	[sflag:s22] =	ssyncset.done $0x0  }
0x24b: {  	[sflag:s22] =	ssyncadd.s32 $0xFFFFD800  }
0x24c: {  	_ =	swait.ge [sflag:s10], $0x2800  }
0x24d: {  	[sflag:s10] =	ssyncset.done $0x0  }
0x24e: {  	[sflag:s10] =	ssyncadd.s32 $0xFFFFD800  }
0x24f: {  	[bflag:$0x0] =	sbarrier.arrive $0xFFFF  }
0x250: {  	s15 =	rddreg [dreg:$0x9]  }
0x251: {  	s26 =	rddreg [dreg:$0x15]  }
0x252: {  	s10 =	simm.s32 $0x11;
	s28 =	rddreg [dreg:$0x19]  }
0x253: {  	[hbm:s26], [sflag:s15] =	dma.local [spmem:s28], $0x2700  }
0x254: {  	_ =	swait.ge [sflag:s10], $0x2700  }
0x255: {  	[sflag:s10] =	ssyncset.done $0x0;
	s0 =	rddreg [dreg:$0x16]  }
0x256: {  	s6 =	rddreg [dreg:$0x1a];
	[sflag:s10] =	ssyncadd.s32 $0xFFFFD900  }
0x257: {  	[hbm:s0], [sflag:s15] =	dma.local @!p0 [spmem:s6], $0x100  }
0x258: {  	s0 =	simm.s32 @!p0 $0x11  }
0x259: {  	_ =	swait.ge @!p0 [sflag:s0], $0x100  }
0x25a: {  	s30 =	rddreg [dreg:$0x18]  }
0x25b: {  	s31 =	rddreg [dreg:$0x17];
	s8 =	sadd.s32 $0x1, s30  }
0x25c: {  	p1 =	sne.s32 s8, s31  }
.Ltmp1:
0x25d: {  	_ = 	snop;
	(pc) =	sbr.rel @p1 .LBB2_1-.Ltmp1, $3  }
0x25e: {  	_ =	sdelay $0x1  }
0x25f: {  	[sflag:s0] =	ssyncset.done @!p0 $0x0  }
0x260: {  	s29 =	simm.s32 $0x700;
	s25 =	simm.s32 $0x680;
	[sflag:s0] =	ssyncadd.s32 @!p0 $0xFFFFFF00  }
0x261: {  	_ =	sfence.sel $0x180000  }
0x262: {  	[bflag:$0x0] =	sbarrier.arrive $0xFFFF  }
0x263: {  	_ =	strace $0x9000004A  }
0x264: {  	[bflag:$0x2] =	sbarrier.arrive $0xFFFF  }
0x265: {  	s0 =	rddreg [dreg:$0x2]  }
0x266: {  	s0 =	sadd.s32 @!p0 $0x100000, s0  }
0x267: {  	[sflag:s0] =	ssyncadd.tile.s32 @!p0 $0x1;
	_ =	shalt  }
.Lfunc_end2:
_tile_overlayer_lowered:
.L_overlay_start_2:
0x268: {  	(tag) =	ssettag $0x2  }
0x269: {  	s0 =	rddreg [dreg:$0x0];
	s2 =	stileid.u32  }
0x26a: {  	s1 =	rddreg [dreg:$0x1];
	p0 =	sne.s32 s2, $0x0  }
0x26b: {  	s3 =	rddreg [dreg:$0x2];
	[bflag:$0x3] =	sbarrier.arrive $0xFFFF;
	s2 =	simm.s32 @!p0 $0x1C11  }
0x26c: {  	[timem:s3], [sflag:s2] =	dma.local @!p0 [hbm:s0], s1  }
0x26d: {  	s0 =	simm.s32 @!p0 $0x11  }
0x26e: {  	_ =	swait.ge @!p0 [sflag:s0], s1  }
0x26f: {  	s1 =	ssub.s32 @!p0 $0x0, s1;
	[sflag:s0] =	ssyncset.done @!p0 $0x0  }
0x270: {  	[sflag:s0] =	ssyncadd.s32 @!p0 s1  }
0x271: {  	[bflag:$0x3] =	sbarrier.arrive $0xFFFF  }
0x272: {  	_ =	shalt  }

// kernel: kernel.7.cloned.1.call-start
scs
__scs_entry_jumppad:
0x0: {  	(pc) =	sbr.rel $0x88, $3  }
0x1: {  	(tag) =	ssettag $0x0;
	lr =	simm.s32 $0x1  }
0x2: {  	[smem:$0x3F99] =	sst lr;
	_ =	strace $0xD0000000  }
0x3: {  	_ = 	snop  }
0x4: {  	_ = 	snop  }
0x5: {  	_ = 	snop  }
0x6: {  	_ = 	snop  }
0x7: {  	_ = 	snop  }
__scs_overlays_trampoline_lowered:
0x8: {  	[smem:$0x3FA8] =	sst s0  }
0x9: {  	[smem:$0x3FA9] =	sst s1  }
0xa: {  	[smem:$0x3FAA] =	sst s2  }
0xb: {  	[smem:$0x3FAB] =	sst s3  }
0xc: {  	[smem:$0x3FAC] =	sst s4  }
0xd: {  	[smem:$0x3FAD] =	sst s5  }
0xe: {  	[smem:$0x3FAE] =	sst s6  }
0xf: {  	[smem:$0x3FAF] =	sst s7  }
0x10: {  	[smem:$0x3FB0] =	sst s8  }
0x11: {  	[smem:$0x3FB1] =	sst s9;
	s0 =	simm.s32 @!p0 $0x0  }
0x12: {  	s1 =	sld [smem:$0x3F97];
	s0 =	simm.s32 @p0 $0x1  }
0x13: {  	[smem:$0x3FB2] =	sst s0;
	s0 =	simm.s32 @!p1 $0x0  }
0x14: {  	s2 =	sld [smem:$0x3F96];
	s0 =	simm.s32 @p1 $0x1  }
0x15: {  	[smem:$0x3FB3] =	sst s0;
	s0 =	simm.s32 @!p2 $0x0  }
0x16: {  	s3 =	sld [smem:$0x3FDB];
	s0 =	simm.s32 @p2 $0x1  }
0x17: {  	s4 =	simm.s32 $0x1BF5;
	[smem:$0x3FB5] =	sst s0  }
0x18: {  	s0 =	sld [smem:$0x3F98];
	_ =	swait.ge [sflag:s4], $0x0  }
0x19: {  	s7 =	sld [smem:$0x3F99]  }
0x1a: {  	s8 =	sadd.s32 $0xFFFFE003, lr  }
0x1b: {  	s9 =	sadd.s32 $0xFFFFFEF7, lr;
	s5 =	simm.s32 $0xFFFFFFFF;
	p2 =	slt.u32 s8, $0xFFFFF086  }
0x1c: {  	p1 =	slt.u32 s9, $0xF7A;
	s5 =	simm.s32 @!p2 $0x0  }
0x1d: {  	s5 =	simm.s32 @p1 $0x1;
	p0 =	seq.s32 s7, s2  }
0x1e: {  	s7 =	smul.u32 @!p0 $0xF7A, s2;
	p2 =	seq.s32 @!p0 s5, $0x0  }
0x1f: {  	s9 =	smul.u32 $0xF7A, s1;
	s8 =	simm.s32 @!p0 $0x1BF5;
	p2 =	por !p2, p0  }
0x20: {  	[sflag:s8] =	ssyncset.s32 @!p0 $0xFFFFF086;
	s6 =	sadd.s32 @!p0 s3, s7;
	s7 =	simm.s32 @!p0 $0x108  }
0x21: {  	s3 =	sadd.s32 s3, s9;
	s6 =	sadd.s32 @!p0 $0x88, s6;
	s7 =	simm.s32 @p2 $0x1082  }
0x22: {  	[simem:s7], [sflag:s8] =	dma.local @!p0 [hbm:s6], $0xF7A  }
0x23: {  	s9 =	sor.u32 $0xD0000000, s2;
	s6 =	simm.s32 $0x108;
	_ =	swait.ge @!p0 [sflag:s8], $0x0  }
0x24: {  	s3 =	sadd.s32 $0x88, s3;
	s6 =	simm.s32 @!p1 $0x1082;
	[sflag:s4] =	ssyncset.s32 $0xFFFFF086  }
0x25: {  	[simem:s6], [sflag:s4] =	dma.local [hbm:s3], $0xF7A  }
0x26: {  	[smem:$0x3F99] =	sst s1;
	(tag) =	ssettag s2;
	_ =	strace s9  }
0x27: {  	s1 =	sld [smem:$0x3FA9]  }
0x28: {  	s2 =	sld [smem:$0x3FAA]  }
0x29: {  	s4 =	sld [smem:$0x3FAC]  }
0x2a: {  	p0 =	seq.s32 s5, $0x0;
	s5 =	sld [smem:$0x3FAD]  }
0x2b: {  	s6 =	sld [smem:$0x3FAE]  }
0x2c: {  	s7 =	sld [smem:$0x3FAF]  }
0x2d: {  	s3 =	simm.s32 $0x108;
	s8 =	sld [smem:$0x3FB0]  }
0x2e: {  	s3 =	simm.s32 @!p0 $0x1082;
	s9 =	sld [smem:$0x3FB1]  }
0x2f: {  	lr =	sadd.s32 s0, s3;
	s0 =	sld [smem:$0x3FA8]  }
0x30: {  	s3 =	sld [smem:$0x3FAB]  }
0x31: {  	[smem:$0x3FB4] =	sst s10  }
0x32: {  	s10 =	sld [smem:$0x3FB2];
	_ =	sdelay $0x3  }
0x33: {  	p0 =	seq.s32 s10, $0x1;
	s10 =	sld [smem:$0x3FB4];
	_ =	sdelay $0x3  }
0x34: {  	[smem:$0x3FB4] =	sst s10  }
0x35: {  	s10 =	sld [smem:$0x3FB3];
	_ =	sdelay $0x3  }
0x36: {  	p1 =	seq.s32 s10, $0x1;
	s10 =	sld [smem:$0x3FB4];
	_ =	sdelay $0x3  }
0x37: {  	[smem:$0x3FB4] =	sst s10  }
0x38: {  	s10 =	sld [smem:$0x3FB5]  }
0x39: {  	_ = 	snop;
	(pc) =	sbr.ind lr, $3  }
0x3a: {  	_ = 	snop  }
0x3b: {  	_ = 	snop  }
0x3c: {  	p2 =	seq.s32 s10, $0x1;
	s10 =	sld [smem:$0x3FB4]  }
0x3d: {  	_ =	shalt  }
0x3e: {  	_ =	shalt  }
0x3f: {  	_ =	shalt  }
0x40: {  	_ =	shalt  }
0x41: {  	_ =	shalt  }
0x42: {  	_ =	shalt  }
0x43: {  	_ =	shalt  }
0x44: {  	_ =	shalt  }
0x45: {  	_ =	shalt  }
0x46: {  	_ =	shalt  }
0x47: {  	_ =	shalt  }
0x48: {  	_ =	shalt  }
0x49: {  	_ =	shalt  }
0x4a: {  	_ =	shalt  }
0x4b: {  	_ =	shalt  }
0x4c: {  	_ =	shalt  }
0x4d: {  	_ =	shalt  }
0x4e: {  	_ =	shalt  }
0x4f: {  	_ =	shalt  }
0x50: {  	_ =	shalt  }
0x51: {  	_ =	shalt  }
0x52: {  	_ =	shalt  }
0x53: {  	_ =	shalt  }
0x54: {  	_ =	shalt  }
0x55: {  	_ =	shalt  }
0x56: {  	_ =	shalt  }
0x57: {  	_ =	shalt  }
0x58: {  	_ =	shalt  }
0x59: {  	_ =	shalt  }
0x5a: {  	_ =	shalt  }
0x5b: {  	_ =	shalt  }
0x5c: {  	_ =	shalt  }
0x5d: {  	_ =	shalt  }
0x5e: {  	_ =	shalt  }
0x5f: {  	_ =	shalt  }
0x60: {  	_ =	shalt  }
0x61: {  	_ =	shalt  }
0x62: {  	_ =	shalt  }
0x63: {  	_ =	shalt  }
0x64: {  	_ =	shalt  }
0x65: {  	_ =	shalt  }
0x66: {  	_ =	shalt  }
0x67: {  	_ =	shalt  }
0x68: {  	_ =	shalt  }
0x69: {  	_ =	shalt  }
0x6a: {  	_ =	shalt  }
0x6b: {  	_ =	shalt  }
0x6c: {  	_ =	shalt  }
0x6d: {  	_ =	shalt  }
0x6e: {  	_ =	shalt  }
0x6f: {  	_ =	shalt  }
0x70: {  	_ =	shalt  }
0x71: {  	_ =	shalt  }
0x72: {  	_ =	shalt  }
0x73: {  	_ =	shalt  }
0x74: {  	_ =	shalt  }
0x75: {  	_ =	shalt  }
0x76: {  	_ =	shalt  }
0x77: {  	_ =	shalt  }
0x78: {  	_ =	shalt  }
0x79: {  	_ =	shalt  }
0x7a: {  	_ =	shalt  }
0x7b: {  	_ =	shalt  }
0x7c: {  	_ =	shalt  }
0x7d: {  	_ =	shalt  }
0x7e: {  	_ =	shalt  }
0x7f: {  	_ =	shalt  }
0x80: {  	_ =	shalt  }
0x81: {  	_ =	shalt  }
0x82: {  	_ =	shalt  }
0x83: {  	_ =	shalt  }
0x84: {  	_ =	shalt  }
0x85: {  	_ =	shalt  }
0x86: {  	_ =	shalt  }
0x87: {  	_ =	shalt  }
.Lfunc_end0:
.L_simem_size_0:
called_computation_lowered:
.L_overlay_start_0:
0x88: {  	s2 =	sld [smem:$0x3FD9]  }
0x89: {  	s3 =	sld [smem:$0x3FFE];
	_ =	sdelay $0x1  }
0x8a: {  	s1 =	srdreg.scid  }
0x8b: {  	s0 =	sand.u32 $0x1, s1  }
0x8c: {  	s17 =	sshll.u32 s0, $0xA;
	s2 =	sadd.s32 s3, s2  }
0x8d: {  	s2 =	sadd.s32 s2, s17  }
0x8e: {  	[smem:$0x3FC0] =	sst s2  }
0x8f: {  	_ = 	snop  }
0x90: {  	s2 =	sld [smem:$0x3FD0];
	(tm) =	ssettm $0x1  }
0x91: {  	s18 =	sld [smem:$0x3FFB];
	_ =	sdelay $0x3  }
0x92: {  	_ =	strace s18  }
0x93: {  	s3 =	sld [smem:$0x3FFC];
	_ =	sdelay $0x3  }
0x94: {  	_ =	strace s3  }
0x95: {  	s3 =	sld [smem:$0x3FFD];
	_ =	sdelay $0x3  }
0x96: {  	_ =	strace s3  }
0x97: {  	_ =	strace $0x8FFFFFFF  }
0x98: {  	s19 =	sld [smem:$0x3FDB];
	_ =	sdelay $0x1  }
0x99: {  	s4 =	simm.s32 $_scs_section_size  }
0x9a: {  	s5 =	simm.s32 $_size__tile_overlayer_lowered;
	s6 =	simm.s32 $_tile_overlayer_lowered  }
0x9b: {  	s22 =	simm.s32 $0x1BFF;
	s21 =	sshll.u32 s6, $0x1;
	s3 =	sadd.s32 s4, s19  }
0x9c: {  	s7 =	simm.s32 $0x0;
	s20 =	sshll.u32 s5, $0x1;
	s5 =	sadd.s32 s21, s3  }
0x9d: {  	[timem:s7], [sflag:s22] =	dma.local [hbm:s5], s20  }
0x9e: {  	_ =	swait.ge [sflag:s22], s20  }
0x9f: {  	s4 =	ssub.s32 $0x0, s20;
	[sflag:s22] =	ssyncset.done $0x0  }
0xa0: {  	[sflag:s22] =	ssyncadd.s32 s4;
	_ =	sdelay $0x1  }
0xa1: {  	s23 =	simm.s32 $0x1B8B  }
0xa2: {  	_ =	swait.ge [sflag:s23], $0x1  }
0xa3: {  	[sflag:s23] =	ssyncset.done $0x0  }
0xa4: {  	s25 =	simm.s32 $0x1B8E;
	s24 =	sld [smem:$0x3FFE];
	[sflag:s23] =	ssyncadd.s32 $0xFFFFFFFF  }
0xa5: {  	s26 =	simm.s32 $execute0_lowered;
	[smem:$0x3FD2] =	sst s25  }
0xa6: {  	s5 =	sshll.u32 s26, $0x1;
	_ =	strace $0x80000046;
	[dreg:$0x1] =	wrdreg $0xFFFFFFFF  }
0xa7: {  	s28 =	simm.s32 $_size_execute0_lowered;
	s3 =	sadd.s32 s3, s5;
	[dreg:$0x0] =	wrdreg $0x0  }
0xa8: {  	s5 =	sshll.u32 s28, $0x1;
	[dreg:$0x2] =	wrdreg s3  }
0xa9: {  	[dreg:$0x3] =	wrdreg s5  }
0xaa: {  	[dreg:$0x4] =	wrdreg $0xC0  }
0xab: {  	_ =	task [dreg:s7], $0x5FFFF  }
0xac: {  	[dreg:$0x1] =	wrdreg $0xFFFFFFFF  }
0xad: {  	[dreg:$0x0] =	wrdreg $0x60  }
0xae: {  	[dreg:$0x2] =	wrdreg s24  }
0xaf: {  	[dreg:$0x3] =	wrdreg s2  }
0xb0: {  	[dreg:$0x4] =	wrdreg $0x54000  }
0xb1: {  	[dreg:$0x5] =	wrdreg $0x9  }
0xb2: {  	_ =	task.clear_ibuf [dreg:s7], $0x6FFFF;
	_ =	strace $0x90000046  }
0xb3: {  	s29 =	simm.s32 $0x9;
	_ =	strace $0x80000048  }
0xb4: {  	_ =	swait.ge [sflag:s29], $0x1  }
0xb5: {  	[sflag:s29] =	ssyncadd.s32 $0xFFFFFFFF  }
0xb6: {  	_ =	strace $0x90000048  }
0xb7: {  	_ =	sfence  }
0xb8: {  	s30 =	sld [smem:$0x0];
	_ =	sdelay $0x2  }
0xb9: {  	s31 =	sshll.u32 s1, $0xD;
	s1 =	sshrl.u32 s1, $0x2  }
0xba: {  	s3 =	sand.u32 $0x4000, s31;
	s1 =	sadd.s32 s1, s30  }
0xbb: {  	s0 =	sor.u32 s3, s0;
	s1 =	sshll.u32 s1, $0x11  }
0xbc: {  	s0 =	sor.u32 s1, s0  }
0xbd: {  	s0 =	sadd.s32 $0x8F2B, s0  }
0xbe: {  	[sflag:s0] =	ssyncadd.remote.s32 $0x1  }
0xbf: {  	_ =	sfence.sel $0xFFFF  }
0xc0: {  	[dreg:$0x0] =	wrdreg $0xFFFFFFFF;
	(pc) =	sbr.abs _section_cstart, $3  }
0xc1: {  	[dreg:$0x1] =	wrdreg $0xFFFFFFFF  }
0xc2: {  	_ =	task.clear_ibuf [dreg:s7], $0x2FFFF;
	_ =	strace $0x9FFFFFFF  }
0xc3: {  	(tm) =	ssettm $0x7FFFFFFF  }
tec
execute0_lowered:
.L_overlay_start_1:
0x0: {  	(tag) =	ssettag $0x1  }
0x1: {  	s0 =	rddreg [dreg:$0x0]  }
0x2: {  	s6 =	rddreg [dreg:$0x1]  }
0x3: {  	s1 =	rddreg [dreg:$0x2];
	s2 =	simm.s32 $0x0;
	s7 =	srdreg.scid  }
0x4: {  	s14 =	stileid.u32;
	s28 =	simm.s32 $0x1;
	s29 =	simm.s32 $0x50  }
0x5: {  	s30 =	simm.s32 $0x400;
	s31 =	simm.s32 $0x300;
	s16 =	simm.s32 $0x0  }
0x6: {  	[smem:$0x7FF] =	sst s2;
	s3 =	sadd.s32 $0x15A00, s0;
	s4 =	sadd.s32 $0xBC00, s0  }
0x7: {  	s5 =	sadd.s32 $0x1E00, s0;
	s7 =	sand.u32 $0x1, s7;
	s8 =	sadd.s32 $0x3D200, s0  }
0x8: {  	s11 =	smul.u32 $0x4E000, s14;
	s9 =	sadd.s32 $0x3CC00, s0;
	s0 =	sadd.s32 $0x3FA00, s0  }
0x9: {  	s18 =	sadd.s32 $0x138000, s1;
	_ =	strace $0x80000047;
	[dreg:$0x6] =	wrdreg s8  }
0xa: {  	s13 =	smul.u32 $0x13800, s14;
	p0 =	sne.s32 s14, $0x0;
	[dreg:$0x7] =	wrdreg s9  }
0xb: {  	s17 =	sshll.u32 s7, $0x4;
	s10 =	ssub.s32 $0x2, s7;
	[dreg:$0x9] =	wrdreg s18  }
0xc: {  	s7 =	smul.u32 $0x138800, s7;
	s18 =	simm.s32 $0x9;
	s8 =	sor.u32 s14, s17  }
0xd: {  	s12 =	sshrl.u32 s10, $0x1;
	s11 =	sshrl.u32 s11, $0x2;
	s14 =	simm.s32 $0x8  }
0xe: {  	s9 =	smul.u32 $0x2710, s8;
	s10 =	ssub.s32 s10, s12;
	s11 =	sadd.s32 s11, s1  }
0xf: {  	s24 =	sadd.s32 s13, s7;
	s8 =	smul.u32 $0x4F0, s8;
	s7 =	sshrl.u32 s7, $0x3  }
0x10: {  	s12 =	simm.s32 $0x3;
	s13 =	simm.s32 $0x6;
	[dreg:$0x8] =	wrdreg s11  }
0x11: {  	s25 =	sshrl.u32 s24, $0x3;
	s26 =	smax.u32 s10, $0x1;
	s24 =	simm.s32 $0x180  }
0x12: {  	s10 =	simm.s32 $0x5;
	s22 =	sadd.s32 $0x140, s9;
	[dreg:$0x11] =	wrdreg s26  }
0x13: {  	s19 =	sshrl.u32 s9, $0x3;
	s23 =	sadd.s32 $0x190, s9;
	[dreg:$0x4] =	wrdreg s22  }
0x14: {  	s6 =	sadd.s32 s6, s8;
	s26 =	simm.s32 $0x280;
	[dreg:$0x5] =	wrdreg s23  }
0x15: {  	s8 =	simm.s32 $0x2C00;
	s20 =	sadd.s32 s4, s19;
	[dreg:$0xf] =	wrdreg s6  }
0x16: {  	s21 =	sadd.s32 s5, s19;
	s11 =	sadd.s32 $0xA, s19;
	[dreg:$0xa] =	wrdreg s20  }
0x17: {  	s22 =	simm.s32 $0x80;
	[dreg:$0xb] =	wrdreg s21;
	s15 =	sadd.s32 s4, s11  }
0x18: {  	s23 =	simm.s32 $0x100;
	s11 =	sadd.s32 s5, s11;
	[dreg:$0xc] =	wrdreg s15  }
0x19: {  	s20 =	simm.s32 $0x18C80;
	[dreg:$0xd] =	wrdreg s11;
	s11 =	sadd.s32 s0, s25  }
0x1a: {  	s0 =	sadd.s32 s0, s7;
	s25 =	simm.s32 $0x200;
	s7 =	simm.s32 $0x2  }
0x1b: {  	s15 =	simm.s32 $0x4;
	[dreg:$0xe] =	wrdreg s11;
	s0 =	sadd.s32 $0x27000, s0  }
0x1c: {  	v0 =	vimm.f32 $1.000000000e+00;
	s11 =	simm.s32 $0x7;
	[dreg:$0x10] =	wrdreg s0;
	s0 =	simm.s32 $0x380  }
.LBB2_1:
0x1d: {  	s6 =	rddreg [dreg:$0x7];
	s19 =	stileid.u32  }
0x1e: {  	[tilespmem:s20], [sflag:$0x9] =	stream.linear.gather [hbm4b:s6+s2], $0x2780, $0x38;
	[tilespmem:$0x1B400] =	vst v63  }
0x1f: {  	s6 =	sshll.u32 s19, $0x6;
	_ =	swait.ge [sflag:s18], $0x2780  }
0x20: {  	s19 =	sor.u32 $0x1C09, s6;
	s21 =	rddreg [dreg:$0x8]  }
0x21: {  	[sflag:s18] =	ssyncset.done $0x0;
	s6 =	rddreg [dreg:$0x6];
	s17 =	sshrl.u32 s21, $0x3  }
0x22: {  	[sflag:s18] =	ssyncadd.s32 $0xFFFFD880;
	[dreg:$0x14] =	wrdreg s17  }
0x23: {  	[spmem:s17], [sflag:s19] =	dma.local [hbm:s6], $0x2700  }
0x24: {  	_ =	swait.ge [sflag:s18], $0x2700  }
0x25: {  	s17 =	rddreg [dreg:$0x9]  }
0x26: {  	[dreg:$0x12] =	wrdreg s19;
	[sflag:s18] =	ssyncset.done $0x0;
	s17 =	sshrl.u32 @!p0 s17, $0x3  }
0x27: {  	[sflag:s18] =	ssyncadd.s32 $0xFFFFD900;
	[dreg:$0x13] =	wrdreg s17  }
0x28: {  	[spmem:s17], [sflag:s19] =	dma.local @!p0 [hbm:s6], $0x100  }
0x29: {  	s6 =	simm.s32 @!p0 $0x9  }
0x2a: {  	_ =	swait.ge @!p0 [sflag:s6], $0x100  }
0x2b: {  	[sflag:s6] =	ssyncset.done @!p0 $0x0  }
0x2c: {  	[sflag:s6] =	ssyncadd.s32 @!p0 $0xFFFFFF00  }
0x2d: {  	[bflag:$0x0] =	sbarrier.arrive $0xFFFF  }
0x2e: {  	s17 =	rddreg [dreg:$0xa]  }
0x2f: {  	[tilespmem:s2], [sflag:$0x1] =	stream.linear.gather [hbm4b:s17+s2], $0x50, $0x38;
	[tilespmem:$0x1B400] =	vst v63  }
0x30: {  	s18 =	rddreg [dreg:$0xb]  }
0x31: {  	[tilespmem:s22], [sflag:$0x1] =	stream.linear.gather [hbm4b:s18+s2], $0x50, $0x38;
	[tilespmem:$0x1B400] =	vst v63  }
0x32: {  	s19 =	rddreg [dreg:$0xc]  }
0x33: {  	[tilespmem:s23], [sflag:$0x2] =	stream.linear.gather [hbm4b:s19+s2], $0x50, $0x38;
	[tilespmem:$0x1B400] =	vst v63  }
0x34: {  	s6 =	simm.s32 $0x0;
	s21 =	rddreg [dreg:$0xd]  }
0x35: {  	[tilespmem:s24], [sflag:$0x2] =	stream.linear.gather [hbm4b:s21+s2], $0x50, $0x38;
	[tilespmem:$0x1B400] =	vst v63  }
.LBB2_2:
0x36: {  	p1 =	seq.s32 s6, $0x0  }
0x37: {  	s18 =	sadd.s32 @!p1 $0xA0, s6  }
0x38: {  	s19 =	simm.s32 @!p1 $0x7;
	s18 =	simm.s32 @p1 $0xA0  }
0x39: {  	_ =	swait.ge @!p1 [sflag:s19], $0x2800;
	s18 =	sadd.s32 s9, s18  }
0x3a: {  	[sflag:s19] =	ssyncset.done @!p1 $0x0;
	s18 =	sshrl.u32 s18, $0x3  }
0x3b: {  	[sflag:s19] =	ssyncadd.s32 @!p1 $0xFFFFD800;
	s17 =	sadd.s32 s4, s18  }
0x3c: {  	[tilespmem:s25], [sflag:$0x3] =	stream.linear.gather [hbm4b:s17+s2], $0x50, $0x38;
	[tilespmem:$0x1B400] =	vst v63  }
0x3d: {  	s18 =	sadd.s32 s5, s18  }
0x3e: {  	[tilespmem:s26], [sflag:$0x3] =	stream.linear.gather [hbm4b:s18+s2], $0x50, $0x38;
	[tilespmem:$0x1B400] =	vst v63  }
0x3f: {  	_ =	swait.ge [sflag:s28], $0x50  }
0x40: {  	[sflag:s28] =	ssyncset.done $0x0  }
0x41: {  	[sflag:s28] =	ssyncadd.s32 $0xFFFFFFB0  }
0x42: {  	_ =	swait.ge [sflag:s28], $0x50  }
0x43: {  	[sflag:s28] =	ssyncset.done $0x0  }
0x44: {  	[sflag:s28] =	ssyncadd.s32 $0xFFFFFFB0  }
0x45: {  	[tilespmem:s30], [sflag:$0x5] =	stream.indirect.gather [hbm4b:s3+s29], $0x80, s2, s29, $0xb8;
	[tilespmem:$0x1B400] =	vst v63  }
0x46: {  	v1 =	vld [tilespmem:$0x80];
	_ =	sdelay $0x7  }
0x47: {  	[tilespmem:v1+s20+$0x0] =	vst.idx.add.f32.msk $0xffff, v0  }
0x48: {  	v1 =	vld [tilespmem:$0x90];
	_ =	sdelay $0x7  }
0x49: {  	[tilespmem:v1+s20+$0x0] =	vst.idx.add.f32.msk $0xffff, v0  }
0x4a: {  	v1 =	vld [tilespmem:$0xA0];
	_ =	sdelay $0x7  }
0x4b: {  	[tilespmem:v1+s20+$0x0] =	vst.idx.add.f32.msk $0xffff, v0  }
0x4c: {  	v1 =	vld [tilespmem:$0xB0];
	_ =	sdelay $0x7  }
0x4d: {  	[tilespmem:v1+s20+$0x0] =	vst.idx.add.f32.msk $0xffff, v0  }
0x4e: {  	v1 =	vld [tilespmem:$0xC0];
	_ =	sdelay $0x7  }
0x4f: {  	s18 =	simm.s32 @!p1 $0x6;
	[tilespmem:v1+s20+$0x0] =	vst.idx.add.f32.msk $0xffff, v0  }
0x50: {  	_ =	swait.ge @!p1 [sflag:s18], $0x2800  }
0x51: {  	s19 =	simm.s32 @!p1 $0x380;
	[sflag:s18] =	ssyncset.done @!p1 $0x0  }
0x52: {  	s17 =	simm.s32 @!p1 $0x2C00;
	[sflag:s18] =	ssyncadd.s32 @!p1 $0xFFFFD800;
	s18 =	simm.s32 @!p1 $0x50  }
0x53: {  	[spmem:s1] =	stream.indirect.scatter.add.f32 @!p1 [tilespmem:s17], [sflag:$0x8], $0x80, s19, s18, $0xb8;
	[tilespmem:$0x1B400] =	vst v63  }
0x54: {  	s17 =	sadd.s32 @!p1 $0xF0, s6  }
0x55: {  	s18 =	simm.s32 @!p1 $0x8;
	s17 =	simm.s32 @p1 $0xF0  }
0x56: {  	_ =	swait.ge @!p1 [sflag:s18], $0x2800;
	s17 =	sadd.s32 s9, s17  }
0x57: {  	[sflag:s18] =	ssyncset.done @!p1 $0x0;
	s17 =	sshrl.u32 s17, $0x3  }
0x58: {  	[sflag:s18] =	ssyncadd.s32 @!p1 $0xFFFFD800;
	s21 =	sadd.s32 s4, s17  }
0x59: {  	[tilespmem:s31], [sflag:$0x4] =	stream.linear.gather [hbm4b:s21+s2], $0x50, $0x38;
	[tilespmem:$0x1B400] =	vst v63  }
0x5a: {  	s17 =	sadd.s32 s5, s17  }
0x5b: {  	[tilespmem:s0], [sflag:$0x4] =	stream.linear.gather [hbm4b:s17+s2], $0x50, $0x38;
	[tilespmem:$0x1B400] =	vst v63  }
0x5c: {  	_ =	swait.ge [sflag:s7], $0x50  }
0x5d: {  	[sflag:s7] =	ssyncset.done $0x0  }
0x5e: {  	[sflag:s7] =	ssyncadd.s32 $0xFFFFFFB0  }
0x5f: {  	_ =	swait.ge [sflag:s7], $0x50  }
0x60: {  	[sflag:s7] =	ssyncset.done $0x0  }
0x61: {  	[sflag:s7] =	ssyncadd.s32 $0xFFFFFFB0  }
0x62: {  	[tilespmem:s8], [sflag:$0x6] =	stream.indirect.gather [hbm4b:s3+s29], $0x80, s23, s29, $0xb8;
	[tilespmem:$0x1B400] =	vst v63  }
0x63: {  	v1 =	vld [tilespmem:$0x180];
	_ =	sdelay $0x7  }
0x64: {  	[tilespmem:v1+s20+$0x0] =	vst.idx.add.f32.msk $0xffff, v0  }
0x65: {  	v1 =	vld [tilespmem:$0x190];
	_ =	sdelay $0x7  }
0x66: {  	[tilespmem:v1+s20+$0x0] =	vst.idx.add.f32.msk $0xffff, v0  }
0x67: {  	v1 =	vld [tilespmem:$0x1A0];
	_ =	sdelay $0x7  }
0x68: {  	[tilespmem:v1+s20+$0x0] =	vst.idx.add.f32.msk $0xffff, v0  }
0x69: {  	v1 =	vld [tilespmem:$0x1B0];
	_ =	sdelay $0x7  }
0x6a: {  	[tilespmem:v1+s20+$0x0] =	vst.idx.add.f32.msk $0xffff, v0  }
0x6b: {  	v1 =	vld [tilespmem:$0x1C0];
	_ =	sdelay $0x7  }
0x6c: {  	[tilespmem:v1+s20+$0x0] =	vst.idx.add.f32.msk $0xffff, v0  }
0x6d: {  	_ =	swait.ge [sflag:s10], $0x2800  }
0x6e: {  	[sflag:s10] =	ssyncset.done $0x0  }
0x6f: {  	[sflag:s10] =	ssyncadd.s32 $0xFFFFD800  }
0x70: {  	[spmem:s1] =	stream.indirect.scatter.add.f32 [tilespmem:s30], [sflag:$0x7], $0x80, s22, s29, $0xb8;
	[tilespmem:$0x1B400] =	vst v63  }
0x71: {  	s18 =	smov.u32 s6;
	_ =	swait.ge [sflag:s11], $0x2800  }
0x72: {  	s18 =	simm.s32 @p1 $0x0;
	s19 =	rddreg [dreg:$0x4]  }
0x73: {  	s17 =	sadd.s32 s18, s19  }
0x74: {  	[sflag:s11] =	ssyncset.done $0x0;
	s17 =	sshrl.u32 s17, $0x3  }
0x75: {  	[sflag:s11] =	ssyncadd.s32 $0xFFFFD800;
	s21 =	sadd.s32 s4, s17  }
0x76: {  	[tilespmem:s2], [sflag:$0x1] =	stream.linear.gather [hbm4b:s21+s2], $0x50, $0x38;
	[tilespmem:$0x1B400] =	vst v63  }
0x77: {  	s17 =	sadd.s32 s5, s17  }
0x78: {  	[tilespmem:s22], [sflag:$0x1] =	stream.linear.gather [hbm4b:s17+s2], $0x50, $0x38;
	[tilespmem:$0x1B400] =	vst v63  }
0x79: {  	_ =	swait.ge [sflag:s12], $0x50  }
0x7a: {  	[sflag:s12] =	ssyncset.done $0x0  }
0x7b: {  	[sflag:s12] =	ssyncadd.s32 $0xFFFFFFB0  }
0x7c: {  	_ =	swait.ge [sflag:s12], $0x50  }
0x7d: {  	[sflag:s12] =	ssyncset.done $0x0  }
0x7e: {  	[sflag:s12] =	ssyncadd.s32 $0xFFFFFFB0  }
0x7f: {  	[tilespmem:s30], [sflag:$0x5] =	stream.indirect.gather [hbm4b:s3+s29], $0x80, s25, s29, $0xb8;
	[tilespmem:$0x1B400] =	vst v63  }
0x80: {  	v1 =	vld [tilespmem:$0x280];
	_ =	sdelay $0x7  }
0x81: {  	[tilespmem:v1+s20+$0x0] =	vst.idx.add.f32.msk $0xffff, v0  }
0x82: {  	v1 =	vld [tilespmem:$0x290];
	_ =	sdelay $0x7  }
0x83: {  	[tilespmem:v1+s20+$0x0] =	vst.idx.add.f32.msk $0xffff, v0  }
0x84: {  	v1 =	vld [tilespmem:$0x2A0];
	_ =	sdelay $0x7  }
0x85: {  	[tilespmem:v1+s20+$0x0] =	vst.idx.add.f32.msk $0xffff, v0  }
0x86: {  	v1 =	vld [tilespmem:$0x2B0];
	_ =	sdelay $0x7  }
0x87: {  	[tilespmem:v1+s20+$0x0] =	vst.idx.add.f32.msk $0xffff, v0  }
0x88: {  	v1 =	vld [tilespmem:$0x2C0];
	_ =	sdelay $0x7  }
0x89: {  	[tilespmem:v1+s20+$0x0] =	vst.idx.add.f32.msk $0xffff, v0  }
0x8a: {  	_ =	swait.ge [sflag:s13], $0x2800  }
0x8b: {  	[sflag:s13] =	ssyncset.done $0x0  }
0x8c: {  	[sflag:s13] =	ssyncadd.s32 $0xFFFFD800  }
0x8d: {  	[spmem:s1] =	stream.indirect.scatter.add.f32 [tilespmem:s8], [sflag:$0x8], $0x80, s24, s29, $0xb8;
	[tilespmem:$0x1B400] =	vst v63  }
0x8e: {  	_ =	swait.ge [sflag:s14], $0x2800  }
0x8f: {  	p1 =	seq.s32 s6, $0x2580;
	s17 =	rddreg [dreg:$0x5]  }
0x90: {  	s17 =	sadd.s32 @!p1 s18, s17  }
0x91: {  	s19 =	simm.s32 @!p1 $0x0;
	[sflag:s14] =	ssyncset.done $0x0;
	s17 =	sshrl.u32 @!p1 s17, $0x3  }
0x92: {  	s21 =	simm.s32 @!p1 $0x100;
	[sflag:s14] =	ssyncadd.s32 $0xFFFFD800;
	s18 =	sadd.s32 @!p1 s4, s17  }
0x93: {  	[tilespmem:s21], [sflag:$0x2] =	stream.linear.gather @!p1 [hbm4b:s18+s19], $0x50, $0x38;
	[tilespmem:$0x1B400] =	vst v63  }
0x94: {  	s17 =	sadd.s32 @!p1 s5, s17;
	s18 =	simm.s32 @!p1 $0x180  }
0x95: {  	[tilespmem:s18], [sflag:$0x2] =	stream.linear.gather @!p1 [hbm4b:s17+s19], $0x50, $0x38;
	[tilespmem:$0x1B400] =	vst v63  }
0x96: {  	_ =	swait.ge [sflag:s15], $0x50  }
0x97: {  	[sflag:s15] =	ssyncset.done $0x0  }
0x98: {  	[sflag:s15] =	ssyncadd.s32 $0xFFFFFFB0  }
0x99: {  	_ =	swait.ge [sflag:s15], $0x50  }
0x9a: {  	[sflag:s15] =	ssyncset.done $0x0  }
0x9b: {  	[sflag:s15] =	ssyncadd.s32 $0xFFFFFFB0  }
0x9c: {  	[tilespmem:s8], [sflag:$0x6] =	stream.indirect.gather [hbm4b:s3+s29], $0x80, s31, s29, $0xb8;
	[tilespmem:$0x1B400] =	vst v63  }
0x9d: {  	v1 =	vld [tilespmem:$0x380];
	_ =	sdelay $0x7  }
0x9e: {  	[tilespmem:v1+s20+$0x0] =	vst.idx.add.f32.msk $0xffff, v0  }
0x9f: {  	v1 =	vld [tilespmem:$0x390];
	_ =	sdelay $0x7  }
0xa0: {  	[tilespmem:v1+s20+$0x0] =	vst.idx.add.f32.msk $0xffff, v0  }
0xa1: {  	v1 =	vld [tilespmem:$0x3A0];
	_ =	sdelay $0x7  }
0xa2: {  	[tilespmem:v1+s20+$0x0] =	vst.idx.add.f32.msk $0xffff, v0  }
0xa3: {  	v1 =	vld [tilespmem:$0x3B0];
	_ =	sdelay $0x7  }
0xa4: {  	[tilespmem:v1+s20+$0x0] =	vst.idx.add.f32.msk $0xffff, v0  }
0xa5: {  	v1 =	vld [tilespmem:$0x3C0];
	_ =	sdelay $0x5  }
0xa6: {  	s6 =	sadd.s32 $0x140, s6  }
0xa7: {  	p1 =	sne.s32 s6, $0x26C0  }
.Ltmp0:
0xa8: {  	[tilespmem:v1+s20+$0x0] =	vst.idx.add.f32.msk $0xffff, v0;
	(pc) =	sbr.rel @p1 .LBB2_2-.Ltmp0, $4  }
0xa9: {  	_ =	swait.ge [sflag:s10], $0x2800  }
0xaa: {  	[sflag:s10] =	ssyncset.done $0x0  }
0xab: {  	[sflag:s10] =	ssyncadd.s32 $0xFFFFD800  }
0xac: {  	[spmem:s1] =	stream.indirect.scatter.add.f32 [tilespmem:s30], [sflag:$0x7], $0x80, s26, s29, $0xb8;
	[tilespmem:$0x1B400] =	vst v63  }
0xad: {  	_ =	swait.ge [sflag:s11], $0x2800  }
0xae: {  	[sflag:s11] =	ssyncset.done $0x0  }
0xaf: {  	[sflag:s11] =	ssyncadd.s32 $0xFFFFD800  }
0xb0: {  	_ =	swait.ge [sflag:s28], $0x50  }
0xb1: {  	[sflag:s28] =	ssyncset.done $0x0  }
0xb2: {  	[sflag:s28] =	ssyncadd.s32 $0xFFFFFFB0  }
0xb3: {  	_ =	swait.ge [sflag:s28], $0x50  }
0xb4: {  	[sflag:s28] =	ssyncset.done $0x0  }
0xb5: {  	[sflag:s28] =	ssyncadd.s32 $0xFFFFFFB0  }
0xb6: {  	[tilespmem:s30], [sflag:$0x5] =	stream.indirect.gather [hbm4b:s3+s29], $0x80, s2, s29, $0xb8;
	[tilespmem:$0x1B400] =	vst v63  }
0xb7: {  	v1 =	vld [tilespmem:$0x80];
	_ =	sdelay $0x7  }
0xb8: {  	[tilespmem:v1+s20+$0x0] =	vst.idx.add.f32.msk $0xffff, v0  }
0xb9: {  	v1 =	vld [tilespmem:$0x90];
	_ =	sdelay $0x7  }
0xba: {  	[tilespmem:v1+s20+$0x0] =	vst.idx.add.f32.msk $0xffff, v0  }
0xbb: {  	v1 =	vld [tilespmem:$0xA0];
	_ =	sdelay $0x7  }
0xbc: {  	[tilespmem:v1+s20+$0x0] =	vst.idx.add.f32.msk $0xffff, v0  }
0xbd: {  	v1 =	vld [tilespmem:$0xB0];
	_ =	sdelay $0x7  }
0xbe: {  	[tilespmem:v1+s20+$0x0] =	vst.idx.add.f32.msk $0xffff, v0  }
0xbf: {  	v1 =	vld [tilespmem:$0xC0];
	_ =	sdelay $0x7  }
0xc0: {  	[tilespmem:v1+s20+$0x0] =	vst.idx.add.f32.msk $0xffff, v0  }
0xc1: {  	_ =	swait.ge [sflag:s13], $0x2800  }
0xc2: {  	[sflag:s13] =	ssyncset.done $0x0  }
0xc3: {  	[sflag:s13] =	ssyncadd.s32 $0xFFFFD800  }
0xc4: {  	[spmem:s1] =	stream.indirect.scatter.add.f32 [tilespmem:s8], [sflag:$0x8], $0x80, s0, s29, $0xb8;
	[tilespmem:$0x1B400] =	vst v63  }
0xc5: {  	_ =	swait.ge [sflag:s10], $0x2800  }
0xc6: {  	[sflag:s10] =	ssyncset.done $0x0  }
0xc7: {  	[sflag:s10] =	ssyncadd.s32 $0xFFFFD800  }
0xc8: {  	[spmem:s1] =	stream.indirect.scatter.add.f32 [tilespmem:s30], [sflag:$0x7], $0x80, s22, s29, $0xb8;
	[tilespmem:$0x1B400] =	vst v63  }
0xc9: {  	_ =	swait.ge [sflag:s11], $0x2800  }
0xca: {  	[sflag:s11] =	ssyncset.done $0x0  }
0xcb: {  	[sflag:s11] =	ssyncadd.s32 $0xFFFFD800  }
0xcc: {  	_ =	swait.ge [sflag:s14], $0x2800  }
0xcd: {  	[sflag:s14] =	ssyncset.done $0x0  }
0xce: {  	[sflag:s14] =	ssyncadd.s32 $0xFFFFD800  }
0xcf: {  	[bflag:$0x0] =	sbarrier.arrive $0xFFFF  }
0xd0: {  	s6 =	rddreg [dreg:$0xe]  }
0xd1: {  	s17 =	rddreg [dreg:$0x12]  }
0xd2: {  	s18 =	rddreg [dreg:$0x14]  }
0xd3: {  	[hbm:s6], [sflag:s17] =	dma.local [spmem:s18], $0x2700  }
0xd4: {  	s18 =	simm.s32 $0x9  }
0xd5: {  	_ =	swait.ge [sflag:s18], $0x2700  }
0xd6: {  	[sflag:s18] =	ssyncset.done $0x0  }
0xd7: {  	s19 =	rddreg [dreg:$0xf];
	[sflag:s18] =	ssyncadd.s32 $0xFFFFD900  }
0xd8: {  	[hbm4b:s19+s2] =	stream.linear.scatter [tilespmem:s20], [sflag:$0x9], $0x2780, $0x38;
	[tilespmem:$0x1B400] =	vst v63  }
0xd9: {  	_ =	swait.ge [sflag:s18], $0x2780  }
0xda: {  	[sflag:s18] =	ssyncset.done $0x0;
	s6 =	rddreg [dreg:$0x10]  }
0xdb: {  	s19 =	rddreg [dreg:$0x13];
	[sflag:s18] =	ssyncadd.s32 $0xFFFFD880  }
0xdc: {  	[hbm:s6], [sflag:s17] =	dma.local @!p0 [spmem:s19], $0x100  }
0xdd: {  	s6 =	simm.s32 @!p0 $0x9  }
0xde: {  	_ =	swait.ge @!p0 [sflag:s6], $0x100  }
0xdf: {  	s16 =	sadd.s32 $0x1, s16;
	s21 =	rddreg [dreg:$0x11]  }
0xe0: {  	p1 =	sne.s32 s16, s21  }
.Ltmp1:
0xe1: {  	_ = 	snop;
	(pc) =	sbr.rel @p1 .LBB2_1-.Ltmp1, $3  }
0xe2: {  	_ =	sdelay $0x1  }
0xe3: {  	[sflag:s6] =	ssyncset.done @!p0 $0x0  }
0xe4: {  	[sflag:s6] =	ssyncadd.s32 @!p0 $0xFFFFFF00  }
0xe5: {  	_ =	sfence.sel $0x180000  }
0xe6: {  	[bflag:$0x0] =	sbarrier.arrive $0xFFFF  }
0xe7: {  	_ =	strace $0x90000047  }
0xe8: {  	[bflag:$0x2] =	sbarrier.arrive $0xFFFF  }
0xe9: {  	s0 =	rddreg [dreg:$0x3]  }
0xea: {  	s0 =	sadd.s32 @!p0 $0x100000, s0  }
0xeb: {  	[sflag:s0] =	ssyncadd.tile.s32 @!p0 $0x1;
	_ =	shalt  }
.Lfunc_end2:
_tile_overlayer_lowered:
.L_overlay_start_2:
0xec: {  	(tag) =	ssettag $0x2  }
0xed: {  	s0 =	rddreg [dreg:$0x0];
	s2 =	stileid.u32  }
0xee: {  	s1 =	rddreg [dreg:$0x1];
	p0 =	sne.s32 s2, $0x0  }
0xef: {  	s3 =	rddreg [dreg:$0x2];
	[bflag:$0x3] =	sbarrier.arrive $0xFFFF;
	s2 =	simm.s32 @!p0 $0x1C09  }
0xf0: {  	[timem:s3], [sflag:s2] =	dma.local @!p0 [hbm:s0], s1  }
0xf1: {  	s0 =	simm.s32 @!p0 $0x9  }
0xf2: {  	_ =	swait.ge @!p0 [sflag:s0], s1  }
0xf3: {  	s1 =	ssub.s32 @!p0 $0x0, s1;
	[sflag:s0] =	ssyncset.done @!p0 $0x0  }
0xf4: {  	[sflag:s0] =	ssyncadd.s32 @!p0 s1  }
0xf5: {  	[bflag:$0x3] =	sbarrier.arrive $0xFFFF  }
0xf6: {  	_ =	shalt  }

</sc_bundles>
